<compile_context>
chip_gen: v7x
topology: tpu7x:2x2x1
jax: 0.10.2.dev20260603
libtpu: 0.0.44.dev20260713+nightly
codegen_flags: <defaults>
</compile_context>

<pallas_src>
import jax
import jax.numpy as jnp
from jax import lax
from jax.experimental import pallas as pl
from jax.experimental.pallas import tpu as pltpu
from jax.experimental.pallas import tpu_sc as plsc

NC = 2
NS = 16
L = 16
NW = NC * NS
T = 409600
NUM_ENT = 1000000
NUM_REL = 1000
NB = 8192
D = 64
PD = 128
EPW = T // NS
WIN = 128
NWIN = EPW // WIN
RPT = NB // NS
NSLOT = 4

_MESH = plsc.VectorSubcoreMesh(
    core_axis_name="c", subcore_axis_name="s", num_cores=NC, num_subcores=NS
)


def _sc_body(ids_hbm, off_hbm, ents_hbm, etab_hbm, rtab_hbm,
             acc_out, emb_out,
             acc_sh, offs_v, seg_v, ids_v, erows_v, nids_v, gsem, ssem):
    cid = lax.axis_index("c")
    sid = lax.axis_index("s")
    wid = cid * NS + sid
    lo = sid * EPW

    pltpu.sync_copy(off_hbm, offs_v)
    pltpu.sync_copy(ids_hbm.at[cid, sid], ids_v)
    pltpu.sync_copy(ents_hbm.at[cid, sid], nids_v)

    zi = jnp.zeros((L,), jnp.int32)
    zf = jnp.zeros((L,), jnp.float32)
    CPR = WIN // L

    @pl.loop(0, EPW // L)
    def _(i):
        seg_v[i // CPR, pl.ds((i % CPR) * L, L)] = zi

    @pl.loop(0, WIN * D // L)
    def _(i):
        erows_v[0, i // (D // L), pl.ds((i % (D // L)) * L, L)] = zf

    for j in range(RPT // WIN):
        r0 = sid * RPT + j * WIN
        pltpu.sync_copy(erows_v.at[0], acc_sh.at[pl.ds(r0, WIN)])

    ones = jnp.ones((L,), jnp.int32)

    def _scatter_offsets(k, carry):
        v = offs_v[pl.ds(k * L, L)]
        rel = v - lo
        m_in = (rel >= 0) & (rel < EPW)
        plsc.addupdate_scatter(seg_v, [rel // WIN, rel % WIN], ones, mask=m_in)
        return carry + jnp.where(v < lo, 1, 0)

    lt_lanes = lax.fori_loop(0, NB // L, _scatter_offsets,
                             jnp.zeros((L,), jnp.int32))
    c0 = jnp.sum(lt_lanes)

    def _cumsum_row(j, carry):
        v = seg_v[j // CPR, pl.ds((j % CPR) * L, L)]
        c = plsc.cumsum(v) + carry
        seg_v[j // CPR, pl.ds((j % CPR) * L, L)] = c
        return jnp.max(c)

    lax.fori_loop(0, EPW // L, _cumsum_row, c0 - 1)

    plsc.subcore_barrier()

    def _edge_loop(tab_hbm):
        for b in range(NSLOT):
            pltpu.async_copy(tab_hbm.at[ids_v.at[b]], erows_v.at[b],
                             gsem.at[b])

        @pl.loop(0, NWIN // NSLOT)
        def _(g):
            for b in range(NSLOT):
                w = g * NSLOT + b
                src = erows_v.at[b]
                pltpu.make_async_copy(tab_hbm.at[ids_v.at[w]],
                                      erows_v.at[b], gsem.at[b]).wait()
                pltpu.async_copy(src, acc_sh.at[seg_v.at[w]],
                                 ssem.at[b], add=True)
                pltpu.make_async_copy(src, acc_sh.at[seg_v.at[w]],
                                      ssem.at[b]).wait()

                @pl.when(g < NWIN // NSLOT - 1)
                def _():
                    pltpu.async_copy(tab_hbm.at[ids_v.at[w + NSLOT]],
                                     erows_v.at[b], gsem.at[b])

    @pl.when(cid == 0)
    def _():
        _edge_loop(etab_hbm)

    @pl.when(cid == 1)
    def _():
        _edge_loop(rtab_hbm)

    for j in range(NB // NW // WIN):
        pltpu.sync_copy(etab_hbm.at[nids_v.at[j]], erows_v.at[0])
        pltpu.sync_copy(erows_v.at[0],
                        emb_out.at[pl.ds(wid * (NB // NW) + j * WIN, WIN)])

    plsc.subcore_barrier()
    for j in range(RPT // WIN):
        r0 = sid * RPT + j * WIN
        pltpu.sync_copy(acc_sh.at[pl.ds(r0, WIN)], acc_out.at[cid, pl.ds(r0, WIN)])


_sc_call = pl.kernel(
    _sc_body,
    out_type=(
        jax.ShapeDtypeStruct((NC, NB, D), jnp.float32),
        jax.ShapeDtypeStruct((NB, D), jnp.float32),
    ),
    mesh=_MESH,
    compiler_params=pltpu.CompilerParams(
        needs_layout_passes=False, use_tc_tiling_on_sc=False
    ),
    scratch_types=[
        pltpu.VMEM_SHARED((NB, D), jnp.float32),
        pltpu.VMEM((NB,), jnp.int32),
        pltpu.VMEM((NWIN, WIN), jnp.int32),
        pltpu.VMEM((NWIN, WIN), jnp.int32),
        pltpu.VMEM((NSLOT, WIN, D), jnp.float32),
        pltpu.VMEM((NB // NW // WIN, WIN), jnp.int32),
        pltpu.SemaphoreType.DMA((NSLOT,)),
        pltpu.SemaphoreType.DMA((NSLOT,)),
    ],
)


def _tcT_body(xt, eye, out):
    y = xt[...].T
    out[...] = jnp.concatenate([y, jnp.zeros_like(y)], axis=1)


def _pad_rows(table, nrows, bct):
    tT = table.T
    eye = jnp.eye(D, dtype=jnp.float32)
    return pl.pallas_call(
        _tcT_body,
        grid=(pl.cdiv(nrows, bct),),
        in_specs=[
            pl.BlockSpec((D, bct), lambda i: (0, i)),
            pl.BlockSpec((D, D), lambda i: (0, 0)),
        ],
        out_specs=pl.BlockSpec((bct, PD), lambda i: (i, 0)),
        out_shape=jax.ShapeDtypeStruct((nrows, PD), jnp.float32),
    )(tT, eye)


def _tc1_body(acc_e, acc_r, emb, olo, ohi, wt, wne, wnr, bt, bn, node_out):
    cnt = (ohi[...] - olo[...]).astype(jnp.float32)
    inv = 1.0 / jnp.maximum(cnt, 1.0)
    bag_e = acc_e[...] * inv
    bag_r = acc_r[...] * inv
    dn = (((1,), (1,)), ((), ()))
    ent_trans = lax.dot_general(emb[...], wt[...], dn,
                                precision=lax.Precision.HIGHEST,
                                preferred_element_type=jnp.float32)
    neigh = (lax.dot_general(bag_e, wne[...], dn,
                             precision=lax.Precision.HIGHEST,
                             preferred_element_type=jnp.float32)
             + lax.dot_general(bag_r, wnr[...], dn,
                               precision=lax.Precision.HIGHEST,
                               preferred_element_type=jnp.float32))
    node_out[...] = jnp.maximum(ent_trans + neigh + bt[...] + bn[...], 0.0)


def _tc2_body(node2, wr, br, pair_out):
    dn = (((1,), (1,)), ((), ()))
    pair = lax.dot_general(node2[...], wr[...], dn,
                           precision=lax.Precision.HIGHEST,
                           preferred_element_type=jnp.float32)
    pair_out[...] = jnp.maximum(pair + br[...], 0.0)


def kernel(entities, neighbor_entities, neighbor_relations, offsets,
           entity_table, relation_table, W_t, b_t, W_n, b_n, W_r, b_r):
    entities = (entities.astype(jnp.int32) * 2).reshape(
        NC, NS, NB // NW // WIN, WIN)
    ne = neighbor_entities.astype(jnp.int32) * 2
    nr = neighbor_relations.astype(jnp.int32) * 2
    ids = jnp.stack([ne.reshape(NS, NWIN, WIN), nr.reshape(NS, NWIN, WIN)])
    offsets = offsets.astype(jnp.int32)

    etab2 = _pad_rows(entity_table, NUM_ENT, 4096).reshape(2 * NUM_ENT, D)
    rtab2 = _pad_rows(relation_table, NUM_REL, 1000).reshape(2 * NUM_REL, D)

    acc, emb = _sc_call(ids, offsets, entities, etab2, rtab2)
    acc_e = acc[0]
    acc_r = acc[1]

    olo = offsets.reshape(NB, 1)
    ohi = jnp.concatenate([offsets[1:], jnp.full((1,), T, jnp.int32)]).reshape(NB, 1)
    wne = W_n[:, :D]
    wnr = W_n[:, D:]

    BR1 = 1024
    node = pl.pallas_call(
        _tc1_body,
        grid=(NB // BR1,),
        in_specs=[
            pl.BlockSpec((BR1, D), lambda i: (i, 0)),
            pl.BlockSpec((BR1, D), lambda i: (i, 0)),
            pl.BlockSpec((BR1, D), lambda i: (i, 0)),
            pl.BlockSpec((BR1, 1), lambda i: (i, 0)),
            pl.BlockSpec((BR1, 1), lambda i: (i, 0)),
            pl.BlockSpec((2 * D, D), lambda i: (0, 0)),
            pl.BlockSpec((2 * D, D), lambda i: (0, 0)),
            pl.BlockSpec((2 * D, D), lambda i: (0, 0)),
            pl.BlockSpec((1, 2 * D), lambda i: (0, 0)),
            pl.BlockSpec((1, 2 * D), lambda i: (0, 0)),
        ],
        out_specs=pl.BlockSpec((BR1, 2 * D), lambda i: (i, 0)),
        out_shape=jax.ShapeDtypeStruct((NB, 2 * D), jnp.float32),
    )(acc_e, acc_r, emb, olo, ohi, W_t, wne, wnr,
      b_t.reshape(1, 2 * D), b_n.reshape(1, 2 * D))

    node2 = node.reshape(NB // 2, 4 * D)
    BR2 = 1024
    pair = pl.pallas_call(
        _tc2_body,
        grid=(NB // 2 // BR2,),
        in_specs=[
            pl.BlockSpec((BR2, 4 * D), lambda i: (i, 0)),
            pl.BlockSpec((2 * D, 4 * D), lambda i: (0, 0)),
            pl.BlockSpec((1, 2 * D), lambda i: (0, 0)),
        ],
        out_specs=pl.BlockSpec((BR2, 2 * D), lambda i: (i, 0)),
        out_shape=jax.ShapeDtypeStruct((NB // 2, 2 * D), jnp.float32),
    )(node2, W_r, b_r.reshape(1, 2 * D))
    return pair

# --- scband reference (transcript-rebuilt; emitter-appended) ---
"""Pipeline reference for scband-summary-62594853372413 (READ-ONLY COPY).

The authoritative reference and input builder live on the scoring server;
editing this copy changes nothing except your own understanding.
"""

import jax, jax.numpy as jnp
import numpy as np

B = 4096            # support pairs
N_NODES = 2 * B     # entities (2 per pair)
NUM_ENT = 1000000
NUM_REL = 1000
D = 64              # embed_size
H = 128             # hidden_size
AVG_NEIGH = 50
T = N_NODES * AVG_NEIGH  # 409600 total neighbor edges


def setup_inputs(seed: int = 0) -> dict:
    key = jax.random.key(seed)
    ks = jax.random.split(key, 12)
    entities = jax.random.randint(ks[0], (N_NODES,), 0, NUM_ENT)
    neighbor_entities = jax.random.randint(ks[1], (T,), 0, NUM_ENT)
    neighbor_relations = jax.random.randint(ks[2], (T,), 0, NUM_REL)
    offsets = jnp.sort(jax.random.randint(ks[3], (N_NODES,), 0, T))
    offsets = offsets.at[0].set(0)  # embedding_bag requires offsets[0] == 0
    entity_table = jax.random.normal(ks[4], (NUM_ENT, D), dtype=jnp.float32) * 0.02
    relation_table = jax.random.normal(ks[5], (NUM_REL, D), dtype=jnp.float32) * 0.02
    W_t = jax.random.normal(ks[6], (H, D), dtype=jnp.float32) * 0.05
    b_t = jnp.zeros((H,), dtype=jnp.float32)
    W_n = jax.random.normal(ks[7], (H, 2 * D), dtype=jnp.float32) * 0.05
    b_n = jnp.zeros((H,), dtype=jnp.float32)
    W_r = jax.random.normal(ks[8], (H, 2 * H), dtype=jnp.float32) * 0.05
    b_r = jnp.zeros((H,), dtype=jnp.float32)
    return {
        'entities': entities,
        'neighbor_entities': neighbor_entities,
        'neighbor_relations': neighbor_relations,
        'offsets': offsets,
        'entity_table': entity_table,
        'relation_table': relation_table,
        'W_t': W_t, 'b_t': b_t,
        'W_n': W_n, 'b_n': b_n,
        'W_r': W_r, 'b_r': b_r,
    }


def reference(entities, neighbor_entities, neighbor_relations, offsets,
              entity_table, relation_table, W_t, b_t, W_n, b_n, W_r, b_r):
    num_bags = offsets.shape[0]
    Tn = neighbor_entities.shape[0]
    # segment id per neighbor element, from offsets (embedding_bag semantics)
    seg = jnp.searchsorted(offsets, jnp.arange(Tn), side='right') - 1
    # self.entity_embeddings(entities) -> transform_layer
    ent_emb = jnp.take(entity_table, entities, axis=0)
    ent_trans = ent_emb @ W_t.T + b_t
    # embedding_bag(mean) over neighbor entity / relation embeddings
    ne = jnp.take(entity_table, neighbor_entities, axis=0)
    nr = jnp.take(relation_table, neighbor_relations, axis=0)
    sum_e = jax.ops.segment_sum(ne, seg, num_segments=num_bags)
    sum_r = jax.ops.segment_sum(nr, seg, num_segments=num_bags)
    cnt = jax.ops.segment_sum(jnp.ones((Tn,), jnp.float32), seg, num_segments=num_bags)
    denom = jnp.maximum(cnt, 1.0)[:, None]
    bag_e = sum_e / denom
    bag_r = sum_r / denom
    # neighbor_layer on concat
    neigh = jnp.concatenate([bag_e, bag_r], axis=-1) @ W_n.T + b_n
    # node_activation(entity + neighbor)
    node = jax.nn.relu(ent_trans + neigh)
    node = node.reshape(num_bags // 2, 2 * node.shape[-1])
    # relation_layer + relu -> pair embeddings (predict=False branch)
    pair = jax.nn.relu(node @ W_r.T + b_r)
    return pair

if __name__ == "__main__":
    import jax
    _d = setup_inputs()
    print(jax.jit(kernel)(*tuple(_d.values())))

</pallas_src>

<mosaic_0001>
#map = affine_map<(d0, d1) -> (0, 0, 0, 0)>
#map1 = affine_map<(d0, d1) -> (0)>
#map2 = affine_map<(d0, d1) -> (0, 0)>
#map3 = affine_map<(d0, d1) -> (0, 0, 0)>
module attributes {stable_mosaic.version = 14 : i64} {
  func.func @_sc_body(%arg0: i32, %arg1: i32, %arg2: memref<2x16x200x128xi32, #tpu.memory_space<hbm>>, %arg3: memref<8192xi32, #tpu.memory_space<hbm>>, %arg4: memref<2x16x2x128xi32, #tpu.memory_space<hbm>>, %arg5: memref<2000000x64xf32, #tpu.memory_space<hbm>>, %arg6: memref<2000x64xf32, #tpu.memory_space<hbm>>, %arg7: memref<2x8192x64xf32, #tpu.memory_space<hbm>>, %arg8: memref<8192x64xf32, #tpu.memory_space<hbm>>, %arg9: memref<8192x64xf32, #tpu.memory_space<vmem_shared>>, %arg10: memref<8192xi32, #tpu.memory_space<vmem>>, %arg11: memref<200x128xi32, #tpu.memory_space<vmem>>, %arg12: memref<200x128xi32, #tpu.memory_space<vmem>>, %arg13: memref<4x128x64xf32, #tpu.memory_space<vmem>>, %arg14: memref<2x128xi32, #tpu.memory_space<vmem>>, %arg15: memref<4x!tpu.dma_semaphore, #tpu.memory_space<semaphore_mem>>, %arg16: memref<4x!tpu.dma_semaphore, #tpu.memory_space<semaphore_mem>>) attributes {dimension_semantics = [#tpu.dimension_semantics<core_parallel>, #tpu.dimension_semantics<subcore_parallel>], iteration_bounds = array<i64: 2, 16>, scalar_prefetch = 0 : i64, scratch_operands = 8 : i64, tpu.core_type = #tpu.core_type<sc_vector_subcore>, window_params = [{transform_indices = #map}, {transform_indices = #map1}, {transform_indices = #map}, {transform_indices = #map2}, {transform_indices = #map2}, {transform_indices = #map3}, {transform_indices = #map2}]} {
    %mul3A = arith.constant 16 : i32
    %mul3A_0 = arith.muli %arg0, %mul3A : i32
    %add3A = arith.addi %mul3A_0, %arg1 : i32
    %mul3A_1 = arith.constant 25600 : i32
    %mul3A_2 = arith.muli %arg1, %mul3A_1 : i32
    "tpu.region"() ({
      %run_scoped3A_92 = tpu.sem_alloc : memref<!tpu.dma_semaphore, #tpu.memory_space<semaphore_mem>>
      tpu.enqueue_dma source(%arg3 : memref<8192xi32, #tpu.memory_space<hbm>>) target(%arg10 : memref<8192xi32, #tpu.memory_space<vmem>>) target_semaphore(%run_scoped3A_92 : memref<!tpu.dma_semaphore, #tpu.memory_space<semaphore_mem>>)
      tpu.wait_dma2 semaphore(%run_scoped3A_92 : memref<!tpu.dma_semaphore, #tpu.memory_space<semaphore_mem>>) src(%arg3 : memref<8192xi32, #tpu.memory_space<hbm>>) dst(%arg10 : memref<8192xi32, #tpu.memory_space<vmem>>)
      tpu.yield
    }) : () -> ()
    "tpu.region"() ({
      %run_scoped3A_92 = tpu.sem_alloc : memref<!tpu.dma_semaphore, #tpu.memory_space<semaphore_mem>>
      %dma_start3A = arith.constant 0 : i32
      %dma_start3A_93 = arith.constant 0 : i32
      %dma_start3A_94 = tpu.memref_slice %arg2[%arg0, %arg1, %dma_start3A, %dma_start3A_93] : memref<2x16x200x128xi32, #tpu.memory_space<hbm>> -> memref<1x1x200x128xi32, #tpu.memory_space<hbm>>
      %dma_start3A_95 = tpu.memref_squeeze %dma_start3A_94 : memref<1x1x200x128xi32, #tpu.memory_space<hbm>> -> memref<200x128xi32, #tpu.memory_space<hbm>>
      %dma_start3A_96 = arith.constant 0 : i32
      %dma_start3A_97 = arith.constant 0 : i32
      %dma_start3A_98 = tpu.memref_slice %arg2[%arg0, %arg1, %dma_start3A_96, %dma_start3A_97] : memref<2x16x200x128xi32, #tpu.memory_space<hbm>> -> memref<1x1x200x128xi32, #tpu.memory_space<hbm>>
      %dma_start3A_99 = tpu.memref_squeeze %dma_start3A_98 : memref<1x1x200x128xi32, #tpu.memory_space<hbm>> -> memref<200x128xi32, #tpu.memory_space<hbm>>
      tpu.enqueue_dma source(%dma_start3A_99 : memref<200x128xi32, #tpu.memory_space<hbm>>) target(%arg12 : memref<200x128xi32, #tpu.memory_space<vmem>>) target_semaphore(%run_scoped3A_92 : memref<!tpu.dma_semaphore, #tpu.memory_space<semaphore_mem>>)
      %dma_wait3A = arith.constant 0 : i32
      %dma_wait3A_100 = arith.constant 0 : i32
      %dma_wait3A_101 = tpu.memref_slice %arg2[%arg0, %arg1, %dma_wait3A, %dma_wait3A_100] : memref<2x16x200x128xi32, #tpu.memory_space<hbm>> -> memref<1x1x200x128xi32, #tpu.memory_space<hbm>>
      %dma_wait3A_102 = tpu.memref_squeeze %dma_wait3A_101 : memref<1x1x200x128xi32, #tpu.memory_space<hbm>> -> memref<200x128xi32, #tpu.memory_space<hbm>>
      %dma_wait3A_103 = arith.constant 0 : i32
      %dma_wait3A_104 = arith.constant 0 : i32
      %dma_wait3A_105 = tpu.memref_slice %arg2[%arg0, %arg1, %dma_wait3A_103, %dma_wait3A_104] : memref<2x16x200x128xi32, #tpu.memory_space<hbm>> -> memref<1x1x200x128xi32, #tpu.memory_space<hbm>>
      %dma_wait3A_106 = tpu.memref_squeeze %dma_wait3A_105 : memref<1x1x200x128xi32, #tpu.memory_space<hbm>> -> memref<200x128xi32, #tpu.memory_space<hbm>>
      tpu.wait_dma2 semaphore(%run_scoped3A_92 : memref<!tpu.dma_semaphore, #tpu.memory_space<semaphore_mem>>) src(%dma_wait3A_106 : memref<200x128xi32, #tpu.memory_space<hbm>>) dst(%arg12 : memref<200x128xi32, #tpu.memory_space<vmem>>)
      tpu.yield
    }) : () -> ()
    "tpu.region"() ({
      %run_scoped3A_92 = tpu.sem_alloc : memref<!tpu.dma_semaphore, #tpu.memory_space<semaphore_mem>>
      %dma_start3A = arith.constant 0 : i32
      %dma_start3A_93 = arith.constant 0 : i32
      %dma_start3A_94 = tpu.memref_slice %arg4[%arg0, %arg1, %dma_start3A, %dma_start3A_93] : memref<2x16x2x128xi32, #tpu.memory_space<hbm>> -> memref<1x1x2x128xi32, #tpu.memory_space<hbm>>
      %dma_start3A_95 = tpu.memref_squeeze %dma_start3A_94 : memref<1x1x2x128xi32, #tpu.memory_space<hbm>> -> memref<2x128xi32, #tpu.memory_space<hbm>>
      %dma_start3A_96 = arith.constant 0 : i32
      %dma_start3A_97 = arith.constant 0 : i32
      %dma_start3A_98 = tpu.memref_slice %arg4[%arg0, %arg1, %dma_start3A_96, %dma_start3A_97] : memref<2x16x2x128xi32, #tpu.memory_space<hbm>> -> memref<1x1x2x128xi32, #tpu.memory_space<hbm>>
      %dma_start3A_99 = tpu.memref_squeeze %dma_start3A_98 : memref<1x1x2x128xi32, #tpu.memory_space<hbm>> -> memref<2x128xi32, #tpu.memory_space<hbm>>
      tpu.enqueue_dma source(%dma_start3A_99 : memref<2x128xi32, #tpu.memory_space<hbm>>) target(%arg14 : memref<2x128xi32, #tpu.memory_space<vmem>>) target_semaphore(%run_scoped3A_92 : memref<!tpu.dma_semaphore, #tpu.memory_space<semaphore_mem>>)
      %dma_wait3A = arith.constant 0 : i32
      %dma_wait3A_100 = arith.constant 0 : i32
      %dma_wait3A_101 = tpu.memref_slice %arg4[%arg0, %arg1, %dma_wait3A, %dma_wait3A_100] : memref<2x16x2x128xi32, #tpu.memory_space<hbm>> -> memref<1x1x2x128xi32, #tpu.memory_space<hbm>>
      %dma_wait3A_102 = tpu.memref_squeeze %dma_wait3A_101 : memref<1x1x2x128xi32, #tpu.memory_space<hbm>> -> memref<2x128xi32, #tpu.memory_space<hbm>>
      %dma_wait3A_103 = arith.constant 0 : i32
      %dma_wait3A_104 = arith.constant 0 : i32
      %dma_wait3A_105 = tpu.memref_slice %arg4[%arg0, %arg1, %dma_wait3A_103, %dma_wait3A_104] : memref<2x16x2x128xi32, #tpu.memory_space<hbm>> -> memref<1x1x2x128xi32, #tpu.memory_space<hbm>>
      %dma_wait3A_106 = tpu.memref_squeeze %dma_wait3A_105 : memref<1x1x2x128xi32, #tpu.memory_space<hbm>> -> memref<2x128xi32, #tpu.memory_space<hbm>>
      tpu.wait_dma2 semaphore(%run_scoped3A_92 : memref<!tpu.dma_semaphore, #tpu.memory_space<semaphore_mem>>) src(%dma_wait3A_106 : memref<2x128xi32, #tpu.memory_space<hbm>>) dst(%arg14 : memref<2x128xi32, #tpu.memory_space<vmem>>)
      tpu.yield
    }) : () -> ()
    %broadcast_in_dim3A = arith.constant 0 : i32
    %broadcast_in_dim3A_3 = vector.broadcast %broadcast_in_dim3A : i32 to vector<16xi32>
    %broadcast_in_dim3A_4 = arith.constant 0.000000e+00 : f32
    %broadcast_in_dim3A_5 = vector.broadcast %broadcast_in_dim3A_4 : f32 to vector<16xf32>
    %scan3A = arith.constant 0 : i32
    %scan3A_6 = arith.constant 1600 : i32
    %scan3A_7 = arith.addi %scan3A, %scan3A_6 : i32
    %scan3A_8 = arith.constant 1 : i32
    scf.for %scan3A_92 = %scan3A to %scan3A_7 step %scan3A_8  : i32 {
      %mul3A_93 = arith.constant 1 : i32
      %mul3A_94 = arith.muli %scan3A_92, %mul3A_93 : i32
      %add3A_95 = arith.constant 0 : i32
      %add3A_96 = arith.addi %add3A_95, %mul3A_94 : i32
      %jit3A = arith.constant 8 : i32
      %div3A = arith.divsi %add3A_96, %jit3A : i32
      %sign3A = arith.constant 0 : i32
      %sign3A_97 = arith.cmpi sgt, %add3A_96, %sign3A : i32
      %sign3A_98 = arith.extui %sign3A_97 : i1 to i32
      %sign3A_99 = arith.constant 0 : i32
      %sign3A_100 = arith.cmpi slt, %add3A_96, %sign3A_99 : i32
      %sign3A_101 = arith.extui %sign3A_100 : i1 to i32
      %sign3A_102 = arith.subi %sign3A_98, %sign3A_101 : i32
      %sign3A_103 = arith.constant 0 : i32
      %sign3A_104 = arith.cmpi sgt, %jit3A, %sign3A_103 : i32
      %sign3A_105 = arith.extui %sign3A_104 : i1 to i32
      %sign3A_106 = arith.constant 0 : i32
      %sign3A_107 = arith.cmpi slt, %jit3A, %sign3A_106 : i32
      %sign3A_108 = arith.extui %sign3A_107 : i1 to i32
      %sign3A_109 = arith.subi %sign3A_105, %sign3A_108 : i32
      %ne3A = arith.cmpi ne, %sign3A_102, %sign3A_109 : i32
      %rem3A = arith.remsi %add3A_96, %jit3A : i32
      %ne3A_110 = arith.constant 0 : i32
      %ne3A_111 = arith.cmpi ne, %rem3A, %ne3A_110 : i32
      %and3A = arith.andi %ne3A, %ne3A_111 : i1
      %sub3A_112 = arith.constant 1 : i32
      %sub3A_113 = arith.subi %div3A, %sub3A_112 : i32
      %select_n3A = arith.select %and3A, %sub3A_113, %div3A : i32
      %jit3A_114 = arith.constant 8 : i32
      %eq3A_115 = arith.constant 0 : i32
      %eq3A_116 = arith.cmpi eq, %jit3A_114, %eq3A_115 : i32
      %jit3A_117 = arith.constant 1 : i32
      %select_n3A_118 = arith.select %eq3A_116, %jit3A_117, %jit3A_114 : i32
      %rem3A_119 = arith.remsi %add3A_96, %select_n3A_118 : i32
      %ne3A_120 = arith.constant 0 : i32
      %ne3A_121 = arith.cmpi ne, %rem3A_119, %ne3A_120 : i32
      %lt3A = arith.constant 0 : i32
      %lt3A_122 = arith.cmpi slt, %rem3A_119, %lt3A : i32
      %lt3A_123 = arith.constant 0 : i32
      %lt3A_124 = arith.cmpi slt, %select_n3A_118, %lt3A_123 : i32
      %ne3A_125 = arith.xori %lt3A_122, %lt3A_124 : i1
      %and3A_126 = arith.andi %ne3A_125, %ne3A_121 : i1
      %add3A_127 = arith.addi %rem3A_119, %select_n3A_118 : i32
      %select_n3A_128 = arith.select %and3A_126, %add3A_127, %rem3A_119 : i32
      %mul3A_129 = arith.constant 16 : i32
      %mul3A_130 = arith.muli %select_n3A_128, %mul3A_129 : i32
      %swap3A = arith.index_cast %select_n3A : i32 to index
      %swap3A_131 = arith.index_cast %mul3A_130 : i32 to index
      %swap3A_132 = tpu.vector_load %arg11[%swap3A, %swap3A_131] {strides = array<i32>} : memref<200x128xi32, #tpu.memory_space<vmem>>, vector<16xi32>,
      tpu.vector_store %arg11[%swap3A, %swap3A_131], %broadcast_in_dim3A_3 {strides = array<i32>} : memref<200x128xi32, #tpu.memory_space<vmem>>, vector<16xi32>,
    }
    %scan3A_9 = arith.constant 1600 : i32
    %scan3A_10 = arith.constant 0 : i32
    %scan3A_11 = arith.constant 512 : i32
    %scan3A_12 = arith.addi %scan3A_10, %scan3A_11 : i32
    %scan3A_13 = arith.constant 1 : i32
    scf.for %scan3A_92 = %scan3A_10 to %scan3A_12 step %scan3A_13  : i32 {
      %mul3A_93 = arith.constant 1 : i32
      %mul3A_94 = arith.muli %scan3A_92, %mul3A_93 : i32
      %add3A_95 = arith.constant 0 : i32
      %add3A_96 = arith.addi %add3A_95, %mul3A_94 : i32
      %jit3A = arith.constant 4 : i32
      %div3A = arith.divsi %add3A_96, %jit3A : i32
      %sign3A = arith.constant 0 : i32
      %sign3A_97 = arith.cmpi sgt, %add3A_96, %sign3A : i32
      %sign3A_98 = arith.extui %sign3A_97 : i1 to i32
      %sign3A_99 = arith.constant 0 : i32
      %sign3A_100 = arith.cmpi slt, %add3A_96, %sign3A_99 : i32
      %sign3A_101 = arith.extui %sign3A_100 : i1 to i32
      %sign3A_102 = arith.subi %sign3A_98, %sign3A_101 : i32
      %sign3A_103 = arith.constant 0 : i32
      %sign3A_104 = arith.cmpi sgt, %jit3A, %sign3A_103 : i32
      %sign3A_105 = arith.extui %sign3A_104 : i1 to i32
      %sign3A_106 = arith.constant 0 : i32
      %sign3A_107 = arith.cmpi slt, %jit3A, %sign3A_106 : i32
      %sign3A_108 = arith.extui %sign3A_107 : i1 to i32
      %sign3A_109 = arith.subi %sign3A_105, %sign3A_108 : i32
      %ne3A = arith.cmpi ne, %sign3A_102, %sign3A_109 : i32
      %rem3A = arith.remsi %add3A_96, %jit3A : i32
      %ne3A_110 = arith.constant 0 : i32
      %ne3A_111 = arith.cmpi ne, %rem3A, %ne3A_110 : i32
      %and3A = arith.andi %ne3A, %ne3A_111 : i1
      %sub3A_112 = arith.constant 1 : i32
      %sub3A_113 = arith.subi %div3A, %sub3A_112 : i32
      %select_n3A = arith.select %and3A, %sub3A_113, %div3A : i32
      %jit3A_114 = arith.constant 4 : i32
      %eq3A_115 = arith.constant 0 : i32
      %eq3A_116 = arith.cmpi eq, %jit3A_114, %eq3A_115 : i32
      %jit3A_117 = arith.constant 1 : i32
      %select_n3A_118 = arith.select %eq3A_116, %jit3A_117, %jit3A_114 : i32
      %rem3A_119 = arith.remsi %add3A_96, %select_n3A_118 : i32
      %ne3A_120 = arith.constant 0 : i32
      %ne3A_121 = arith.cmpi ne, %rem3A_119, %ne3A_120 : i32
      %lt3A = arith.constant 0 : i32
      %lt3A_122 = arith.cmpi slt, %rem3A_119, %lt3A : i32
      %lt3A_123 = arith.constant 0 : i32
      %lt3A_124 = arith.cmpi slt, %select_n3A_118, %lt3A_123 : i32
      %ne3A_125 = arith.xori %lt3A_122, %lt3A_124 : i1
      %and3A_126 = arith.andi %ne3A_125, %ne3A_121 : i1
      %add3A_127 = arith.addi %rem3A_119, %select_n3A_118 : i32
      %select_n3A_128 = arith.select %and3A_126, %add3A_127, %rem3A_119 : i32
      %mul3A_129 = arith.constant 16 : i32
      %mul3A_130 = arith.muli %select_n3A_128, %mul3A_129 : i32
      %swap3A = arith.constant 0 : i32
      %swap3A_131 = arith.index_cast %swap3A : i32 to index
      %swap3A_132 = arith.index_cast %select_n3A : i32 to index
      %swap3A_133 = arith.index_cast %mul3A_130 : i32 to index
      %swap3A_134 = tpu.vector_load %arg13[%swap3A_131, %swap3A_132, %swap3A_133] {strides = array<i32>} : memref<4x128x64xf32, #tpu.memory_space<vmem>>, vector<16xf32>,
      tpu.vector_store %arg13[%swap3A_131, %swap3A_132, %swap3A_133], %broadcast_in_dim3A_5 {strides = array<i32>} : memref<4x128x64xf32, #tpu.memory_space<vmem>>, vector<16xf32>,
    }
    %scan3A_14 = arith.constant 512 : i32
    %mul3A_15 = arith.constant 512 : i32
    %mul3A_16 = arith.muli %arg1, %mul3A_15 : i32
    %add3A_17 = arith.constant 0 : i32
    %add3A_18 = arith.addi %mul3A_16, %add3A_17 : i32
    %run_scoped3A = arith.constant 0 : i32
    "tpu.region"() ({
      %run_scoped3A_92 = tpu.sem_alloc : memref<!tpu.dma_semaphore, #tpu.memory_space<semaphore_mem>>
      %dma_start3A = arith.constant 0 : i32
      %dma_start3A_93 = arith.constant 0 : i32
      %dma_start3A_94 = tpu.memref_slice %arg13[%run_scoped3A, %dma_start3A, %dma_start3A_93] : memref<4x128x64xf32, #tpu.memory_space<vmem>> -> memref<1x128x64xf32, #tpu.memory_space<vmem>>
      %dma_start3A_95 = tpu.memref_squeeze %dma_start3A_94 : memref<1x128x64xf32, #tpu.memory_space<vmem>> -> memref<128x64xf32, #tpu.memory_space<vmem>>
      %dma_start3A_96 = arith.constant 0 : i32
      %dma_start3A_97 = tpu.memref_slice %arg9[%add3A_18, %dma_start3A_96] : memref<8192x64xf32, #tpu.memory_space<vmem_shared>> -> memref<128x64xf32, #tpu.memory_space<vmem_shared>>
      %dma_start3A_98 = arith.constant 0 : i32
      %dma_start3A_99 = tpu.memref_slice %arg9[%add3A_18, %dma_start3A_98] : memref<8192x64xf32, #tpu.memory_space<vmem_shared>> -> memref<128x64xf32, #tpu.memory_space<vmem_shared>>
      %dma_start3A_100 = arith.constant 0 : i32
      %dma_start3A_101 = arith.constant 0 : i32
      %dma_start3A_102 = tpu.memref_slice %arg13[%run_scoped3A, %dma_start3A_100, %dma_start3A_101] : memref<4x128x64xf32, #tpu.memory_space<vmem>> -> memref<1x128x64xf32, #tpu.memory_space<vmem>>
      %dma_start3A_103 = tpu.memref_squeeze %dma_start3A_102 : memref<1x128x64xf32, #tpu.memory_space<vmem>> -> memref<128x64xf32, #tpu.memory_space<vmem>>
      tpu.enqueue_dma source(%dma_start3A_103 : memref<128x64xf32, #tpu.memory_space<vmem>>) target(%dma_start3A_99 : memref<128x64xf32, #tpu.memory_space<vmem_shared>>) target_semaphore(%run_scoped3A_92 : memref<!tpu.dma_semaphore, #tpu.memory_space<semaphore_mem>>)
      %dma_wait3A = arith.constant 0 : i32
      %dma_wait3A_104 = arith.constant 0 : i32
      %dma_wait3A_105 = tpu.memref_slice %arg13[%run_scoped3A, %dma_wait3A, %dma_wait3A_104] : memref<4x128x64xf32, #tpu.memory_space<vmem>> -> memref<1x128x64xf32, #tpu.memory_space<vmem>>
      %dma_wait3A_106 = tpu.memref_squeeze %dma_wait3A_105 : memref<1x128x64xf32, #tpu.memory_space<vmem>> -> memref<128x64xf32, #tpu.memory_space<vmem>>
      %dma_wait3A_107 = arith.constant 0 : i32
      %dma_wait3A_108 = tpu.memref_slice %arg9[%add3A_18, %dma_wait3A_107] : memref<8192x64xf32, #tpu.memory_space<vmem_shared>> -> memref<128x64xf32, #tpu.memory_space<vmem_shared>>
      %dma_wait3A_109 = arith.constant 0 : i32
      %dma_wait3A_110 = tpu.memref_slice %arg9[%add3A_18, %dma_wait3A_109] : memref<8192x64xf32, #tpu.memory_space<vmem_shared>> -> memref<128x64xf32, #tpu.memory_space<vmem_shared>>
      %dma_wait3A_111 = arith.constant 0 : i32
      %dma_wait3A_112 = arith.constant 0 : i32
      %dma_wait3A_113 = tpu.memref_slice %arg13[%run_scoped3A, %dma_wait3A_111, %dma_wait3A_112] : memref<4x128x64xf32, #tpu.memory_space<vmem>> -> memref<1x128x64xf32, #tpu.memory_space<vmem>>
      %dma_wait3A_114 = tpu.memref_squeeze %dma_wait3A_113 : memref<1x128x64xf32, #tpu.memory_space<vmem>> -> memref<128x64xf32, #tpu.memory_space<vmem>>
      tpu.wait_dma2 semaphore(%run_scoped3A_92 : memref<!tpu.dma_semaphore, #tpu.memory_space<semaphore_mem>>) src(%dma_wait3A_114 : memref<128x64xf32, #tpu.memory_space<vmem>>) dst(%dma_wait3A_110 : memref<128x64xf32, #tpu.memory_space<vmem_shared>>)
      tpu.yield
    }) : () -> ()
    %mul3A_19 = arith.constant 512 : i32
    %mul3A_20 = arith.muli %arg1, %mul3A_19 : i32
    %add3A_21 = arith.constant 128 : i32
    %add3A_22 = arith.addi %mul3A_20, %add3A_21 : i32
    %run_scoped3A_23 = arith.constant 0 : i32
    "tpu.region"() ({
      %run_scoped3A_92 = tpu.sem_alloc : memref<!tpu.dma_semaphore, #tpu.memory_space<semaphore_mem>>
      %dma_start3A = arith.constant 0 : i32
      %dma_start3A_93 = arith.constant 0 : i32
      %dma_start3A_94 = tpu.memref_slice %arg13[%run_scoped3A_23, %dma_start3A, %dma_start3A_93] : memref<4x128x64xf32, #tpu.memory_space<vmem>> -> memref<1x128x64xf32, #tpu.memory_space<vmem>>
      %dma_start3A_95 = tpu.memref_squeeze %dma_start3A_94 : memref<1x128x64xf32, #tpu.memory_space<vmem>> -> memref<128x64xf32, #tpu.memory_space<vmem>>
      %dma_start3A_96 = arith.constant 0 : i32
      %dma_start3A_97 = tpu.memref_slice %arg9[%add3A_22, %dma_start3A_96] : memref<8192x64xf32, #tpu.memory_space<vmem_shared>> -> memref<128x64xf32, #tpu.memory_space<vmem_shared>>
      %dma_start3A_98 = arith.constant 0 : i32
      %dma_start3A_99 = tpu.memref_slice %arg9[%add3A_22, %dma_start3A_98] : memref<8192x64xf32, #tpu.memory_space<vmem_shared>> -> memref<128x64xf32, #tpu.memory_space<vmem_shared>>
      %dma_start3A_100 = arith.constant 0 : i32
      %dma_start3A_101 = arith.constant 0 : i32
      %dma_start3A_102 = tpu.memref_slice %arg13[%run_scoped3A_23, %dma_start3A_100, %dma_start3A_101] : memref<4x128x64xf32, #tpu.memory_space<vmem>> -> memref<1x128x64xf32, #tpu.memory_space<vmem>>
      %dma_start3A_103 = tpu.memref_squeeze %dma_start3A_102 : memref<1x128x64xf32, #tpu.memory_space<vmem>> -> memref<128x64xf32, #tpu.memory_space<vmem>>
      tpu.enqueue_dma source(%dma_start3A_103 : memref<128x64xf32, #tpu.memory_space<vmem>>) target(%dma_start3A_99 : memref<128x64xf32, #tpu.memory_space<vmem_shared>>) target_semaphore(%run_scoped3A_92 : memref<!tpu.dma_semaphore, #tpu.memory_space<semaphore_mem>>)
      %dma_wait3A = arith.constant 0 : i32
      %dma_wait3A_104 = arith.constant 0 : i32
      %dma_wait3A_105 = tpu.memref_slice %arg13[%run_scoped3A_23, %dma_wait3A, %dma_wait3A_104] : memref<4x128x64xf32, #tpu.memory_space<vmem>> -> memref<1x128x64xf32, #tpu.memory_space<vmem>>
      %dma_wait3A_106 = tpu.memref_squeeze %dma_wait3A_105 : memref<1x128x64xf32, #tpu.memory_space<vmem>> -> memref<128x64xf32, #tpu.memory_space<vmem>>
      %dma_wait3A_107 = arith.constant 0 : i32
      %dma_wait3A_108 = tpu.memref_slice %arg9[%add3A_22, %dma_wait3A_107] : memref<8192x64xf32, #tpu.memory_space<vmem_shared>> -> memref<128x64xf32, #tpu.memory_space<vmem_shared>>
      %dma_wait3A_109 = arith.constant 0 : i32
      %dma_wait3A_110 = tpu.memref_slice %arg9[%add3A_22, %dma_wait3A_109] : memref<8192x64xf32, #tpu.memory_space<vmem_shared>> -> memref<128x64xf32, #tpu.memory_space<vmem_shared>>
      %dma_wait3A_111 = arith.constant 0 : i32
      %dma_wait3A_112 = arith.constant 0 : i32
      %dma_wait3A_113 = tpu.memref_slice %arg13[%run_scoped3A_23, %dma_wait3A_111, %dma_wait3A_112] : memref<4x128x64xf32, #tpu.memory_space<vmem>> -> memref<1x128x64xf32, #tpu.memory_space<vmem>>
      %dma_wait3A_114 = tpu.memref_squeeze %dma_wait3A_113 : memref<1x128x64xf32, #tpu.memory_space<vmem>> -> memref<128x64xf32, #tpu.memory_space<vmem>>
      tpu.wait_dma2 semaphore(%run_scoped3A_92 : memref<!tpu.dma_semaphore, #tpu.memory_space<semaphore_mem>>) src(%dma_wait3A_114 : memref<128x64xf32, #tpu.memory_space<vmem>>) dst(%dma_wait3A_110 : memref<128x64xf32, #tpu.memory_space<vmem_shared>>)
      tpu.yield
    }) : () -> ()
    %mul3A_24 = arith.constant 512 : i32
    %mul3A_25 = arith.muli %arg1, %mul3A_24 : i32
    %add3A_26 = arith.constant 256 : i32
    %add3A_27 = arith.addi %mul3A_25, %add3A_26 : i32
    %run_scoped3A_28 = arith.constant 0 : i32
    "tpu.region"() ({
      %run_scoped3A_92 = tpu.sem_alloc : memref<!tpu.dma_semaphore, #tpu.memory_space<semaphore_mem>>
      %dma_start3A = arith.constant 0 : i32
      %dma_start3A_93 = arith.constant 0 : i32
      %dma_start3A_94 = tpu.memref_slice %arg13[%run_scoped3A_28, %dma_start3A, %dma_start3A_93] : memref<4x128x64xf32, #tpu.memory_space<vmem>> -> memref<1x128x64xf32, #tpu.memory_space<vmem>>
      %dma_start3A_95 = tpu.memref_squeeze %dma_start3A_94 : memref<1x128x64xf32, #tpu.memory_space<vmem>> -> memref<128x64xf32, #tpu.memory_space<vmem>>
      %dma_start3A_96 = arith.constant 0 : i32
      %dma_start3A_97 = tpu.memref_slice %arg9[%add3A_27, %dma_start3A_96] : memref<8192x64xf32, #tpu.memory_space<vmem_shared>> -> memref<128x64xf32, #tpu.memory_space<vmem_shared>>
      %dma_start3A_98 = arith.constant 0 : i32
      %dma_start3A_99 = tpu.memref_slice %arg9[%add3A_27, %dma_start3A_98] : memref<8192x64xf32, #tpu.memory_space<vmem_shared>> -> memref<128x64xf32, #tpu.memory_space<vmem_shared>>
      %dma_start3A_100 = arith.constant 0 : i32
      %dma_start3A_101 = arith.constant 0 : i32
      %dma_start3A_102 = tpu.memref_slice %arg13[%run_scoped3A_28, %dma_start3A_100, %dma_start3A_101] : memref<4x128x64xf32, #tpu.memory_space<vmem>> -> memref<1x128x64xf32, #tpu.memory_space<vmem>>
      %dma_start3A_103 = tpu.memref_squeeze %dma_start3A_102 : memref<1x128x64xf32, #tpu.memory_space<vmem>> -> memref<128x64xf32, #tpu.memory_space<vmem>>
      tpu.enqueue_dma source(%dma_start3A_103 : memref<128x64xf32, #tpu.memory_space<vmem>>) target(%dma_start3A_99 : memref<128x64xf32, #tpu.memory_space<vmem_shared>>) target_semaphore(%run_scoped3A_92 : memref<!tpu.dma_semaphore, #tpu.memory_space<semaphore_mem>>)
      %dma_wait3A = arith.constant 0 : i32
      %dma_wait3A_104 = arith.constant 0 : i32
      %dma_wait3A_105 = tpu.memref_slice %arg13[%run_scoped3A_28, %dma_wait3A, %dma_wait3A_104] : memref<4x128x64xf32, #tpu.memory_space<vmem>> -> memref<1x128x64xf32, #tpu.memory_space<vmem>>
      %dma_wait3A_106 = tpu.memref_squeeze %dma_wait3A_105 : memref<1x128x64xf32, #tpu.memory_space<vmem>> -> memref<128x64xf32, #tpu.memory_space<vmem>>
      %dma_wait3A_107 = arith.constant 0 : i32
      %dma_wait3A_108 = tpu.memref_slice %arg9[%add3A_27, %dma_wait3A_107] : memref<8192x64xf32, #tpu.memory_space<vmem_shared>> -> memref<128x64xf32, #tpu.memory_space<vmem_shared>>
      %dma_wait3A_109 = arith.constant 0 : i32
      %dma_wait3A_110 = tpu.memref_slice %arg9[%add3A_27, %dma_wait3A_109] : memref<8192x64xf32, #tpu.memory_space<vmem_shared>> -> memref<128x64xf32, #tpu.memory_space<vmem_shared>>
      %dma_wait3A_111 = arith.constant 0 : i32
      %dma_wait3A_112 = arith.constant 0 : i32
      %dma_wait3A_113 = tpu.memref_slice %arg13[%run_scoped3A_28, %dma_wait3A_111, %dma_wait3A_112] : memref<4x128x64xf32, #tpu.memory_space<vmem>> -> memref<1x128x64xf32, #tpu.memory_space<vmem>>
      %dma_wait3A_114 = tpu.memref_squeeze %dma_wait3A_113 : memref<1x128x64xf32, #tpu.memory_space<vmem>> -> memref<128x64xf32, #tpu.memory_space<vmem>>
      tpu.wait_dma2 semaphore(%run_scoped3A_92 : memref<!tpu.dma_semaphore, #tpu.memory_space<semaphore_mem>>) src(%dma_wait3A_114 : memref<128x64xf32, #tpu.memory_space<vmem>>) dst(%dma_wait3A_110 : memref<128x64xf32, #tpu.memory_space<vmem_shared>>)
      tpu.yield
    }) : () -> ()
    %mul3A_29 = arith.constant 512 : i32
    %mul3A_30 = arith.muli %arg1, %mul3A_29 : i32
    %add3A_31 = arith.constant 384 : i32
    %add3A_32 = arith.addi %mul3A_30, %add3A_31 : i32
    %run_scoped3A_33 = arith.constant 0 : i32
    "tpu.region"() ({
      %run_scoped3A_92 = tpu.sem_alloc : memref<!tpu.dma_semaphore, #tpu.memory_space<semaphore_mem>>
      %dma_start3A = arith.constant 0 : i32
      %dma_start3A_93 = arith.constant 0 : i32
      %dma_start3A_94 = tpu.memref_slice %arg13[%run_scoped3A_33, %dma_start3A, %dma_start3A_93] : memref<4x128x64xf32, #tpu.memory_space<vmem>> -> memref<1x128x64xf32, #tpu.memory_space<vmem>>
      %dma_start3A_95 = tpu.memref_squeeze %dma_start3A_94 : memref<1x128x64xf32, #tpu.memory_space<vmem>> -> memref<128x64xf32, #tpu.memory_space<vmem>>
      %dma_start3A_96 = arith.constant 0 : i32
      %dma_start3A_97 = tpu.memref_slice %arg9[%add3A_32, %dma_start3A_96] : memref<8192x64xf32, #tpu.memory_space<vmem_shared>> -> memref<128x64xf32, #tpu.memory_space<vmem_shared>>
      %dma_start3A_98 = arith.constant 0 : i32
      %dma_start3A_99 = tpu.memref_slice %arg9[%add3A_32, %dma_start3A_98] : memref<8192x64xf32, #tpu.memory_space<vmem_shared>> -> memref<128x64xf32, #tpu.memory_space<vmem_shared>>
      %dma_start3A_100 = arith.constant 0 : i32
      %dma_start3A_101 = arith.constant 0 : i32
      %dma_start3A_102 = tpu.memref_slice %arg13[%run_scoped3A_33, %dma_start3A_100, %dma_start3A_101] : memref<4x128x64xf32, #tpu.memory_space<vmem>> -> memref<1x128x64xf32, #tpu.memory_space<vmem>>
      %dma_start3A_103 = tpu.memref_squeeze %dma_start3A_102 : memref<1x128x64xf32, #tpu.memory_space<vmem>> -> memref<128x64xf32, #tpu.memory_space<vmem>>
      tpu.enqueue_dma source(%dma_start3A_103 : memref<128x64xf32, #tpu.memory_space<vmem>>) target(%dma_start3A_99 : memref<128x64xf32, #tpu.memory_space<vmem_shared>>) target_semaphore(%run_scoped3A_92 : memref<!tpu.dma_semaphore, #tpu.memory_space<semaphore_mem>>)
      %dma_wait3A = arith.constant 0 : i32
      %dma_wait3A_104 = arith.constant 0 : i32
      %dma_wait3A_105 = tpu.memref_slice %arg13[%run_scoped3A_33, %dma_wait3A, %dma_wait3A_104] : memref<4x128x64xf32, #tpu.memory_space<vmem>> -> memref<1x128x64xf32, #tpu.memory_space<vmem>>
      %dma_wait3A_106 = tpu.memref_squeeze %dma_wait3A_105 : memref<1x128x64xf32, #tpu.memory_space<vmem>> -> memref<128x64xf32, #tpu.memory_space<vmem>>
      %dma_wait3A_107 = arith.constant 0 : i32
      %dma_wait3A_108 = tpu.memref_slice %arg9[%add3A_32, %dma_wait3A_107] : memref<8192x64xf32, #tpu.memory_space<vmem_shared>> -> memref<128x64xf32, #tpu.memory_space<vmem_shared>>
      %dma_wait3A_109 = arith.constant 0 : i32
      %dma_wait3A_110 = tpu.memref_slice %arg9[%add3A_32, %dma_wait3A_109] : memref<8192x64xf32, #tpu.memory_space<vmem_shared>> -> memref<128x64xf32, #tpu.memory_space<vmem_shared>>
      %dma_wait3A_111 = arith.constant 0 : i32
      %dma_wait3A_112 = arith.constant 0 : i32
      %dma_wait3A_113 = tpu.memref_slice %arg13[%run_scoped3A_33, %dma_wait3A_111, %dma_wait3A_112] : memref<4x128x64xf32, #tpu.memory_space<vmem>> -> memref<1x128x64xf32, #tpu.memory_space<vmem>>
      %dma_wait3A_114 = tpu.memref_squeeze %dma_wait3A_113 : memref<1x128x64xf32, #tpu.memory_space<vmem>> -> memref<128x64xf32, #tpu.memory_space<vmem>>
      tpu.wait_dma2 semaphore(%run_scoped3A_92 : memref<!tpu.dma_semaphore, #tpu.memory_space<semaphore_mem>>) src(%dma_wait3A_114 : memref<128x64xf32, #tpu.memory_space<vmem>>) dst(%dma_wait3A_110 : memref<128x64xf32, #tpu.memory_space<vmem_shared>>)
      tpu.yield
    }) : () -> ()
    %broadcast_in_dim3A_34 = arith.constant 1 : i32
    %broadcast_in_dim3A_35 = vector.broadcast %broadcast_in_dim3A_34 : i32 to vector<16xi32>
    %broadcast_in_dim3A_36 = arith.constant 0 : i32
    %broadcast_in_dim3A_37 = vector.broadcast %broadcast_in_dim3A_36 : i32 to vector<16xi32>
    %scan3A_38 = arith.constant 0 : i32
    %scan3A_39 = arith.constant 512 : i32
    %scan3A_40 = arith.addi %scan3A_38, %scan3A_39 : i32
    %scan3A_41 = arith.constant 1 : i32
    %scan3A_42 = scf.for %scan3A_92 = %scan3A_38 to %scan3A_40 step %scan3A_41 iter_args(%scan3A_93 = %broadcast_in_dim3A_37) -> (vector<16xi32>)  : i32 {
      %mul3A_94 = arith.constant 16 : i32
      %mul3A_95 = arith.muli %scan3A_92, %mul3A_94 : i32
      %get3A = arith.index_cast %mul3A_95 : i32 to index
      %get3A_96 = tpu.vector_load %arg10[%get3A] {strides = array<i32>} : memref<8192xi32, #tpu.memory_space<vmem>>, vector<16xi32>,
      %sub3A_97 = vector.broadcast %mul3A_2 : i32 to vector<16xi32>
      %sub3A_98 = arith.subi %get3A_96, %sub3A_97 : vector<16xi32>
      %ge3A = arith.constant 0 : i32
      %ge3A_99 = vector.broadcast %ge3A : i32 to vector<16xi32>
      %ge3A_100 = arith.cmpi sge, %sub3A_98, %ge3A_99 : vector<16xi32>
      %lt3A = arith.constant 25600 : i32
      %lt3A_101 = vector.broadcast %lt3A : i32 to vector<16xi32>
      %lt3A_102 = arith.cmpi slt, %sub3A_98, %lt3A_101 : vector<16xi32>
      %and3A = arith.andi %ge3A_100, %lt3A_102 : vector<16xi1>
      %jit3A = arith.constant 128 : i32
      %div3A = vector.broadcast %jit3A : i32 to vector<16xi32>
      %div3A_103 = arith.divsi %sub3A_98, %div3A : vector<16xi32>
      %sign3A = arith.constant 0 : i32
      %sign3A_104 = vector.broadcast %sign3A : i32 to vector<16xi32>
      %sign3A_105 = arith.cmpi sgt, %sub3A_98, %sign3A_104 : vector<16xi32>
      %sign3A_106 = arith.extui %sign3A_105 : vector<16xi1> to vector<16xi32>
      %sign3A_107 = arith.constant 0 : i32
      %sign3A_108 = vector.broadcast %sign3A_107 : i32 to vector<16xi32>
      %sign3A_109 = arith.cmpi slt, %sub3A_98, %sign3A_108 : vector<16xi32>
      %sign3A_110 = arith.extui %sign3A_109 : vector<16xi1> to vector<16xi32>
      %sign3A_111 = arith.subi %sign3A_106, %sign3A_110 : vector<16xi32>
      %sign3A_112 = arith.constant 0 : i32
      %sign3A_113 = arith.cmpi sgt, %jit3A, %sign3A_112 : i32
      %sign3A_114 = arith.extui %sign3A_113 : i1 to i32
      %sign3A_115 = arith.constant 0 : i32
      %sign3A_116 = arith.cmpi slt, %jit3A, %sign3A_115 : i32
      %sign3A_117 = arith.extui %sign3A_116 : i1 to i32
      %sign3A_118 = arith.subi %sign3A_114, %sign3A_117 : i32
      %ne3A = vector.broadcast %sign3A_118 : i32 to vector<16xi32>
      %ne3A_119 = arith.cmpi ne, %sign3A_111, %ne3A : vector<16xi32>
      %rem3A = vector.broadcast %jit3A : i32 to vector<16xi32>
      %rem3A_120 = arith.remsi %sub3A_98, %rem3A : vector<16xi32>
      %ne3A_121 = arith.constant 0 : i32
      %ne3A_122 = vector.broadcast %ne3A_121 : i32 to vector<16xi32>
      %ne3A_123 = arith.cmpi ne, %rem3A_120, %ne3A_122 : vector<16xi32>
      %and3A_124 = arith.andi %ne3A_119, %ne3A_123 : vector<16xi1>
      %sub3A_125 = arith.constant 1 : i32
      %sub3A_126 = vector.broadcast %sub3A_125 : i32 to vector<16xi32>
      %sub3A_127 = arith.subi %div3A_103, %sub3A_126 : vector<16xi32>
      %select_n3A = arith.select %and3A_124, %sub3A_127, %div3A_103 : vector<16xi1>, vector<16xi32>
      %jit3A_128 = arith.constant 128 : i32
      %eq3A_129 = arith.constant 0 : i32
      %eq3A_130 = arith.cmpi eq, %jit3A_128, %eq3A_129 : i32
      %jit3A_131 = arith.constant 1 : i32
      %select_n3A_132 = arith.select %eq3A_130, %jit3A_131, %jit3A_128 : i32
      %rem3A_133 = vector.broadcast %select_n3A_132 : i32 to vector<16xi32>
      %rem3A_134 = arith.remsi %sub3A_98, %rem3A_133 : vector<16xi32>
      %ne3A_135 = arith.constant 0 : i32
      %ne3A_136 = vector.broadcast %ne3A_135 : i32 to vector<16xi32>
      %ne3A_137 = arith.cmpi ne, %rem3A_134, %ne3A_136 : vector<16xi32>
      %lt3A_138 = arith.constant 0 : i32
      %lt3A_139 = vector.broadcast %lt3A_138 : i32 to vector<16xi32>
      %lt3A_140 = arith.cmpi slt, %rem3A_134, %lt3A_139 : vector<16xi32>
      %lt3A_141 = arith.constant 0 : i32
      %lt3A_142 = arith.cmpi slt, %select_n3A_132, %lt3A_141 : i32
      %ne3A_143 = vector.broadcast %lt3A_142 : i1 to vector<16xi1>
      %ne3A_144 = vector.broadcast %ne3A_143 : vector<16xi1> to vector<16xi1>
      %ne3A_145 = arith.xori %lt3A_140, %ne3A_144 : vector<16xi1>
      %and3A_146 = arith.andi %ne3A_145, %ne3A_137 : vector<16xi1>
      %add3A_147 = vector.broadcast %select_n3A_132 : i32 to vector<16xi32>
      %add3A_148 = arith.addi %rem3A_134, %add3A_147 : vector<16xi32>
      %select_n3A_149 = arith.select %and3A_146, %add3A_148, %rem3A_134 : vector<16xi1>, vector<16xi32>
      tpu.vector_store_idx %arg11[%select_n3A, %select_n3A_149], %broadcast_in_dim3A_35 masked %and3A {add = true} : memref<200x128xi32, #tpu.memory_space<vmem>>[vector<16xi32>, vector<16xi32>], vector<16xi32>, vector<16xi1>
      %lt3A_150 = vector.broadcast %mul3A_2 : i32 to vector<16xi32>
      %lt3A_151 = arith.cmpi slt, %get3A_96, %lt3A_150 : vector<16xi32>
      %jit3A_152 = arith.constant 1 : i32
      %jit3A_153 = arith.constant 0 : i32
      %broadcast_in_dim3A_154 = vector.broadcast %jit3A_152 : i32 to vector<16xi32>
      %broadcast_in_dim3A_155 = vector.broadcast %jit3A_153 : i32 to vector<16xi32>
      %select_n3A_156 = arith.select %lt3A_151, %broadcast_in_dim3A_154, %broadcast_in_dim3A_155 : vector<16xi1>, vector<16xi32>
      %add3A_157 = arith.addi %scan3A_93, %select_n3A_156 : vector<16xi32>
      scf.yield %add3A_157 : vector<16xi32>
    }
    %scan3A_43 = arith.constant 512 : i32
    %reduce_sum3A = arith.constant true
    %reduce_sum3A_44 = vector.broadcast %reduce_sum3A : i1 to vector<16xi1>
    %reduce_sum3A_45 = tpu.scan <sum>, %scan3A_42 masked %reduce_sum3A_44 : vector<16xi32>, vector<16xi1> -> vector<16xi32>
    %reduce_sum3A_46 = vector.extract %reduce_sum3A_45[15] : i32 from vector<16xi32>
    %sub3A = arith.constant 1 : i32
    %sub3A_47 = arith.subi %reduce_sum3A_46, %sub3A : i32
    %scan3A_48 = arith.constant 0 : i32
    %scan3A_49 = arith.constant 1600 : i32
    %scan3A_50 = arith.addi %scan3A_48, %scan3A_49 : i32
    %scan3A_51 = arith.constant 1 : i32
    %scan3A_52 = scf.for %scan3A_92 = %scan3A_48 to %scan3A_50 step %scan3A_51 iter_args(%scan3A_93 = %sub3A_47) -> (i32)  : i32 {
      %jit3A = arith.constant 8 : i32
      %div3A = arith.divsi %scan3A_92, %jit3A : i32
      %sign3A = arith.constant 0 : i32
      %sign3A_94 = arith.cmpi sgt, %scan3A_92, %sign3A : i32
      %sign3A_95 = arith.extui %sign3A_94 : i1 to i32
      %sign3A_96 = arith.constant 0 : i32
      %sign3A_97 = arith.cmpi slt, %scan3A_92, %sign3A_96 : i32
      %sign3A_98 = arith.extui %sign3A_97 : i1 to i32
      %sign3A_99 = arith.subi %sign3A_95, %sign3A_98 : i32
      %sign3A_100 = arith.constant 0 : i32
      %sign3A_101 = arith.cmpi sgt, %jit3A, %sign3A_100 : i32
      %sign3A_102 = arith.extui %sign3A_101 : i1 to i32
      %sign3A_103 = arith.constant 0 : i32
      %sign3A_104 = arith.cmpi slt, %jit3A, %sign3A_103 : i32
      %sign3A_105 = arith.extui %sign3A_104 : i1 to i32
      %sign3A_106 = arith.subi %sign3A_102, %sign3A_105 : i32
      %ne3A = arith.cmpi ne, %sign3A_99, %sign3A_106 : i32
      %rem3A = arith.remsi %scan3A_92, %jit3A : i32
      %ne3A_107 = arith.constant 0 : i32
      %ne3A_108 = arith.cmpi ne, %rem3A, %ne3A_107 : i32
      %and3A = arith.andi %ne3A, %ne3A_108 : i1
      %sub3A_109 = arith.constant 1 : i32
      %sub3A_110 = arith.subi %div3A, %sub3A_109 : i32
      %select_n3A = arith.select %and3A, %sub3A_110, %div3A : i32
      %jit3A_111 = arith.constant 8 : i32
      %eq3A_112 = arith.constant 0 : i32
      %eq3A_113 = arith.cmpi eq, %jit3A_111, %eq3A_112 : i32
      %jit3A_114 = arith.constant 1 : i32
      %select_n3A_115 = arith.select %eq3A_113, %jit3A_114, %jit3A_111 : i32
      %rem3A_116 = arith.remsi %scan3A_92, %select_n3A_115 : i32
      %ne3A_117 = arith.constant 0 : i32
      %ne3A_118 = arith.cmpi ne, %rem3A_116, %ne3A_117 : i32
      %lt3A = arith.constant 0 : i32
      %lt3A_119 = arith.cmpi slt, %rem3A_116, %lt3A : i32
      %lt3A_120 = arith.constant 0 : i32
      %lt3A_121 = arith.cmpi slt, %select_n3A_115, %lt3A_120 : i32
      %ne3A_122 = arith.xori %lt3A_119, %lt3A_121 : i1
      %and3A_123 = arith.andi %ne3A_122, %ne3A_118 : i1
      %add3A_124 = arith.addi %rem3A_116, %select_n3A_115 : i32
      %select_n3A_125 = arith.select %and3A_123, %add3A_124, %rem3A_116 : i32
      %mul3A_126 = arith.constant 16 : i32
      %mul3A_127 = arith.muli %select_n3A_125, %mul3A_126 : i32
      %get3A = arith.index_cast %select_n3A : i32 to index
      %get3A_128 = arith.index_cast %mul3A_127 : i32 to index
      %get3A_129 = tpu.vector_load %arg11[%get3A, %get3A_128] {strides = array<i32>} : memref<200x128xi32, #tpu.memory_space<vmem>>, vector<16xi32>,
      %broadcast_in_dim3A_130 = arith.constant true
      %broadcast_in_dim3A_131 = vector.broadcast %broadcast_in_dim3A_130 : i1 to vector<16xi1>
      %masked_cumsum3A = tpu.scan <sum>, %get3A_129 masked %broadcast_in_dim3A_131 : vector<16xi32>, vector<16xi1> -> vector<16xi32>
      %add3A_132 = vector.broadcast %scan3A_93 : i32 to vector<16xi32>
      %add3A_133 = arith.addi %masked_cumsum3A, %add3A_132 : vector<16xi32>
      %jit3A_134 = arith.constant 8 : i32
      %div3A_135 = arith.divsi %scan3A_92, %jit3A_134 : i32
      %sign3A_136 = arith.constant 0 : i32
      %sign3A_137 = arith.cmpi sgt, %scan3A_92, %sign3A_136 : i32
      %sign3A_138 = arith.extui %sign3A_137 : i1 to i32
      %sign3A_139 = arith.constant 0 : i32
      %sign3A_140 = arith.cmpi slt, %scan3A_92, %sign3A_139 : i32
      %sign3A_141 = arith.extui %sign3A_140 : i1 to i32
      %sign3A_142 = arith.subi %sign3A_138, %sign3A_141 : i32
      %sign3A_143 = arith.constant 0 : i32
      %sign3A_144 = arith.cmpi sgt, %jit3A_134, %sign3A_143 : i32
      %sign3A_145 = arith.extui %sign3A_144 : i1 to i32
      %sign3A_146 = arith.constant 0 : i32
      %sign3A_147 = arith.cmpi slt, %jit3A_134, %sign3A_146 : i32
      %sign3A_148 = arith.extui %sign3A_147 : i1 to i32
      %sign3A_149 = arith.subi %sign3A_145, %sign3A_148 : i32
      %ne3A_150 = arith.cmpi ne, %sign3A_142, %sign3A_149 : i32
      %rem3A_151 = arith.remsi %scan3A_92, %jit3A_134 : i32
      %ne3A_152 = arith.constant 0 : i32
      %ne3A_153 = arith.cmpi ne, %rem3A_151, %ne3A_152 : i32
      %and3A_154 = arith.andi %ne3A_150, %ne3A_153 : i1
      %sub3A_155 = arith.constant 1 : i32
      %sub3A_156 = arith.subi %div3A_135, %sub3A_155 : i32
      %select_n3A_157 = arith.select %and3A_154, %sub3A_156, %div3A_135 : i32
      %jit3A_158 = arith.constant 8 : i32
      %eq3A_159 = arith.constant 0 : i32
      %eq3A_160 = arith.cmpi eq, %jit3A_158, %eq3A_159 : i32
      %jit3A_161 = arith.constant 1 : i32
      %select_n3A_162 = arith.select %eq3A_160, %jit3A_161, %jit3A_158 : i32
      %rem3A_163 = arith.remsi %scan3A_92, %select_n3A_162 : i32
      %ne3A_164 = arith.constant 0 : i32
      %ne3A_165 = arith.cmpi ne, %rem3A_163, %ne3A_164 : i32
      %lt3A_166 = arith.constant 0 : i32
      %lt3A_167 = arith.cmpi slt, %rem3A_163, %lt3A_166 : i32
      %lt3A_168 = arith.constant 0 : i32
      %lt3A_169 = arith.cmpi slt, %select_n3A_162, %lt3A_168 : i32
      %ne3A_170 = arith.xori %lt3A_167, %lt3A_169 : i1
      %and3A_171 = arith.andi %ne3A_170, %ne3A_165 : i1
      %add3A_172 = arith.addi %rem3A_163, %select_n3A_162 : i32
      %select_n3A_173 = arith.select %and3A_171, %add3A_172, %rem3A_163 : i32
      %mul3A_174 = arith.constant 16 : i32
      %mul3A_175 = arith.muli %select_n3A_173, %mul3A_174 : i32
      %swap3A = arith.index_cast %select_n3A_157 : i32 to index
      %swap3A_176 = arith.index_cast %mul3A_175 : i32 to index
      %swap3A_177 = tpu.vector_load %arg11[%swap3A, %swap3A_176] {strides = array<i32>} : memref<200x128xi32, #tpu.memory_space<vmem>>, vector<16xi32>,
      tpu.vector_store %arg11[%swap3A, %swap3A_176], %add3A_133 {strides = array<i32>} : memref<200x128xi32, #tpu.memory_space<vmem>>, vector<16xi32>,
      %reduce_max3A = arith.constant true
      %reduce_max3A_178 = vector.broadcast %reduce_max3A : i1 to vector<16xi1>
      %reduce_max3A_179 = arith.constant -2147483648 : i32
      %reduce_max3A_180 = vector.broadcast %reduce_max3A_179 : i32 to vector<16xi32>
      %reduce_max3A_181 = arith.xori %add3A_133, %reduce_max3A_180 : vector<16xi32>
      %reduce_max3A_182 = tpu.scan <max>, %reduce_max3A_181 masked %reduce_max3A_178 : vector<16xi32>, vector<16xi1> -> vector<16xi32>
      %reduce_max3A_183 = arith.xori %reduce_max3A_182, %reduce_max3A_180 : vector<16xi32>
      %reduce_max3A_184 = vector.extract %reduce_max3A_183[15] : i32 from vector<16xi32>
      scf.yield %reduce_max3A_184 : i32
    }
    %scan3A_53 = arith.constant 1600 : i32
    %barrier3A = arith.constant 0 : index
    tpu.barrier barrier_id(%barrier3A)
    %eq3A = arith.constant 0 : i32
    %eq3A_54 = arith.cmpi eq, %arg0, %eq3A : i32
    %convert_element_type3A = arith.extui %eq3A_54 : i1 to i32
    %cond3A = arith.constant 0 : i32
    %cond3A_55 = arith.cmpi ne, %convert_element_type3A, %cond3A : i32
    scf.if %cond3A_55 {
      %dma_start3A = arith.constant 0 : i32
      %dma_start3A_92 = arith.constant 0 : i32
      %dma_start3A_93 = arith.constant 0 : i32
      %dma_start3A_94 = arith.constant 0 : i32
      %dma_start3A_95 = arith.constant 0 : i32
      %dma_start3A_96 = tpu.memref_slice %arg13[%dma_start3A_92, %dma_start3A_94, %dma_start3A_95] : memref<4x128x64xf32, #tpu.memory_space<vmem>> -> memref<1x128x64xf32, #tpu.memory_space<vmem>>
      %dma_start3A_97 = tpu.memref_squeeze %dma_start3A_96 : memref<1x128x64xf32, #tpu.memory_space<vmem>> -> memref<128x64xf32, #tpu.memory_space<vmem>>
      %dma_start3A_98 = arith.constant 0 : i32
      %dma_start3A_99 = tpu.memref_slice %arg12[%dma_start3A, %dma_start3A_98] : memref<200x128xi32, #tpu.memory_space<vmem>> -> memref<1x128xi32, #tpu.memory_space<vmem>>
      %dma_start3A_100 = tpu.memref_squeeze %dma_start3A_99 : memref<1x128xi32, #tpu.memory_space<vmem>> -> memref<128xi32, #tpu.memory_space<vmem>>
      %dma_start3A_101 = arith.constant 0 : i32
      %dma_start3A_102 = arith.constant 0 : i32
      %dma_start3A_103 = tpu.memref_slice %arg5[%dma_start3A_101, %dma_start3A_102] : memref<2000000x64xf32, #tpu.memory_space<hbm>> -> memref<2000000x64xf32, #tpu.memory_space<hbm>>
      %dma_start3A_104 = tpu.memref_slice %arg15[%dma_start3A_93] : memref<4x!tpu.dma_semaphore, #tpu.memory_space<semaphore_mem>> -> memref<1x!tpu.dma_semaphore, #tpu.memory_space<semaphore_mem>>
      %dma_start3A_105 = tpu.memref_squeeze %dma_start3A_104 : memref<1x!tpu.dma_semaphore, #tpu.memory_space<semaphore_mem>> -> memref<!tpu.dma_semaphore, #tpu.memory_space<semaphore_mem>>
      tpu.enqueue_indirect_dma source(%dma_start3A_103 : memref<2000000x64xf32, #tpu.memory_space<hbm>>) target(%dma_start3A_97 : memref<128x64xf32, #tpu.memory_space<vmem>>) offsets(%dma_start3A_100 : memref<128xi32, #tpu.memory_space<vmem>>) semaphore(%dma_start3A_105 : memref<!tpu.dma_semaphore, #tpu.memory_space<semaphore_mem>>)
      %dma_start3A_106 = arith.constant 1 : i32
      %dma_start3A_107 = arith.constant 1 : i32
      %dma_start3A_108 = arith.constant 1 : i32
      %dma_start3A_109 = arith.constant 0 : i32
      %dma_start3A_110 = arith.constant 0 : i32
      %dma_start3A_111 = tpu.memref_slice %arg13[%dma_start3A_107, %dma_start3A_109, %dma_start3A_110] : memref<4x128x64xf32, #tpu.memory_space<vmem>> -> memref<1x128x64xf32, #tpu.memory_space<vmem>>
      %dma_start3A_112 = tpu.memref_squeeze %dma_start3A_111 : memref<1x128x64xf32, #tpu.memory_space<vmem>> -> memref<128x64xf32, #tpu.memory_space<vmem>>
      %dma_start3A_113 = arith.constant 0 : i32
      %dma_start3A_114 = tpu.memref_slice %arg12[%dma_start3A_106, %dma_start3A_113] : memref<200x128xi32, #tpu.memory_space<vmem>> -> memref<1x128xi32, #tpu.memory_space<vmem>>
      %dma_start3A_115 = tpu.memref_squeeze %dma_start3A_114 : memref<1x128xi32, #tpu.memory_space<vmem>> -> memref<128xi32, #tpu.memory_space<vmem>>
      %dma_start3A_116 = arith.constant 0 : i32
      %dma_start3A_117 = arith.constant 0 : i32
      %dma_start3A_118 = tpu.memref_slice %arg5[%dma_start3A_116, %dma_start3A_117] : memref<2000000x64xf32, #tpu.memory_space<hbm>> -> memref<2000000x64xf32, #tpu.memory_space<hbm>>
      %dma_start3A_119 = tpu.memref_slice %arg15[%dma_start3A_108] : memref<4x!tpu.dma_semaphore, #tpu.memory_space<semaphore_mem>> -> memref<1x!tpu.dma_semaphore, #tpu.memory_space<semaphore_mem>>
      %dma_start3A_120 = tpu.memref_squeeze %dma_start3A_119 : memref<1x!tpu.dma_semaphore, #tpu.memory_space<semaphore_mem>> -> memref<!tpu.dma_semaphore, #tpu.memory_space<semaphore_mem>>
      tpu.enqueue_indirect_dma source(%dma_start3A_118 : memref<2000000x64xf32, #tpu.memory_space<hbm>>) target(%dma_start3A_112 : memref<128x64xf32, #tpu.memory_space<vmem>>) offsets(%dma_start3A_115 : memref<128xi32, #tpu.memory_space<vmem>>) semaphore(%dma_start3A_120 : memref<!tpu.dma_semaphore, #tpu.memory_space<semaphore_mem>>)
      %dma_start3A_121 = arith.constant 2 : i32
      %dma_start3A_122 = arith.constant 2 : i32
      %dma_start3A_123 = arith.constant 2 : i32
      %dma_start3A_124 = arith.constant 0 : i32
      %dma_start3A_125 = arith.constant 0 : i32
      %dma_start3A_126 = tpu.memref_slice %arg13[%dma_start3A_122, %dma_start3A_124, %dma_start3A_125] : memref<4x128x64xf32, #tpu.memory_space<vmem>> -> memref<1x128x64xf32, #tpu.memory_space<vmem>>
      %dma_start3A_127 = tpu.memref_squeeze %dma_start3A_126 : memref<1x128x64xf32, #tpu.memory_space<vmem>> -> memref<128x64xf32, #tpu.memory_space<vmem>>
      %dma_start3A_128 = arith.constant 0 : i32
      %dma_start3A_129 = tpu.memref_slice %arg12[%dma_start3A_121, %dma_start3A_128] : memref<200x128xi32, #tpu.memory_space<vmem>> -> memref<1x128xi32, #tpu.memory_space<vmem>>
      %dma_start3A_130 = tpu.memref_squeeze %dma_start3A_129 : memref<1x128xi32, #tpu.memory_space<vmem>> -> memref<128xi32, #tpu.memory_space<vmem>>
      %dma_start3A_131 = arith.constant 0 : i32
      %dma_start3A_132 = arith.constant 0 : i32
      %dma_start3A_133 = tpu.memref_slice %arg5[%dma_start3A_131, %dma_start3A_132] : memref<2000000x64xf32, #tpu.memory_space<hbm>> -> memref<2000000x64xf32, #tpu.memory_space<hbm>>
      %dma_start3A_134 = tpu.memref_slice %arg15[%dma_start3A_123] : memref<4x!tpu.dma_semaphore, #tpu.memory_space<semaphore_mem>> -> memref<1x!tpu.dma_semaphore, #tpu.memory_space<semaphore_mem>>
      %dma_start3A_135 = tpu.memref_squeeze %dma_start3A_134 : memref<1x!tpu.dma_semaphore, #tpu.memory_space<semaphore_mem>> -> memref<!tpu.dma_semaphore, #tpu.memory_space<semaphore_mem>>
      tpu.enqueue_indirect_dma source(%dma_start3A_133 : memref<2000000x64xf32, #tpu.memory_space<hbm>>) target(%dma_start3A_127 : memref<128x64xf32, #tpu.memory_space<vmem>>) offsets(%dma_start3A_130 : memref<128xi32, #tpu.memory_space<vmem>>) semaphore(%dma_start3A_135 : memref<!tpu.dma_semaphore, #tpu.memory_space<semaphore_mem>>)
      %dma_start3A_136 = arith.constant 3 : i32
      %dma_start3A_137 = arith.constant 3 : i32
      %dma_start3A_138 = arith.constant 3 : i32
      %dma_start3A_139 = arith.constant 0 : i32
      %dma_start3A_140 = arith.constant 0 : i32
      %dma_start3A_141 = tpu.memref_slice %arg13[%dma_start3A_137, %dma_start3A_139, %dma_start3A_140] : memref<4x128x64xf32, #tpu.memory_space<vmem>> -> memref<1x128x64xf32, #tpu.memory_space<vmem>>
      %dma_start3A_142 = tpu.memref_squeeze %dma_start3A_141 : memref<1x128x64xf32, #tpu.memory_space<vmem>> -> memref<128x64xf32, #tpu.memory_space<vmem>>
      %dma_start3A_143 = arith.constant 0 : i32
      %dma_start3A_144 = tpu.memref_slice %arg12[%dma_start3A_136, %dma_start3A_143] : memref<200x128xi32, #tpu.memory_space<vmem>> -> memref<1x128xi32, #tpu.memory_space<vmem>>
      %dma_start3A_145 = tpu.memref_squeeze %dma_start3A_144 : memref<1x128xi32, #tpu.memory_space<vmem>> -> memref<128xi32, #tpu.memory_space<vmem>>
      %dma_start3A_146 = arith.constant 0 : i32
      %dma_start3A_147 = arith.constant 0 : i32
      %dma_start3A_148 = tpu.memref_slice %arg5[%dma_start3A_146, %dma_start3A_147] : memref<2000000x64xf32, #tpu.memory_space<hbm>> -> memref<2000000x64xf32, #tpu.memory_space<hbm>>
      %dma_start3A_149 = tpu.memref_slice %arg15[%dma_start3A_138] : memref<4x!tpu.dma_semaphore, #tpu.memory_space<semaphore_mem>> -> memref<1x!tpu.dma_semaphore, #tpu.memory_space<semaphore_mem>>
      %dma_start3A_150 = tpu.memref_squeeze %dma_start3A_149 : memref<1x!tpu.dma_semaphore, #tpu.memory_space<semaphore_mem>> -> memref<!tpu.dma_semaphore, #tpu.memory_space<semaphore_mem>>
      tpu.enqueue_indirect_dma source(%dma_start3A_148 : memref<2000000x64xf32, #tpu.memory_space<hbm>>) target(%dma_start3A_142 : memref<128x64xf32, #tpu.memory_space<vmem>>) offsets(%dma_start3A_145 : memref<128xi32, #tpu.memory_space<vmem>>) semaphore(%dma_start3A_150 : memref<!tpu.dma_semaphore, #tpu.memory_space<semaphore_mem>>)
      %scan3A_151 = arith.constant 0 : i32
      %scan3A_152 = arith.constant 50 : i32
      %scan3A_153 = arith.addi %scan3A_151, %scan3A_152 : i32
      %scan3A_154 = arith.constant 1 : i32
      scf.for %scan3A_156 = %scan3A_151 to %scan3A_153 step %scan3A_154  : i32 {
        %mul3A_157 = arith.constant 1 : i32
        %mul3A_158 = arith.muli %scan3A_156, %mul3A_157 : i32
        %add3A_159 = arith.constant 0 : i32
        %add3A_160 = arith.addi %add3A_159, %mul3A_158 : i32
        %mul3A_161 = arith.constant 4 : i32
        %mul3A_162 = arith.muli %add3A_160, %mul3A_161 : i32
        %add3A_163 = arith.constant 0 : i32
        %add3A_164 = arith.addi %mul3A_162, %add3A_163 : i32
        %dma_wait3A = arith.constant 0 : i32
        %dma_wait3A_165 = arith.constant 0 : i32
        %dma_wait3A_166 = arith.constant 0 : i32
        %dma_wait3A_167 = arith.constant 0 : i32
        %dma_wait3A_168 = tpu.memref_slice %arg13[%dma_wait3A, %dma_wait3A_166, %dma_wait3A_167] : memref<4x128x64xf32, #tpu.memory_space<vmem>> -> memref<1x128x64xf32, #tpu.memory_space<vmem>>
        %dma_wait3A_169 = tpu.memref_squeeze %dma_wait3A_168 : memref<1x128x64xf32, #tpu.memory_space<vmem>> -> memref<128x64xf32, #tpu.memory_space<vmem>>
        %dma_wait3A_170 = arith.constant 0 : i32
        %dma_wait3A_171 = tpu.memref_slice %arg12[%add3A_164, %dma_wait3A_170] : memref<200x128xi32, #tpu.memory_space<vmem>> -> memref<1x128xi32, #tpu.memory_space<vmem>>
        %dma_wait3A_172 = tpu.memref_squeeze %dma_wait3A_171 : memref<1x128xi32, #tpu.memory_space<vmem>> -> memref<128xi32, #tpu.memory_space<vmem>>
        %dma_wait3A_173 = arith.constant 0 : i32
        %dma_wait3A_174 = arith.constant 0 : i32
        %dma_wait3A_175 = tpu.memref_slice %arg5[%dma_wait3A_173, %dma_wait3A_174] : memref<2000000x64xf32, #tpu.memory_space<hbm>> -> memref<2000000x64xf32, #tpu.memory_space<hbm>>
        %dma_wait3A_176 = tpu.memref_slice %arg15[%dma_wait3A_165] : memref<4x!tpu.dma_semaphore, #tpu.memory_space<semaphore_mem>> -> memref<1x!tpu.dma_semaphore, #tpu.memory_space<semaphore_mem>>
        %dma_wait3A_177 = tpu.memref_squeeze %dma_wait3A_176 : memref<1x!tpu.dma_semaphore, #tpu.memory_space<semaphore_mem>> -> memref<!tpu.dma_semaphore, #tpu.memory_space<semaphore_mem>>
        tpu.wait_indirect_dma semaphore(%dma_wait3A_177 : memref<!tpu.dma_semaphore, #tpu.memory_space<semaphore_mem>>) src(%dma_wait3A_175 : memref<2000000x64xf32, #tpu.memory_space<hbm>>) dst(%dma_wait3A_169 : memref<128x64xf32, #tpu.memory_space<vmem>>)
        %dma_start3A_178 = arith.constant 0 : i32
        %dma_start3A_179 = arith.constant 0 : i32
        %dma_start3A_180 = arith.constant 0 : i32
        %dma_start3A_181 = arith.constant 0 : i32
        %dma_start3A_182 = tpu.memref_slice %arg13[%dma_start3A_178, %dma_start3A_180, %dma_start3A_181] : memref<4x128x64xf32, #tpu.memory_space<vmem>> -> memref<1x128x64xf32, #tpu.memory_space<vmem>>
        %dma_start3A_183 = tpu.memref_squeeze %dma_start3A_182 : memref<1x128x64xf32, #tpu.memory_space<vmem>> -> memref<128x64xf32, #tpu.memory_space<vmem>>
        %dma_start3A_184 = arith.constant 0 : i32
        %dma_start3A_185 = tpu.memref_slice %arg11[%add3A_164, %dma_start3A_184] : memref<200x128xi32, #tpu.memory_space<vmem>> -> memref<1x128xi32, #tpu.memory_space<vmem>>
        %dma_start3A_186 = tpu.memref_squeeze %dma_start3A_185 : memref<1x128xi32, #tpu.memory_space<vmem>> -> memref<128xi32, #tpu.memory_space<vmem>>
        %dma_start3A_187 = arith.constant 0 : i32
        %dma_start3A_188 = arith.constant 0 : i32
        %dma_start3A_189 = tpu.memref_slice %arg9[%dma_start3A_187, %dma_start3A_188] : memref<8192x64xf32, #tpu.memory_space<vmem_shared>> -> memref<8192x64xf32, #tpu.memory_space<vmem_shared>>
        %dma_start3A_190 = tpu.memref_slice %arg16[%dma_start3A_179] : memref<4x!tpu.dma_semaphore, #tpu.memory_space<semaphore_mem>> -> memref<1x!tpu.dma_semaphore, #tpu.memory_space<semaphore_mem>>
        %dma_start3A_191 = tpu.memref_squeeze %dma_start3A_190 : memref<1x!tpu.dma_semaphore, #tpu.memory_space<semaphore_mem>> -> memref<!tpu.dma_semaphore, #tpu.memory_space<semaphore_mem>>
        tpu.enqueue_indirect_dma source(%dma_start3A_183 : memref<128x64xf32, #tpu.memory_space<vmem>>) target(%dma_start3A_189 : memref<8192x64xf32, #tpu.memory_space<vmem_shared>>) offsets(%dma_start3A_186 : memref<128xi32, #tpu.memory_space<vmem>>) semaphore(%dma_start3A_191 : memref<!tpu.dma_semaphore, #tpu.memory_space<semaphore_mem>>) {add = true}
        %dma_wait3A_192 = arith.constant 0 : i32
        %dma_wait3A_193 = arith.constant 0 : i32
        %dma_wait3A_194 = arith.constant 0 : i32
        %dma_wait3A_195 = arith.constant 0 : i32
        %dma_wait3A_196 = tpu.memref_slice %arg13[%dma_wait3A_192, %dma_wait3A_194, %dma_wait3A_195] : memref<4x128x64xf32, #tpu.memory_space<vmem>> -> memref<1x128x64xf32, #tpu.memory_space<vmem>>
        %dma_wait3A_197 = tpu.memref_squeeze %dma_wait3A_196 : memref<1x128x64xf32, #tpu.memory_space<vmem>> -> memref<128x64xf32, #tpu.memory_space<vmem>>
        %dma_wait3A_198 = arith.constant 0 : i32
        %dma_wait3A_199 = tpu.memref_slice %arg11[%add3A_164, %dma_wait3A_198] : memref<200x128xi32, #tpu.memory_space<vmem>> -> memref<1x128xi32, #tpu.memory_space<vmem>>
        %dma_wait3A_200 = tpu.memref_squeeze %dma_wait3A_199 : memref<1x128xi32, #tpu.memory_space<vmem>> -> memref<128xi32, #tpu.memory_space<vmem>>
        %dma_wait3A_201 = arith.constant 0 : i32
        %dma_wait3A_202 = arith.constant 0 : i32
        %dma_wait3A_203 = tpu.memref_slice %arg9[%dma_wait3A_201, %dma_wait3A_202] : memref<8192x64xf32, #tpu.memory_space<vmem_shared>> -> memref<8192x64xf32, #tpu.memory_space<vmem_shared>>
        %dma_wait3A_204 = tpu.memref_slice %arg16[%dma_wait3A_193] : memref<4x!tpu.dma_semaphore, #tpu.memory_space<semaphore_mem>> -> memref<1x!tpu.dma_semaphore, #tpu.memory_space<semaphore_mem>>
        %dma_wait3A_205 = tpu.memref_squeeze %dma_wait3A_204 : memref<1x!tpu.dma_semaphore, #tpu.memory_space<semaphore_mem>> -> memref<!tpu.dma_semaphore, #tpu.memory_space<semaphore_mem>>
        tpu.wait_indirect_dma semaphore(%dma_wait3A_205 : memref<!tpu.dma_semaphore, #tpu.memory_space<semaphore_mem>>) src(%dma_wait3A_197 : memref<128x64xf32, #tpu.memory_space<vmem>>) dst(%dma_wait3A_203 : memref<8192x64xf32, #tpu.memory_space<vmem_shared>>)
        %lt3A = arith.constant 49 : i32
        %lt3A_206 = arith.cmpi slt, %add3A_160, %lt3A : i32
        %convert_element_type3A_207 = arith.extui %lt3A_206 : i1 to i32
        %cond3A_208 = arith.constant 0 : i32
        %cond3A_209 = arith.cmpi ne, %convert_element_type3A_207, %cond3A_208 : i32
        scf.if %cond3A_209 {
          %add3A_363 = arith.constant 4 : i32
          %add3A_364 = arith.addi %add3A_164, %add3A_363 : i32
          %dma_start3A_365 = arith.constant 0 : i32
          %dma_start3A_366 = arith.constant 0 : i32
          %dma_start3A_367 = arith.constant 0 : i32
          %dma_start3A_368 = arith.constant 0 : i32
          %dma_start3A_369 = tpu.memref_slice %arg13[%dma_start3A_365, %dma_start3A_367, %dma_start3A_368] : memref<4x128x64xf32, #tpu.memory_space<vmem>> -> memref<1x128x64xf32, #tpu.memory_space<vmem>>
          %dma_start3A_370 = tpu.memref_squeeze %dma_start3A_369 : memref<1x128x64xf32, #tpu.memory_space<vmem>> -> memref<128x64xf32, #tpu.memory_space<vmem>>
          %dma_start3A_371 = arith.constant 0 : i32
          %dma_start3A_372 = tpu.memref_slice %arg12[%add3A_364, %dma_start3A_371] : memref<200x128xi32, #tpu.memory_space<vmem>> -> memref<1x128xi32, #tpu.memory_space<vmem>>
          %dma_start3A_373 = tpu.memref_squeeze %dma_start3A_372 : memref<1x128xi32, #tpu.memory_space<vmem>> -> memref<128xi32, #tpu.memory_space<vmem>>
          %dma_start3A_374 = arith.constant 0 : i32
          %dma_start3A_375 = arith.constant 0 : i32
          %dma_start3A_376 = tpu.memref_slice %arg5[%dma_start3A_374, %dma_start3A_375] : memref<2000000x64xf32, #tpu.memory_space<hbm>> -> memref<2000000x64xf32, #tpu.memory_space<hbm>>
          %dma_start3A_377 = tpu.memref_slice %arg15[%dma_start3A_366] : memref<4x!tpu.dma_semaphore, #tpu.memory_space<semaphore_mem>> -> memref<1x!tpu.dma_semaphore, #tpu.memory_space<semaphore_mem>>
          %dma_start3A_378 = tpu.memref_squeeze %dma_start3A_377 : memref<1x!tpu.dma_semaphore, #tpu.memory_space<semaphore_mem>> -> memref<!tpu.dma_semaphore, #tpu.memory_space<semaphore_mem>>
          tpu.enqueue_indirect_dma source(%dma_start3A_376 : memref<2000000x64xf32, #tpu.memory_space<hbm>>) target(%dma_start3A_370 : memref<128x64xf32, #tpu.memory_space<vmem>>) offsets(%dma_start3A_373 : memref<128xi32, #tpu.memory_space<vmem>>) semaphore(%dma_start3A_378 : memref<!tpu.dma_semaphore, #tpu.memory_space<semaphore_mem>>)
        } else {
        }
        %mul3A_210 = arith.constant 4 : i32
        %mul3A_211 = arith.muli %add3A_160, %mul3A_210 : i32
        %add3A_212 = arith.constant 1 : i32
        %add3A_213 = arith.addi %mul3A_211, %add3A_212 : i32
        %dma_wait3A_214 = arith.constant 1 : i32
        %dma_wait3A_215 = arith.constant 1 : i32
        %dma_wait3A_216 = arith.constant 0 : i32
        %dma_wait3A_217 = arith.constant 0 : i32
        %dma_wait3A_218 = tpu.memref_slice %arg13[%dma_wait3A_214, %dma_wait3A_216, %dma_wait3A_217] : memref<4x128x64xf32, #tpu.memory_space<vmem>> -> memref<1x128x64xf32, #tpu.memory_space<vmem>>
        %dma_wait3A_219 = tpu.memref_squeeze %dma_wait3A_218 : memref<1x128x64xf32, #tpu.memory_space<vmem>> -> memref<128x64xf32, #tpu.memory_space<vmem>>
        %dma_wait3A_220 = arith.constant 0 : i32
        %dma_wait3A_221 = tpu.memref_slice %arg12[%add3A_213, %dma_wait3A_220] : memref<200x128xi32, #tpu.memory_space<vmem>> -> memref<1x128xi32, #tpu.memory_space<vmem>>
        %dma_wait3A_222 = tpu.memref_squeeze %dma_wait3A_221 : memref<1x128xi32, #tpu.memory_space<vmem>> -> memref<128xi32, #tpu.memory_space<vmem>>
        %dma_wait3A_223 = arith.constant 0 : i32
        %dma_wait3A_224 = arith.constant 0 : i32
        %dma_wait3A_225 = tpu.memref_slice %arg5[%dma_wait3A_223, %dma_wait3A_224] : memref<2000000x64xf32, #tpu.memory_space<hbm>> -> memref<2000000x64xf32, #tpu.memory_space<hbm>>
        %dma_wait3A_226 = tpu.memref_slice %arg15[%dma_wait3A_215] : memref<4x!tpu.dma_semaphore, #tpu.memory_space<semaphore_mem>> -> memref<1x!tpu.dma_semaphore, #tpu.memory_space<semaphore_mem>>
        %dma_wait3A_227 = tpu.memref_squeeze %dma_wait3A_226 : memref<1x!tpu.dma_semaphore, #tpu.memory_space<semaphore_mem>> -> memref<!tpu.dma_semaphore, #tpu.memory_space<semaphore_mem>>
        tpu.wait_indirect_dma semaphore(%dma_wait3A_227 : memref<!tpu.dma_semaphore, #tpu.memory_space<semaphore_mem>>) src(%dma_wait3A_225 : memref<2000000x64xf32, #tpu.memory_space<hbm>>) dst(%dma_wait3A_219 : memref<128x64xf32, #tpu.memory_space<vmem>>)
        %dma_start3A_228 = arith.constant 1 : i32
        %dma_start3A_229 = arith.constant 1 : i32
        %dma_start3A_230 = arith.constant 0 : i32
        %dma_start3A_231 = arith.constant 0 : i32
        %dma_start3A_232 = tpu.memref_slice %arg13[%dma_start3A_228, %dma_start3A_230, %dma_start3A_231] : memref<4x128x64xf32, #tpu.memory_space<vmem>> -> memref<1x128x64xf32, #tpu.memory_space<vmem>>
        %dma_start3A_233 = tpu.memref_squeeze %dma_start3A_232 : memref<1x128x64xf32, #tpu.memory_space<vmem>> -> memref<128x64xf32, #tpu.memory_space<vmem>>
        %dma_start3A_234 = arith.constant 0 : i32
        %dma_start3A_235 = tpu.memref_slice %arg11[%add3A_213, %dma_start3A_234] : memref<200x128xi32, #tpu.memory_space<vmem>> -> memref<1x128xi32, #tpu.memory_space<vmem>>
        %dma_start3A_236 = tpu.memref_squeeze %dma_start3A_235 : memref<1x128xi32, #tpu.memory_space<vmem>> -> memref<128xi32, #tpu.memory_space<vmem>>
        %dma_start3A_237 = arith.constant 0 : i32
        %dma_start3A_238 = arith.constant 0 : i32
        %dma_start3A_239 = tpu.memref_slice %arg9[%dma_start3A_237, %dma_start3A_238] : memref<8192x64xf32, #tpu.memory_space<vmem_shared>> -> memref<8192x64xf32, #tpu.memory_space<vmem_shared>>
        %dma_start3A_240 = tpu.memref_slice %arg16[%dma_start3A_229] : memref<4x!tpu.dma_semaphore, #tpu.memory_space<semaphore_mem>> -> memref<1x!tpu.dma_semaphore, #tpu.memory_space<semaphore_mem>>
        %dma_start3A_241 = tpu.memref_squeeze %dma_start3A_240 : memref<1x!tpu.dma_semaphore, #tpu.memory_space<semaphore_mem>> -> memref<!tpu.dma_semaphore, #tpu.memory_space<semaphore_mem>>
        tpu.enqueue_indirect_dma source(%dma_start3A_233 : memref<128x64xf32, #tpu.memory_space<vmem>>) target(%dma_start3A_239 : memref<8192x64xf32, #tpu.memory_space<vmem_shared>>) offsets(%dma_start3A_236 : memref<128xi32, #tpu.memory_space<vmem>>) semaphore(%dma_start3A_241 : memref<!tpu.dma_semaphore, #tpu.memory_space<semaphore_mem>>) {add = true}
        %dma_wait3A_242 = arith.constant 1 : i32
        %dma_wait3A_243 = arith.constant 1 : i32
        %dma_wait3A_244 = arith.constant 0 : i32
        %dma_wait3A_245 = arith.constant 0 : i32
        %dma_wait3A_246 = tpu.memref_slice %arg13[%dma_wait3A_242, %dma_wait3A_244, %dma_wait3A_245] : memref<4x128x64xf32, #tpu.memory_space<vmem>> -> memref<1x128x64xf32, #tpu.memory_space<vmem>>
        %dma_wait3A_247 = tpu.memref_squeeze %dma_wait3A_246 : memref<1x128x64xf32, #tpu.memory_space<vmem>> -> memref<128x64xf32, #tpu.memory_space<vmem>>
        %dma_wait3A_248 = arith.constant 0 : i32
        %dma_wait3A_249 = tpu.memref_slice %arg11[%add3A_213, %dma_wait3A_248] : memref<200x128xi32, #tpu.memory_space<vmem>> -> memref<1x128xi32, #tpu.memory_space<vmem>>
        %dma_wait3A_250 = tpu.memref_squeeze %dma_wait3A_249 : memref<1x128xi32, #tpu.memory_space<vmem>> -> memref<128xi32, #tpu.memory_space<vmem>>
        %dma_wait3A_251 = arith.constant 0 : i32
        %dma_wait3A_252 = arith.constant 0 : i32
        %dma_wait3A_253 = tpu.memref_slice %arg9[%dma_wait3A_251, %dma_wait3A_252] : memref<8192x64xf32, #tpu.memory_space<vmem_shared>> -> memref<8192x64xf32, #tpu.memory_space<vmem_shared>>
        %dma_wait3A_254 = tpu.memref_slice %arg16[%dma_wait3A_243] : memref<4x!tpu.dma_semaphore, #tpu.memory_space<semaphore_mem>> -> memref<1x!tpu.dma_semaphore, #tpu.memory_space<semaphore_mem>>
        %dma_wait3A_255 = tpu.memref_squeeze %dma_wait3A_254 : memref<1x!tpu.dma_semaphore, #tpu.memory_space<semaphore_mem>> -> memref<!tpu.dma_semaphore, #tpu.memory_space<semaphore_mem>>
        tpu.wait_indirect_dma semaphore(%dma_wait3A_255 : memref<!tpu.dma_semaphore, #tpu.memory_space<semaphore_mem>>) src(%dma_wait3A_247 : memref<128x64xf32, #tpu.memory_space<vmem>>) dst(%dma_wait3A_253 : memref<8192x64xf32, #tpu.memory_space<vmem_shared>>)
        %lt3A_256 = arith.constant 49 : i32
        %lt3A_257 = arith.cmpi slt, %add3A_160, %lt3A_256 : i32
        %convert_element_type3A_258 = arith.extui %lt3A_257 : i1 to i32
        %cond3A_259 = arith.constant 0 : i32
        %cond3A_260 = arith.cmpi ne, %convert_element_type3A_258, %cond3A_259 : i32
        scf.if %cond3A_260 {
          %add3A_363 = arith.constant 4 : i32
          %add3A_364 = arith.addi %add3A_213, %add3A_363 : i32
          %dma_start3A_365 = arith.constant 1 : i32
          %dma_start3A_366 = arith.constant 1 : i32
          %dma_start3A_367 = arith.constant 0 : i32
          %dma_start3A_368 = arith.constant 0 : i32
          %dma_start3A_369 = tpu.memref_slice %arg13[%dma_start3A_365, %dma_start3A_367, %dma_start3A_368] : memref<4x128x64xf32, #tpu.memory_space<vmem>> -> memref<1x128x64xf32, #tpu.memory_space<vmem>>
          %dma_start3A_370 = tpu.memref_squeeze %dma_start3A_369 : memref<1x128x64xf32, #tpu.memory_space<vmem>> -> memref<128x64xf32, #tpu.memory_space<vmem>>
          %dma_start3A_371 = arith.constant 0 : i32
          %dma_start3A_372 = tpu.memref_slice %arg12[%add3A_364, %dma_start3A_371] : memref<200x128xi32, #tpu.memory_space<vmem>> -> memref<1x128xi32, #tpu.memory_space<vmem>>
          %dma_start3A_373 = tpu.memref_squeeze %dma_start3A_372 : memref<1x128xi32, #tpu.memory_space<vmem>> -> memref<128xi32, #tpu.memory_space<vmem>>
          %dma_start3A_374 = arith.constant 0 : i32
          %dma_start3A_375 = arith.constant 0 : i32
          %dma_start3A_376 = tpu.memref_slice %arg5[%dma_start3A_374, %dma_start3A_375] : memref<2000000x64xf32, #tpu.memory_space<hbm>> -> memref<2000000x64xf32, #tpu.memory_space<hbm>>
          %dma_start3A_377 = tpu.memref_slice %arg15[%dma_start3A_366] : memref<4x!tpu.dma_semaphore, #tpu.memory_space<semaphore_mem>> -> memref<1x!tpu.dma_semaphore, #tpu.memory_space<semaphore_mem>>
          %dma_start3A_378 = tpu.memref_squeeze %dma_start3A_377 : memref<1x!tpu.dma_semaphore, #tpu.memory_space<semaphore_mem>> -> memref<!tpu.dma_semaphore, #tpu.memory_space<semaphore_mem>>
          tpu.enqueue_indirect_dma source(%dma_start3A_376 : memref<2000000x64xf32, #tpu.memory_space<hbm>>) target(%dma_start3A_370 : memref<128x64xf32, #tpu.memory_space<vmem>>) offsets(%dma_start3A_373 : memref<128xi32, #tpu.memory_space<vmem>>) semaphore(%dma_start3A_378 : memref<!tpu.dma_semaphore, #tpu.memory_space<semaphore_mem>>)
        } else {
        }
        %mul3A_261 = arith.constant 4 : i32
        %mul3A_262 = arith.muli %add3A_160, %mul3A_261 : i32
        %add3A_263 = arith.constant 2 : i32
        %add3A_264 = arith.addi %mul3A_262, %add3A_263 : i32
        %dma_wait3A_265 = arith.constant 2 : i32
        %dma_wait3A_266 = arith.constant 2 : i32
        %dma_wait3A_267 = arith.constant 0 : i32
        %dma_wait3A_268 = arith.constant 0 : i32
        %dma_wait3A_269 = tpu.memref_slice %arg13[%dma_wait3A_265, %dma_wait3A_267, %dma_wait3A_268] : memref<4x128x64xf32, #tpu.memory_space<vmem>> -> memref<1x128x64xf32, #tpu.memory_space<vmem>>
        %dma_wait3A_270 = tpu.memref_squeeze %dma_wait3A_269 : memref<1x128x64xf32, #tpu.memory_space<vmem>> -> memref<128x64xf32, #tpu.memory_space<vmem>>
        %dma_wait3A_271 = arith.constant 0 : i32
        %dma_wait3A_272 = tpu.memref_slice %arg12[%add3A_264, %dma_wait3A_271] : memref<200x128xi32, #tpu.memory_space<vmem>> -> memref<1x128xi32, #tpu.memory_space<vmem>>
        %dma_wait3A_273 = tpu.memref_squeeze %dma_wait3A_272 : memref<1x128xi32, #tpu.memory_space<vmem>> -> memref<128xi32, #tpu.memory_space<vmem>>
        %dma_wait3A_274 = arith.constant 0 : i32
        %dma_wait3A_275 = arith.constant 0 : i32
        %dma_wait3A_276 = tpu.memref_slice %arg5[%dma_wait3A_274, %dma_wait3A_275] : memref<2000000x64xf32, #tpu.memory_space<hbm>> -> memref<2000000x64xf32, #tpu.memory_space<hbm>>
        %dma_wait3A_277 = tpu.memref_slice %arg15[%dma_wait3A_266] : memref<4x!tpu.dma_semaphore, #tpu.memory_space<semaphore_mem>> -> memref<1x!tpu.dma_semaphore, #tpu.memory_space<semaphore_mem>>
        %dma_wait3A_278 = tpu.memref_squeeze %dma_wait3A_277 : memref<1x!tpu.dma_semaphore, #tpu.memory_space<semaphore_mem>> -> memref<!tpu.dma_semaphore, #tpu.memory_space<semaphore_mem>>
        tpu.wait_indirect_dma semaphore(%dma_wait3A_278 : memref<!tpu.dma_semaphore, #tpu.memory_space<semaphore_mem>>) src(%dma_wait3A_276 : memref<2000000x64xf32, #tpu.memory_space<hbm>>) dst(%dma_wait3A_270 : memref<128x64xf32, #tpu.memory_space<vmem>>)
        %dma_start3A_279 = arith.constant 2 : i32
        %dma_start3A_280 = arith.constant 2 : i32
        %dma_start3A_281 = arith.constant 0 : i32
        %dma_start3A_282 = arith.constant 0 : i32
        %dma_start3A_283 = tpu.memref_slice %arg13[%dma_start3A_279, %dma_start3A_281, %dma_start3A_282] : memref<4x128x64xf32, #tpu.memory_space<vmem>> -> memref<1x128x64xf32, #tpu.memory_space<vmem>>
        %dma_start3A_284 = tpu.memref_squeeze %dma_start3A_283 : memref<1x128x64xf32, #tpu.memory_space<vmem>> -> memref<128x64xf32, #tpu.memory_space<vmem>>
        %dma_start3A_285 = arith.constant 0 : i32
        %dma_start3A_286 = tpu.memref_slice %arg11[%add3A_264, %dma_start3A_285] : memref<200x128xi32, #tpu.memory_space<vmem>> -> memref<1x128xi32, #tpu.memory_space<vmem>>
        %dma_start3A_287 = tpu.memref_squeeze %dma_start3A_286 : memref<1x128xi32, #tpu.memory_space<vmem>> -> memref<128xi32, #tpu.memory_space<vmem>>
        %dma_start3A_288 = arith.constant 0 : i32
        %dma_start3A_289 = arith.constant 0 : i32
        %dma_start3A_290 = tpu.memref_slice %arg9[%dma_start3A_288, %dma_start3A_289] : memref<8192x64xf32, #tpu.memory_space<vmem_shared>> -> memref<8192x64xf32, #tpu.memory_space<vmem_shared>>
        %dma_start3A_291 = tpu.memref_slice %arg16[%dma_start3A_280] : memref<4x!tpu.dma_semaphore, #tpu.memory_space<semaphore_mem>> -> memref<1x!tpu.dma_semaphore, #tpu.memory_space<semaphore_mem>>
        %dma_start3A_292 = tpu.memref_squeeze %dma_start3A_291 : memref<1x!tpu.dma_semaphore, #tpu.memory_space<semaphore_mem>> -> memref<!tpu.dma_semaphore, #tpu.memory_space<semaphore_mem>>
        tpu.enqueue_indirect_dma source(%dma_start3A_284 : memref<128x64xf32, #tpu.memory_space<vmem>>) target(%dma_start3A_290 : memref<8192x64xf32, #tpu.memory_space<vmem_shared>>) offsets(%dma_start3A_287 : memref<128xi32, #tpu.memory_space<vmem>>) semaphore(%dma_start3A_292 : memref<!tpu.dma_semaphore, #tpu.memory_space<semaphore_mem>>) {add = true}
        %dma_wait3A_293 = arith.constant 2 : i32
        %dma_wait3A_294 = arith.constant 2 : i32
        %dma_wait3A_295 = arith.constant 0 : i32
        %dma_wait3A_296 = arith.constant 0 : i32
        %dma_wait3A_297 = tpu.memref_slice %arg13[%dma_wait3A_293, %dma_wait3A_295, %dma_wait3A_296] : memref<4x128x64xf32, #tpu.memory_space<vmem>> -> memref<1x128x64xf32, #tpu.memory_space<vmem>>
        %dma_wait3A_298 = tpu.memref_squeeze %dma_wait3A_297 : memref<1x128x64xf32, #tpu.memory_space<vmem>> -> memref<128x64xf32, #tpu.memory_space<vmem>>
        %dma_wait3A_299 = arith.constant 0 : i32
        %dma_wait3A_300 = tpu.memref_slice %arg11[%add3A_264, %dma_wait3A_299] : memref<200x128xi32, #tpu.memory_space<vmem>> -> memref<1x128xi32, #tpu.memory_space<vmem>>
        %dma_wait3A_301 = tpu.memref_squeeze %dma_wait3A_300 : memref<1x128xi32, #tpu.memory_space<vmem>> -> memref<128xi32, #tpu.memory_space<vmem>>
        %dma_wait3A_302 = arith.constant 0 : i32
        %dma_wait3A_303 = arith.constant 0 : i32
        %dma_wait3A_304 = tpu.memref_slice %arg9[%dma_wait3A_302, %dma_wait3A_303] : memref<8192x64xf32, #tpu.memory_space<vmem_shared>> -> memref<8192x64xf32, #tpu.memory_space<vmem_shared>>
        %dma_wait3A_305 = tpu.memref_slice %arg16[%dma_wait3A_294] : memref<4x!tpu.dma_semaphore, #tpu.memory_space<semaphore_mem>> -> memref<1x!tpu.dma_semaphore, #tpu.memory_space<semaphore_mem>>
        %dma_wait3A_306 = tpu.memref_squeeze %dma_wait3A_305 : memref<1x!tpu.dma_semaphore, #tpu.memory_space<semaphore_mem>> -> memref<!tpu.dma_semaphore, #tpu.memory_space<semaphore_mem>>
        tpu.wait_indirect_dma semaphore(%dma_wait3A_306 : memref<!tpu.dma_semaphore, #tpu.memory_space<semaphore_mem>>) src(%dma_wait3A_298 : memref<128x64xf32, #tpu.memory_space<vmem>>) dst(%dma_wait3A_304 : memref<8192x64xf32, #tpu.memory_space<vmem_shared>>)
        %lt3A_307 = arith.constant 49 : i32
        %lt3A_308 = arith.cmpi slt, %add3A_160, %lt3A_307 : i32
        %convert_element_type3A_309 = arith.extui %lt3A_308 : i1 to i32
        %cond3A_310 = arith.constant 0 : i32
        %cond3A_311 = arith.cmpi ne, %convert_element_type3A_309, %cond3A_310 : i32
        scf.if %cond3A_311 {
          %add3A_363 = arith.constant 4 : i32
          %add3A_364 = arith.addi %add3A_264, %add3A_363 : i32
          %dma_start3A_365 = arith.constant 2 : i32
          %dma_start3A_366 = arith.constant 2 : i32
          %dma_start3A_367 = arith.constant 0 : i32
          %dma_start3A_368 = arith.constant 0 : i32
          %dma_start3A_369 = tpu.memref_slice %arg13[%dma_start3A_365, %dma_start3A_367, %dma_start3A_368] : memref<4x128x64xf32, #tpu.memory_space<vmem>> -> memref<1x128x64xf32, #tpu.memory_space<vmem>>
          %dma_start3A_370 = tpu.memref_squeeze %dma_start3A_369 : memref<1x128x64xf32, #tpu.memory_space<vmem>> -> memref<128x64xf32, #tpu.memory_space<vmem>>
          %dma_start3A_371 = arith.constant 0 : i32
          %dma_start3A_372 = tpu.memref_slice %arg12[%add3A_364, %dma_start3A_371] : memref<200x128xi32, #tpu.memory_space<vmem>> -> memref<1x128xi32, #tpu.memory_space<vmem>>
          %dma_start3A_373 = tpu.memref_squeeze %dma_start3A_372 : memref<1x128xi32, #tpu.memory_space<vmem>> -> memref<128xi32, #tpu.memory_space<vmem>>
          %dma_start3A_374 = arith.constant 0 : i32
          %dma_start3A_375 = arith.constant 0 : i32
          %dma_start3A_376 = tpu.memref_slice %arg5[%dma_start3A_374, %dma_start3A_375] : memref<2000000x64xf32, #tpu.memory_space<hbm>> -> memref<2000000x64xf32, #tpu.memory_space<hbm>>
          %dma_start3A_377 = tpu.memref_slice %arg15[%dma_start3A_366] : memref<4x!tpu.dma_semaphore, #tpu.memory_space<semaphore_mem>> -> memref<1x!tpu.dma_semaphore, #tpu.memory_space<semaphore_mem>>
          %dma_start3A_378 = tpu.memref_squeeze %dma_start3A_377 : memref<1x!tpu.dma_semaphore, #tpu.memory_space<semaphore_mem>> -> memref<!tpu.dma_semaphore, #tpu.memory_space<semaphore_mem>>
          tpu.enqueue_indirect_dma source(%dma_start3A_376 : memref<2000000x64xf32, #tpu.memory_space<hbm>>) target(%dma_start3A_370 : memref<128x64xf32, #tpu.memory_space<vmem>>) offsets(%dma_start3A_373 : memref<128xi32, #tpu.memory_space<vmem>>) semaphore(%dma_start3A_378 : memref<!tpu.dma_semaphore, #tpu.memory_space<semaphore_mem>>)
        } else {
        }
        %mul3A_312 = arith.constant 4 : i32
        %mul3A_313 = arith.muli %add3A_160, %mul3A_312 : i32
        %add3A_314 = arith.constant 3 : i32
        %add3A_315 = arith.addi %mul3A_313, %add3A_314 : i32
        %dma_wait3A_316 = arith.constant 3 : i32
        %dma_wait3A_317 = arith.constant 3 : i32
        %dma_wait3A_318 = arith.constant 0 : i32
        %dma_wait3A_319 = arith.constant 0 : i32
        %dma_wait3A_320 = tpu.memref_slice %arg13[%dma_wait3A_316, %dma_wait3A_318, %dma_wait3A_319] : memref<4x128x64xf32, #tpu.memory_space<vmem>> -> memref<1x128x64xf32, #tpu.memory_space<vmem>>
        %dma_wait3A_321 = tpu.memref_squeeze %dma_wait3A_320 : memref<1x128x64xf32, #tpu.memory_space<vmem>> -> memref<128x64xf32, #tpu.memory_space<vmem>>
        %dma_wait3A_322 = arith.constant 0 : i32
        %dma_wait3A_323 = tpu.memref_slice %arg12[%add3A_315, %dma_wait3A_322] : memref<200x128xi32, #tpu.memory_space<vmem>> -> memref<1x128xi32, #tpu.memory_space<vmem>>
        %dma_wait3A_324 = tpu.memref_squeeze %dma_wait3A_323 : memref<1x128xi32, #tpu.memory_space<vmem>> -> memref<128xi32, #tpu.memory_space<vmem>>
        %dma_wait3A_325 = arith.constant 0 : i32
        %dma_wait3A_326 = arith.constant 0 : i32
        %dma_wait3A_327 = tpu.memref_slice %arg5[%dma_wait3A_325, %dma_wait3A_326] : memref<2000000x64xf32, #tpu.memory_space<hbm>> -> memref<2000000x64xf32, #tpu.memory_space<hbm>>
        %dma_wait3A_328 = tpu.memref_slice %arg15[%dma_wait3A_317] : memref<4x!tpu.dma_semaphore, #tpu.memory_space<semaphore_mem>> -> memref<1x!tpu.dma_semaphore, #tpu.memory_space<semaphore_mem>>
        %dma_wait3A_329 = tpu.memref_squeeze %dma_wait3A_328 : memref<1x!tpu.dma_semaphore, #tpu.memory_space<semaphore_mem>> -> memref<!tpu.dma_semaphore, #tpu.memory_space<semaphore_mem>>
        tpu.wait_indirect_dma semaphore(%dma_wait3A_329 : memref<!tpu.dma_semaphore, #tpu.memory_space<semaphore_mem>>) src(%dma_wait3A_327 : memref<2000000x64xf32, #tpu.memory_space<hbm>>) dst(%dma_wait3A_321 : memref<128x64xf32, #tpu.memory_space<vmem>>)
        %dma_start3A_330 = arith.constant 3 : i32
        %dma_start3A_331 = arith.constant 3 : i32
        %dma_start3A_332 = arith.constant 0 : i32
        %dma_start3A_333 = arith.constant 0 : i32
        %dma_start3A_334 = tpu.memref_slice %arg13[%dma_start3A_330, %dma_start3A_332, %dma_start3A_333] : memref<4x128x64xf32, #tpu.memory_space<vmem>> -> memref<1x128x64xf32, #tpu.memory_space<vmem>>
        %dma_start3A_335 = tpu.memref_squeeze %dma_start3A_334 : memref<1x128x64xf32, #tpu.memory_space<vmem>> -> memref<128x64xf32, #tpu.memory_space<vmem>>
        %dma_start3A_336 = arith.constant 0 : i32
        %dma_start3A_337 = tpu.memref_slice %arg11[%add3A_315, %dma_start3A_336] : memref<200x128xi32, #tpu.memory_space<vmem>> -> memref<1x128xi32, #tpu.memory_space<vmem>>
        %dma_start3A_338 = tpu.memref_squeeze %dma_start3A_337 : memref<1x128xi32, #tpu.memory_space<vmem>> -> memref<128xi32, #tpu.memory_space<vmem>>
        %dma_start3A_339 = arith.constant 0 : i32
        %dma_start3A_340 = arith.constant 0 : i32
        %dma_start3A_341 = tpu.memref_slice %arg9[%dma_start3A_339, %dma_start3A_340] : memref<8192x64xf32, #tpu.memory_space<vmem_shared>> -> memref<8192x64xf32, #tpu.memory_space<vmem_shared>>
        %dma_start3A_342 = tpu.memref_slice %arg16[%dma_start3A_331] : memref<4x!tpu.dma_semaphore, #tpu.memory_space<semaphore_mem>> -> memref<1x!tpu.dma_semaphore, #tpu.memory_space<semaphore_mem>>
        %dma_start3A_343 = tpu.memref_squeeze %dma_start3A_342 : memref<1x!tpu.dma_semaphore, #tpu.memory_space<semaphore_mem>> -> memref<!tpu.dma_semaphore, #tpu.memory_space<semaphore_mem>>
        tpu.enqueue_indirect_dma source(%dma_start3A_335 : memref<128x64xf32, #tpu.memory_space<vmem>>) target(%dma_start3A_341 : memref<8192x64xf32, #tpu.memory_space<vmem_shared>>) offsets(%dma_start3A_338 : memref<128xi32, #tpu.memory_space<vmem>>) semaphore(%dma_start3A_343 : memref<!tpu.dma_semaphore, #tpu.memory_space<semaphore_mem>>) {add = true}
        %dma_wait3A_344 = arith.constant 3 : i32
        %dma_wait3A_345 = arith.constant 3 : i32
        %dma_wait3A_346 = arith.constant 0 : i32
        %dma_wait3A_347 = arith.constant 0 : i32
        %dma_wait3A_348 = tpu.memref_slice %arg13[%dma_wait3A_344, %dma_wait3A_346, %dma_wait3A_347] : memref<4x128x64xf32, #tpu.memory_space<vmem>> -> memref<1x128x64xf32, #tpu.memory_space<vmem>>
        %dma_wait3A_349 = tpu.memref_squeeze %dma_wait3A_348 : memref<1x128x64xf32, #tpu.memory_space<vmem>> -> memref<128x64xf32, #tpu.memory_space<vmem>>
        %dma_wait3A_350 = arith.constant 0 : i32
        %dma_wait3A_351 = tpu.memref_slice %arg11[%add3A_315, %dma_wait3A_350] : memref<200x128xi32, #tpu.memory_space<vmem>> -> memref<1x128xi32, #tpu.memory_space<vmem>>
        %dma_wait3A_352 = tpu.memref_squeeze %dma_wait3A_351 : memref<1x128xi32, #tpu.memory_space<vmem>> -> memref<128xi32, #tpu.memory_space<vmem>>
        %dma_wait3A_353 = arith.constant 0 : i32
        %dma_wait3A_354 = arith.constant 0 : i32
        %dma_wait3A_355 = tpu.memref_slice %arg9[%dma_wait3A_353, %dma_wait3A_354] : memref<8192x64xf32, #tpu.memory_space<vmem_shared>> -> memref<8192x64xf32, #tpu.memory_space<vmem_shared>>
        %dma_wait3A_356 = tpu.memref_slice %arg16[%dma_wait3A_345] : memref<4x!tpu.dma_semaphore, #tpu.memory_space<semaphore_mem>> -> memref<1x!tpu.dma_semaphore, #tpu.memory_space<semaphore_mem>>
        %dma_wait3A_357 = tpu.memref_squeeze %dma_wait3A_356 : memref<1x!tpu.dma_semaphore, #tpu.memory_space<semaphore_mem>> -> memref<!tpu.dma_semaphore, #tpu.memory_space<semaphore_mem>>
        tpu.wait_indirect_dma semaphore(%dma_wait3A_357 : memref<!tpu.dma_semaphore, #tpu.memory_space<semaphore_mem>>) src(%dma_wait3A_349 : memref<128x64xf32, #tpu.memory_space<vmem>>) dst(%dma_wait3A_355 : memref<8192x64xf32, #tpu.memory_space<vmem_shared>>)
        %lt3A_358 = arith.constant 49 : i32
        %lt3A_359 = arith.cmpi slt, %add3A_160, %lt3A_358 : i32
        %convert_element_type3A_360 = arith.extui %lt3A_359 : i1 to i32
        %cond3A_361 = arith.constant 0 : i32
        %cond3A_362 = arith.cmpi ne, %convert_element_type3A_360, %cond3A_361 : i32
        scf.if %cond3A_362 {
          %add3A_363 = arith.constant 4 : i32
          %add3A_364 = arith.addi %add3A_315, %add3A_363 : i32
          %dma_start3A_365 = arith.constant 3 : i32
          %dma_start3A_366 = arith.constant 3 : i32
          %dma_start3A_367 = arith.constant 0 : i32
          %dma_start3A_368 = arith.constant 0 : i32
          %dma_start3A_369 = tpu.memref_slice %arg13[%dma_start3A_365, %dma_start3A_367, %dma_start3A_368] : memref<4x128x64xf32, #tpu.memory_space<vmem>> -> memref<1x128x64xf32, #tpu.memory_space<vmem>>
          %dma_start3A_370 = tpu.memref_squeeze %dma_start3A_369 : memref<1x128x64xf32, #tpu.memory_space<vmem>> -> memref<128x64xf32, #tpu.memory_space<vmem>>
          %dma_start3A_371 = arith.constant 0 : i32
          %dma_start3A_372 = tpu.memref_slice %arg12[%add3A_364, %dma_start3A_371] : memref<200x128xi32, #tpu.memory_space<vmem>> -> memref<1x128xi32, #tpu.memory_space<vmem>>
          %dma_start3A_373 = tpu.memref_squeeze %dma_start3A_372 : memref<1x128xi32, #tpu.memory_space<vmem>> -> memref<128xi32, #tpu.memory_space<vmem>>
          %dma_start3A_374 = arith.constant 0 : i32
          %dma_start3A_375 = arith.constant 0 : i32
          %dma_start3A_376 = tpu.memref_slice %arg5[%dma_start3A_374, %dma_start3A_375] : memref<2000000x64xf32, #tpu.memory_space<hbm>> -> memref<2000000x64xf32, #tpu.memory_space<hbm>>
          %dma_start3A_377 = tpu.memref_slice %arg15[%dma_start3A_366] : memref<4x!tpu.dma_semaphore, #tpu.memory_space<semaphore_mem>> -> memref<1x!tpu.dma_semaphore, #tpu.memory_space<semaphore_mem>>
          %dma_start3A_378 = tpu.memref_squeeze %dma_start3A_377 : memref<1x!tpu.dma_semaphore, #tpu.memory_space<semaphore_mem>> -> memref<!tpu.dma_semaphore, #tpu.memory_space<semaphore_mem>>
          tpu.enqueue_indirect_dma source(%dma_start3A_376 : memref<2000000x64xf32, #tpu.memory_space<hbm>>) target(%dma_start3A_370 : memref<128x64xf32, #tpu.memory_space<vmem>>) offsets(%dma_start3A_373 : memref<128xi32, #tpu.memory_space<vmem>>) semaphore(%dma_start3A_378 : memref<!tpu.dma_semaphore, #tpu.memory_space<semaphore_mem>>)
        } else {
        }
      }
      %scan3A_155 = arith.constant 50 : i32
    } else {
    }
    %eq3A_56 = arith.constant 1 : i32
    %eq3A_57 = arith.cmpi eq, %arg0, %eq3A_56 : i32
    %convert_element_type3A_58 = arith.extui %eq3A_57 : i1 to i32
    %cond3A_59 = arith.constant 0 : i32
    %cond3A_60 = arith.cmpi ne, %convert_element_type3A_58, %cond3A_59 : i32
    scf.if %cond3A_60 {
      %dma_start3A = arith.constant 0 : i32
      %dma_start3A_92 = arith.constant 0 : i32
      %dma_start3A_93 = arith.constant 0 : i32
      %dma_start3A_94 = arith.constant 0 : i32
      %dma_start3A_95 = arith.constant 0 : i32
      %dma_start3A_96 = tpu.memref_slice %arg13[%dma_start3A_92, %dma_start3A_94, %dma_start3A_95] : memref<4x128x64xf32, #tpu.memory_space<vmem>> -> memref<1x128x64xf32, #tpu.memory_space<vmem>>
      %dma_start3A_97 = tpu.memref_squeeze %dma_start3A_96 : memref<1x128x64xf32, #tpu.memory_space<vmem>> -> memref<128x64xf32, #tpu.memory_space<vmem>>
      %dma_start3A_98 = arith.constant 0 : i32
      %dma_start3A_99 = tpu.memref_slice %arg12[%dma_start3A, %dma_start3A_98] : memref<200x128xi32, #tpu.memory_space<vmem>> -> memref<1x128xi32, #tpu.memory_space<vmem>>
      %dma_start3A_100 = tpu.memref_squeeze %dma_start3A_99 : memref<1x128xi32, #tpu.memory_space<vmem>> -> memref<128xi32, #tpu.memory_space<vmem>>
      %dma_start3A_101 = arith.constant 0 : i32
      %dma_start3A_102 = arith.constant 0 : i32
      %dma_start3A_103 = tpu.memref_slice %arg6[%dma_start3A_101, %dma_start3A_102] : memref<2000x64xf32, #tpu.memory_space<hbm>> -> memref<2000x64xf32, #tpu.memory_space<hbm>>
      %dma_start3A_104 = tpu.memref_slice %arg15[%dma_start3A_93] : memref<4x!tpu.dma_semaphore, #tpu.memory_space<semaphore_mem>> -> memref<1x!tpu.dma_semaphore, #tpu.memory_space<semaphore_mem>>
      %dma_start3A_105 = tpu.memref_squeeze %dma_start3A_104 : memref<1x!tpu.dma_semaphore, #tpu.memory_space<semaphore_mem>> -> memref<!tpu.dma_semaphore, #tpu.memory_space<semaphore_mem>>
      tpu.enqueue_indirect_dma source(%dma_start3A_103 : memref<2000x64xf32, #tpu.memory_space<hbm>>) target(%dma_start3A_97 : memref<128x64xf32, #tpu.memory_space<vmem>>) offsets(%dma_start3A_100 : memref<128xi32, #tpu.memory_space<vmem>>) semaphore(%dma_start3A_105 : memref<!tpu.dma_semaphore, #tpu.memory_space<semaphore_mem>>)
      %dma_start3A_106 = arith.constant 1 : i32
      %dma_start3A_107 = arith.constant 1 : i32
      %dma_start3A_108 = arith.constant 1 : i32
      %dma_start3A_109 = arith.constant 0 : i32
      %dma_start3A_110 = arith.constant 0 : i32
      %dma_start3A_111 = tpu.memref_slice %arg13[%dma_start3A_107, %dma_start3A_109, %dma_start3A_110] : memref<4x128x64xf32, #tpu.memory_space<vmem>> -> memref<1x128x64xf32, #tpu.memory_space<vmem>>
      %dma_start3A_112 = tpu.memref_squeeze %dma_start3A_111 : memref<1x128x64xf32, #tpu.memory_space<vmem>> -> memref<128x64xf32, #tpu.memory_space<vmem>>
      %dma_start3A_113 = arith.constant 0 : i32
      %dma_start3A_114 = tpu.memref_slice %arg12[%dma_start3A_106, %dma_start3A_113] : memref<200x128xi32, #tpu.memory_space<vmem>> -> memref<1x128xi32, #tpu.memory_space<vmem>>
      %dma_start3A_115 = tpu.memref_squeeze %dma_start3A_114 : memref<1x128xi32, #tpu.memory_space<vmem>> -> memref<128xi32, #tpu.memory_space<vmem>>
      %dma_start3A_116 = arith.constant 0 : i32
      %dma_start3A_117 = arith.constant 0 : i32
      %dma_start3A_118 = tpu.memref_slice %arg6[%dma_start3A_116, %dma_start3A_117] : memref<2000x64xf32, #tpu.memory_space<hbm>> -> memref<2000x64xf32, #tpu.memory_space<hbm>>
      %dma_start3A_119 = tpu.memref_slice %arg15[%dma_start3A_108] : memref<4x!tpu.dma_semaphore, #tpu.memory_space<semaphore_mem>> -> memref<1x!tpu.dma_semaphore, #tpu.memory_space<semaphore_mem>>
      %dma_start3A_120 = tpu.memref_squeeze %dma_start3A_119 : memref<1x!tpu.dma_semaphore, #tpu.memory_space<semaphore_mem>> -> memref<!tpu.dma_semaphore, #tpu.memory_space<semaphore_mem>>
      tpu.enqueue_indirect_dma source(%dma_start3A_118 : memref<2000x64xf32, #tpu.memory_space<hbm>>) target(%dma_start3A_112 : memref<128x64xf32, #tpu.memory_space<vmem>>) offsets(%dma_start3A_115 : memref<128xi32, #tpu.memory_space<vmem>>) semaphore(%dma_start3A_120 : memref<!tpu.dma_semaphore, #tpu.memory_space<semaphore_mem>>)
      %dma_start3A_121 = arith.constant 2 : i32
      %dma_start3A_122 = arith.constant 2 : i32
      %dma_start3A_123 = arith.constant 2 : i32
      %dma_start3A_124 = arith.constant 0 : i32
      %dma_start3A_125 = arith.constant 0 : i32
      %dma_start3A_126 = tpu.memref_slice %arg13[%dma_start3A_122, %dma_start3A_124, %dma_start3A_125] : memref<4x128x64xf32, #tpu.memory_space<vmem>> -> memref<1x128x64xf32, #tpu.memory_space<vmem>>
      %dma_start3A_127 = tpu.memref_squeeze %dma_start3A_126 : memref<1x128x64xf32, #tpu.memory_space<vmem>> -> memref<128x64xf32, #tpu.memory_space<vmem>>
      %dma_start3A_128 = arith.constant 0 : i32
      %dma_start3A_129 = tpu.memref_slice %arg12[%dma_start3A_121, %dma_start3A_128] : memref<200x128xi32, #tpu.memory_space<vmem>> -> memref<1x128xi32, #tpu.memory_space<vmem>>
      %dma_start3A_130 = tpu.memref_squeeze %dma_start3A_129 : memref<1x128xi32, #tpu.memory_space<vmem>> -> memref<128xi32, #tpu.memory_space<vmem>>
      %dma_start3A_131 = arith.constant 0 : i32
      %dma_start3A_132 = arith.constant 0 : i32
      %dma_start3A_133 = tpu.memref_slice %arg6[%dma_start3A_131, %dma_start3A_132] : memref<2000x64xf32, #tpu.memory_space<hbm>> -> memref<2000x64xf32, #tpu.memory_space<hbm>>
      %dma_start3A_134 = tpu.memref_slice %arg15[%dma_start3A_123] : memref<4x!tpu.dma_semaphore, #tpu.memory_space<semaphore_mem>> -> memref<1x!tpu.dma_semaphore, #tpu.memory_space<semaphore_mem>>
      %dma_start3A_135 = tpu.memref_squeeze %dma_start3A_134 : memref<1x!tpu.dma_semaphore, #tpu.memory_space<semaphore_mem>> -> memref<!tpu.dma_semaphore, #tpu.memory_space<semaphore_mem>>
      tpu.enqueue_indirect_dma source(%dma_start3A_133 : memref<2000x64xf32, #tpu.memory_space<hbm>>) target(%dma_start3A_127 : memref<128x64xf32, #tpu.memory_space<vmem>>) offsets(%dma_start3A_130 : memref<128xi32, #tpu.memory_space<vmem>>) semaphore(%dma_start3A_135 : memref<!tpu.dma_semaphore, #tpu.memory_space<semaphore_mem>>)
      %dma_start3A_136 = arith.constant 3 : i32
      %dma_start3A_137 = arith.constant 3 : i32
      %dma_start3A_138 = arith.constant 3 : i32
      %dma_start3A_139 = arith.constant 0 : i32
      %dma_start3A_140 = arith.constant 0 : i32
      %dma_start3A_141 = tpu.memref_slice %arg13[%dma_start3A_137, %dma_start3A_139, %dma_start3A_140] : memref<4x128x64xf32, #tpu.memory_space<vmem>> -> memref<1x128x64xf32, #tpu.memory_space<vmem>>
      %dma_start3A_142 = tpu.memref_squeeze %dma_start3A_141 : memref<1x128x64xf32, #tpu.memory_space<vmem>> -> memref<128x64xf32, #tpu.memory_space<vmem>>
      %dma_start3A_143 = arith.constant 0 : i32
      %dma_start3A_144 = tpu.memref_slice %arg12[%dma_start3A_136, %dma_start3A_143] : memref<200x128xi32, #tpu.memory_space<vmem>> -> memref<1x128xi32, #tpu.memory_space<vmem>>
      %dma_start3A_145 = tpu.memref_squeeze %dma_start3A_144 : memref<1x128xi32, #tpu.memory_space<vmem>> -> memref<128xi32, #tpu.memory_space<vmem>>
      %dma_start3A_146 = arith.constant 0 : i32
      %dma_start3A_147 = arith.constant 0 : i32
      %dma_start3A_148 = tpu.memref_slice %arg6[%dma_start3A_146, %dma_start3A_147] : memref<2000x64xf32, #tpu.memory_space<hbm>> -> memref<2000x64xf32, #tpu.memory_space<hbm>>
      %dma_start3A_149 = tpu.memref_slice %arg15[%dma_start3A_138] : memref<4x!tpu.dma_semaphore, #tpu.memory_space<semaphore_mem>> -> memref<1x!tpu.dma_semaphore, #tpu.memory_space<semaphore_mem>>
      %dma_start3A_150 = tpu.memref_squeeze %dma_start3A_149 : memref<1x!tpu.dma_semaphore, #tpu.memory_space<semaphore_mem>> -> memref<!tpu.dma_semaphore, #tpu.memory_space<semaphore_mem>>
      tpu.enqueue_indirect_dma source(%dma_start3A_148 : memref<2000x64xf32, #tpu.memory_space<hbm>>) target(%dma_start3A_142 : memref<128x64xf32, #tpu.memory_space<vmem>>) offsets(%dma_start3A_145 : memref<128xi32, #tpu.memory_space<vmem>>) semaphore(%dma_start3A_150 : memref<!tpu.dma_semaphore, #tpu.memory_space<semaphore_mem>>)
      %scan3A_151 = arith.constant 0 : i32
      %scan3A_152 = arith.constant 50 : i32
      %scan3A_153 = arith.addi %scan3A_151, %scan3A_152 : i32
      %scan3A_154 = arith.constant 1 : i32
      scf.for %scan3A_156 = %scan3A_151 to %scan3A_153 step %scan3A_154  : i32 {
        %mul3A_157 = arith.constant 1 : i32
        %mul3A_158 = arith.muli %scan3A_156, %mul3A_157 : i32
        %add3A_159 = arith.constant 0 : i32
        %add3A_160 = arith.addi %add3A_159, %mul3A_158 : i32
        %mul3A_161 = arith.constant 4 : i32
        %mul3A_162 = arith.muli %add3A_160, %mul3A_161 : i32
        %add3A_163 = arith.constant 0 : i32
        %add3A_164 = arith.addi %mul3A_162, %add3A_163 : i32
        %dma_wait3A = arith.constant 0 : i32
        %dma_wait3A_165 = arith.constant 0 : i32
        %dma_wait3A_166 = arith.constant 0 : i32
        %dma_wait3A_167 = arith.constant 0 : i32
        %dma_wait3A_168 = tpu.memref_slice %arg13[%dma_wait3A, %dma_wait3A_166, %dma_wait3A_167] : memref<4x128x64xf32, #tpu.memory_space<vmem>> -> memref<1x128x64xf32, #tpu.memory_space<vmem>>
        %dma_wait3A_169 = tpu.memref_squeeze %dma_wait3A_168 : memref<1x128x64xf32, #tpu.memory_space<vmem>> -> memref<128x64xf32, #tpu.memory_space<vmem>>
        %dma_wait3A_170 = arith.constant 0 : i32
        %dma_wait3A_171 = tpu.memref_slice %arg12[%add3A_164, %dma_wait3A_170] : memref<200x128xi32, #tpu.memory_space<vmem>> -> memref<1x128xi32, #tpu.memory_space<vmem>>
        %dma_wait3A_172 = tpu.memref_squeeze %dma_wait3A_171 : memref<1x128xi32, #tpu.memory_space<vmem>> -> memref<128xi32, #tpu.memory_space<vmem>>
        %dma_wait3A_173 = arith.constant 0 : i32
        %dma_wait3A_174 = arith.constant 0 : i32
        %dma_wait3A_175 = tpu.memref_slice %arg6[%dma_wait3A_173, %dma_wait3A_174] : memref<2000x64xf32, #tpu.memory_space<hbm>> -> memref<2000x64xf32, #tpu.memory_space<hbm>>
        %dma_wait3A_176 = tpu.memref_slice %arg15[%dma_wait3A_165] : memref<4x!tpu.dma_semaphore, #tpu.memory_space<semaphore_mem>> -> memref<1x!tpu.dma_semaphore, #tpu.memory_space<semaphore_mem>>
        %dma_wait3A_177 = tpu.memref_squeeze %dma_wait3A_176 : memref<1x!tpu.dma_semaphore, #tpu.memory_space<semaphore_mem>> -> memref<!tpu.dma_semaphore, #tpu.memory_space<semaphore_mem>>
        tpu.wait_indirect_dma semaphore(%dma_wait3A_177 : memref<!tpu.dma_semaphore, #tpu.memory_space<semaphore_mem>>) src(%dma_wait3A_175 : memref<2000x64xf32, #tpu.memory_space<hbm>>) dst(%dma_wait3A_169 : memref<128x64xf32, #tpu.memory_space<vmem>>)
        %dma_start3A_178 = arith.constant 0 : i32
        %dma_start3A_179 = arith.constant 0 : i32
        %dma_start3A_180 = arith.constant 0 : i32
        %dma_start3A_181 = arith.constant 0 : i32
        %dma_start3A_182 = tpu.memref_slice %arg13[%dma_start3A_178, %dma_start3A_180, %dma_start3A_181] : memref<4x128x64xf32, #tpu.memory_space<vmem>> -> memref<1x128x64xf32, #tpu.memory_space<vmem>>
        %dma_start3A_183 = tpu.memref_squeeze %dma_start3A_182 : memref<1x128x64xf32, #tpu.memory_space<vmem>> -> memref<128x64xf32, #tpu.memory_space<vmem>>
        %dma_start3A_184 = arith.constant 0 : i32
        %dma_start3A_185 = tpu.memref_slice %arg11[%add3A_164, %dma_start3A_184] : memref<200x128xi32, #tpu.memory_space<vmem>> -> memref<1x128xi32, #tpu.memory_space<vmem>>
        %dma_start3A_186 = tpu.memref_squeeze %dma_start3A_185 : memref<1x128xi32, #tpu.memory_space<vmem>> -> memref<128xi32, #tpu.memory_space<vmem>>
        %dma_start3A_187 = arith.constant 0 : i32
        %dma_start3A_188 = arith.constant 0 : i32
        %dma_start3A_189 = tpu.memref_slice %arg9[%dma_start3A_187, %dma_start3A_188] : memref<8192x64xf32, #tpu.memory_space<vmem_shared>> -> memref<8192x64xf32, #tpu.memory_space<vmem_shared>>
        %dma_start3A_190 = tpu.memref_slice %arg16[%dma_start3A_179] : memref<4x!tpu.dma_semaphore, #tpu.memory_space<semaphore_mem>> -> memref<1x!tpu.dma_semaphore, #tpu.memory_space<semaphore_mem>>
        %dma_start3A_191 = tpu.memref_squeeze %dma_start3A_190 : memref<1x!tpu.dma_semaphore, #tpu.memory_space<semaphore_mem>> -> memref<!tpu.dma_semaphore, #tpu.memory_space<semaphore_mem>>
        tpu.enqueue_indirect_dma source(%dma_start3A_183 : memref<128x64xf32, #tpu.memory_space<vmem>>) target(%dma_start3A_189 : memref<8192x64xf32, #tpu.memory_space<vmem_shared>>) offsets(%dma_start3A_186 : memref<128xi32, #tpu.memory_space<vmem>>) semaphore(%dma_start3A_191 : memref<!tpu.dma_semaphore, #tpu.memory_space<semaphore_mem>>) {add = true}
        %dma_wait3A_192 = arith.constant 0 : i32
        %dma_wait3A_193 = arith.constant 0 : i32
        %dma_wait3A_194 = arith.constant 0 : i32
        %dma_wait3A_195 = arith.constant 0 : i32
        %dma_wait3A_196 = tpu.memref_slice %arg13[%dma_wait3A_192, %dma_wait3A_194, %dma_wait3A_195] : memref<4x128x64xf32, #tpu.memory_space<vmem>> -> memref<1x128x64xf32, #tpu.memory_space<vmem>>
        %dma_wait3A_197 = tpu.memref_squeeze %dma_wait3A_196 : memref<1x128x64xf32, #tpu.memory_space<vmem>> -> memref<128x64xf32, #tpu.memory_space<vmem>>
        %dma_wait3A_198 = arith.constant 0 : i32
        %dma_wait3A_199 = tpu.memref_slice %arg11[%add3A_164, %dma_wait3A_198] : memref<200x128xi32, #tpu.memory_space<vmem>> -> memref<1x128xi32, #tpu.memory_space<vmem>>
        %dma_wait3A_200 = tpu.memref_squeeze %dma_wait3A_199 : memref<1x128xi32, #tpu.memory_space<vmem>> -> memref<128xi32, #tpu.memory_space<vmem>>
        %dma_wait3A_201 = arith.constant 0 : i32
        %dma_wait3A_202 = arith.constant 0 : i32
        %dma_wait3A_203 = tpu.memref_slice %arg9[%dma_wait3A_201, %dma_wait3A_202] : memref<8192x64xf32, #tpu.memory_space<vmem_shared>> -> memref<8192x64xf32, #tpu.memory_space<vmem_shared>>
        %dma_wait3A_204 = tpu.memref_slice %arg16[%dma_wait3A_193] : memref<4x!tpu.dma_semaphore, #tpu.memory_space<semaphore_mem>> -> memref<1x!tpu.dma_semaphore, #tpu.memory_space<semaphore_mem>>
        %dma_wait3A_205 = tpu.memref_squeeze %dma_wait3A_204 : memref<1x!tpu.dma_semaphore, #tpu.memory_space<semaphore_mem>> -> memref<!tpu.dma_semaphore, #tpu.memory_space<semaphore_mem>>
        tpu.wait_indirect_dma semaphore(%dma_wait3A_205 : memref<!tpu.dma_semaphore, #tpu.memory_space<semaphore_mem>>) src(%dma_wait3A_197 : memref<128x64xf32, #tpu.memory_space<vmem>>) dst(%dma_wait3A_203 : memref<8192x64xf32, #tpu.memory_space<vmem_shared>>)
        %lt3A = arith.constant 49 : i32
        %lt3A_206 = arith.cmpi slt, %add3A_160, %lt3A : i32
        %convert_element_type3A_207 = arith.extui %lt3A_206 : i1 to i32
        %cond3A_208 = arith.constant 0 : i32
        %cond3A_209 = arith.cmpi ne, %convert_element_type3A_207, %cond3A_208 : i32
        scf.if %cond3A_209 {
          %add3A_363 = arith.constant 4 : i32
          %add3A_364 = arith.addi %add3A_164, %add3A_363 : i32
          %dma_start3A_365 = arith.constant 0 : i32
          %dma_start3A_366 = arith.constant 0 : i32
          %dma_start3A_367 = arith.constant 0 : i32
          %dma_start3A_368 = arith.constant 0 : i32
          %dma_start3A_369 = tpu.memref_slice %arg13[%dma_start3A_365, %dma_start3A_367, %dma_start3A_368] : memref<4x128x64xf32, #tpu.memory_space<vmem>> -> memref<1x128x64xf32, #tpu.memory_space<vmem>>
          %dma_start3A_370 = tpu.memref_squeeze %dma_start3A_369 : memref<1x128x64xf32, #tpu.memory_space<vmem>> -> memref<128x64xf32, #tpu.memory_space<vmem>>
          %dma_start3A_371 = arith.constant 0 : i32
          %dma_start3A_372 = tpu.memref_slice %arg12[%add3A_364, %dma_start3A_371] : memref<200x128xi32, #tpu.memory_space<vmem>> -> memref<1x128xi32, #tpu.memory_space<vmem>>
          %dma_start3A_373 = tpu.memref_squeeze %dma_start3A_372 : memref<1x128xi32, #tpu.memory_space<vmem>> -> memref<128xi32, #tpu.memory_space<vmem>>
          %dma_start3A_374 = arith.constant 0 : i32
          %dma_start3A_375 = arith.constant 0 : i32
          %dma_start3A_376 = tpu.memref_slice %arg6[%dma_start3A_374, %dma_start3A_375] : memref<2000x64xf32, #tpu.memory_space<hbm>> -> memref<2000x64xf32, #tpu.memory_space<hbm>>
          %dma_start3A_377 = tpu.memref_slice %arg15[%dma_start3A_366] : memref<4x!tpu.dma_semaphore, #tpu.memory_space<semaphore_mem>> -> memref<1x!tpu.dma_semaphore, #tpu.memory_space<semaphore_mem>>
          %dma_start3A_378 = tpu.memref_squeeze %dma_start3A_377 : memref<1x!tpu.dma_semaphore, #tpu.memory_space<semaphore_mem>> -> memref<!tpu.dma_semaphore, #tpu.memory_space<semaphore_mem>>
          tpu.enqueue_indirect_dma source(%dma_start3A_376 : memref<2000x64xf32, #tpu.memory_space<hbm>>) target(%dma_start3A_370 : memref<128x64xf32, #tpu.memory_space<vmem>>) offsets(%dma_start3A_373 : memref<128xi32, #tpu.memory_space<vmem>>) semaphore(%dma_start3A_378 : memref<!tpu.dma_semaphore, #tpu.memory_space<semaphore_mem>>)
        } else {
        }
        %mul3A_210 = arith.constant 4 : i32
        %mul3A_211 = arith.muli %add3A_160, %mul3A_210 : i32
        %add3A_212 = arith.constant 1 : i32
        %add3A_213 = arith.addi %mul3A_211, %add3A_212 : i32
        %dma_wait3A_214 = arith.constant 1 : i32
        %dma_wait3A_215 = arith.constant 1 : i32
        %dma_wait3A_216 = arith.constant 0 : i32
        %dma_wait3A_217 = arith.constant 0 : i32
        %dma_wait3A_218 = tpu.memref_slice %arg13[%dma_wait3A_214, %dma_wait3A_216, %dma_wait3A_217] : memref<4x128x64xf32, #tpu.memory_space<vmem>> -> memref<1x128x64xf32, #tpu.memory_space<vmem>>
        %dma_wait3A_219 = tpu.memref_squeeze %dma_wait3A_218 : memref<1x128x64xf32, #tpu.memory_space<vmem>> -> memref<128x64xf32, #tpu.memory_space<vmem>>
        %dma_wait3A_220 = arith.constant 0 : i32
        %dma_wait3A_221 = tpu.memref_slice %arg12[%add3A_213, %dma_wait3A_220] : memref<200x128xi32, #tpu.memory_space<vmem>> -> memref<1x128xi32, #tpu.memory_space<vmem>>
        %dma_wait3A_222 = tpu.memref_squeeze %dma_wait3A_221 : memref<1x128xi32, #tpu.memory_space<vmem>> -> memref<128xi32, #tpu.memory_space<vmem>>
        %dma_wait3A_223 = arith.constant 0 : i32
        %dma_wait3A_224 = arith.constant 0 : i32
        %dma_wait3A_225 = tpu.memref_slice %arg6[%dma_wait3A_223, %dma_wait3A_224] : memref<2000x64xf32, #tpu.memory_space<hbm>> -> memref<2000x64xf32, #tpu.memory_space<hbm>>
        %dma_wait3A_226 = tpu.memref_slice %arg15[%dma_wait3A_215] : memref<4x!tpu.dma_semaphore, #tpu.memory_space<semaphore_mem>> -> memref<1x!tpu.dma_semaphore, #tpu.memory_space<semaphore_mem>>
        %dma_wait3A_227 = tpu.memref_squeeze %dma_wait3A_226 : memref<1x!tpu.dma_semaphore, #tpu.memory_space<semaphore_mem>> -> memref<!tpu.dma_semaphore, #tpu.memory_space<semaphore_mem>>
        tpu.wait_indirect_dma semaphore(%dma_wait3A_227 : memref<!tpu.dma_semaphore, #tpu.memory_space<semaphore_mem>>) src(%dma_wait3A_225 : memref<2000x64xf32, #tpu.memory_space<hbm>>) dst(%dma_wait3A_219 : memref<128x64xf32, #tpu.memory_space<vmem>>)
        %dma_start3A_228 = arith.constant 1 : i32
        %dma_start3A_229 = arith.constant 1 : i32
        %dma_start3A_230 = arith.constant 0 : i32
        %dma_start3A_231 = arith.constant 0 : i32
        %dma_start3A_232 = tpu.memref_slice %arg13[%dma_start3A_228, %dma_start3A_230, %dma_start3A_231] : memref<4x128x64xf32, #tpu.memory_space<vmem>> -> memref<1x128x64xf32, #tpu.memory_space<vmem>>
        %dma_start3A_233 = tpu.memref_squeeze %dma_start3A_232 : memref<1x128x64xf32, #tpu.memory_space<vmem>> -> memref<128x64xf32, #tpu.memory_space<vmem>>
        %dma_start3A_234 = arith.constant 0 : i32
        %dma_start3A_235 = tpu.memref_slice %arg11[%add3A_213, %dma_start3A_234] : memref<200x128xi32, #tpu.memory_space<vmem>> -> memref<1x128xi32, #tpu.memory_space<vmem>>
        %dma_start3A_236 = tpu.memref_squeeze %dma_start3A_235 : memref<1x128xi32, #tpu.memory_space<vmem>> -> memref<128xi32, #tpu.memory_space<vmem>>
        %dma_start3A_237 = arith.constant 0 : i32
        %dma_start3A_238 = arith.constant 0 : i32
        %dma_start3A_239 = tpu.memref_slice %arg9[%dma_start3A_237, %dma_start3A_238] : memref<8192x64xf32, #tpu.memory_space<vmem_shared>> -> memref<8192x64xf32, #tpu.memory_space<vmem_shared>>
        %dma_start3A_240 = tpu.memref_slice %arg16[%dma_start3A_229] : memref<4x!tpu.dma_semaphore, #tpu.memory_space<semaphore_mem>> -> memref<1x!tpu.dma_semaphore, #tpu.memory_space<semaphore_mem>>
        %dma_start3A_241 = tpu.memref_squeeze %dma_start3A_240 : memref<1x!tpu.dma_semaphore, #tpu.memory_space<semaphore_mem>> -> memref<!tpu.dma_semaphore, #tpu.memory_space<semaphore_mem>>
        tpu.enqueue_indirect_dma source(%dma_start3A_233 : memref<128x64xf32, #tpu.memory_space<vmem>>) target(%dma_start3A_239 : memref<8192x64xf32, #tpu.memory_space<vmem_shared>>) offsets(%dma_start3A_236 : memref<128xi32, #tpu.memory_space<vmem>>) semaphore(%dma_start3A_241 : memref<!tpu.dma_semaphore, #tpu.memory_space<semaphore_mem>>) {add = true}
        %dma_wait3A_242 = arith.constant 1 : i32
        %dma_wait3A_243 = arith.constant 1 : i32
        %dma_wait3A_244 = arith.constant 0 : i32
        %dma_wait3A_245 = arith.constant 0 : i32
        %dma_wait3A_246 = tpu.memref_slice %arg13[%dma_wait3A_242, %dma_wait3A_244, %dma_wait3A_245] : memref<4x128x64xf32, #tpu.memory_space<vmem>> -> memref<1x128x64xf32, #tpu.memory_space<vmem>>
        %dma_wait3A_247 = tpu.memref_squeeze %dma_wait3A_246 : memref<1x128x64xf32, #tpu.memory_space<vmem>> -> memref<128x64xf32, #tpu.memory_space<vmem>>
        %dma_wait3A_248 = arith.constant 0 : i32
        %dma_wait3A_249 = tpu.memref_slice %arg11[%add3A_213, %dma_wait3A_248] : memref<200x128xi32, #tpu.memory_space<vmem>> -> memref<1x128xi32, #tpu.memory_space<vmem>>
        %dma_wait3A_250 = tpu.memref_squeeze %dma_wait3A_249 : memref<1x128xi32, #tpu.memory_space<vmem>> -> memref<128xi32, #tpu.memory_space<vmem>>
        %dma_wait3A_251 = arith.constant 0 : i32
        %dma_wait3A_252 = arith.constant 0 : i32
        %dma_wait3A_253 = tpu.memref_slice %arg9[%dma_wait3A_251, %dma_wait3A_252] : memref<8192x64xf32, #tpu.memory_space<vmem_shared>> -> memref<8192x64xf32, #tpu.memory_space<vmem_shared>>
        %dma_wait3A_254 = tpu.memref_slice %arg16[%dma_wait3A_243] : memref<4x!tpu.dma_semaphore, #tpu.memory_space<semaphore_mem>> -> memref<1x!tpu.dma_semaphore, #tpu.memory_space<semaphore_mem>>
        %dma_wait3A_255 = tpu.memref_squeeze %dma_wait3A_254 : memref<1x!tpu.dma_semaphore, #tpu.memory_space<semaphore_mem>> -> memref<!tpu.dma_semaphore, #tpu.memory_space<semaphore_mem>>
        tpu.wait_indirect_dma semaphore(%dma_wait3A_255 : memref<!tpu.dma_semaphore, #tpu.memory_space<semaphore_mem>>) src(%dma_wait3A_247 : memref<128x64xf32, #tpu.memory_space<vmem>>) dst(%dma_wait3A_253 : memref<8192x64xf32, #tpu.memory_space<vmem_shared>>)
        %lt3A_256 = arith.constant 49 : i32
        %lt3A_257 = arith.cmpi slt, %add3A_160, %lt3A_256 : i32
        %convert_element_type3A_258 = arith.extui %lt3A_257 : i1 to i32
        %cond3A_259 = arith.constant 0 : i32
        %cond3A_260 = arith.cmpi ne, %convert_element_type3A_258, %cond3A_259 : i32
        scf.if %cond3A_260 {
          %add3A_363 = arith.constant 4 : i32
          %add3A_364 = arith.addi %add3A_213, %add3A_363 : i32
          %dma_start3A_365 = arith.constant 1 : i32
          %dma_start3A_366 = arith.constant 1 : i32
          %dma_start3A_367 = arith.constant 0 : i32
          %dma_start3A_368 = arith.constant 0 : i32
          %dma_start3A_369 = tpu.memref_slice %arg13[%dma_start3A_365, %dma_start3A_367, %dma_start3A_368] : memref<4x128x64xf32, #tpu.memory_space<vmem>> -> memref<1x128x64xf32, #tpu.memory_space<vmem>>
          %dma_start3A_370 = tpu.memref_squeeze %dma_start3A_369 : memref<1x128x64xf32, #tpu.memory_space<vmem>> -> memref<128x64xf32, #tpu.memory_space<vmem>>
          %dma_start3A_371 = arith.constant 0 : i32
          %dma_start3A_372 = tpu.memref_slice %arg12[%add3A_364, %dma_start3A_371] : memref<200x128xi32, #tpu.memory_space<vmem>> -> memref<1x128xi32, #tpu.memory_space<vmem>>
          %dma_start3A_373 = tpu.memref_squeeze %dma_start3A_372 : memref<1x128xi32, #tpu.memory_space<vmem>> -> memref<128xi32, #tpu.memory_space<vmem>>
          %dma_start3A_374 = arith.constant 0 : i32
          %dma_start3A_375 = arith.constant 0 : i32
          %dma_start3A_376 = tpu.memref_slice %arg6[%dma_start3A_374, %dma_start3A_375] : memref<2000x64xf32, #tpu.memory_space<hbm>> -> memref<2000x64xf32, #tpu.memory_space<hbm>>
          %dma_start3A_377 = tpu.memref_slice %arg15[%dma_start3A_366] : memref<4x!tpu.dma_semaphore, #tpu.memory_space<semaphore_mem>> -> memref<1x!tpu.dma_semaphore, #tpu.memory_space<semaphore_mem>>
          %dma_start3A_378 = tpu.memref_squeeze %dma_start3A_377 : memref<1x!tpu.dma_semaphore, #tpu.memory_space<semaphore_mem>> -> memref<!tpu.dma_semaphore, #tpu.memory_space<semaphore_mem>>
          tpu.enqueue_indirect_dma source(%dma_start3A_376 : memref<2000x64xf32, #tpu.memory_space<hbm>>) target(%dma_start3A_370 : memref<128x64xf32, #tpu.memory_space<vmem>>) offsets(%dma_start3A_373 : memref<128xi32, #tpu.memory_space<vmem>>) semaphore(%dma_start3A_378 : memref<!tpu.dma_semaphore, #tpu.memory_space<semaphore_mem>>)
        } else {
        }
        %mul3A_261 = arith.constant 4 : i32
        %mul3A_262 = arith.muli %add3A_160, %mul3A_261 : i32
        %add3A_263 = arith.constant 2 : i32
        %add3A_264 = arith.addi %mul3A_262, %add3A_263 : i32
        %dma_wait3A_265 = arith.constant 2 : i32
        %dma_wait3A_266 = arith.constant 2 : i32
        %dma_wait3A_267 = arith.constant 0 : i32
        %dma_wait3A_268 = arith.constant 0 : i32
        %dma_wait3A_269 = tpu.memref_slice %arg13[%dma_wait3A_265, %dma_wait3A_267, %dma_wait3A_268] : memref<4x128x64xf32, #tpu.memory_space<vmem>> -> memref<1x128x64xf32, #tpu.memory_space<vmem>>
        %dma_wait3A_270 = tpu.memref_squeeze %dma_wait3A_269 : memref<1x128x64xf32, #tpu.memory_space<vmem>> -> memref<128x64xf32, #tpu.memory_space<vmem>>
        %dma_wait3A_271 = arith.constant 0 : i32
        %dma_wait3A_272 = tpu.memref_slice %arg12[%add3A_264, %dma_wait3A_271] : memref<200x128xi32, #tpu.memory_space<vmem>> -> memref<1x128xi32, #tpu.memory_space<vmem>>
        %dma_wait3A_273 = tpu.memref_squeeze %dma_wait3A_272 : memref<1x128xi32, #tpu.memory_space<vmem>> -> memref<128xi32, #tpu.memory_space<vmem>>
        %dma_wait3A_274 = arith.constant 0 : i32
        %dma_wait3A_275 = arith.constant 0 : i32
        %dma_wait3A_276 = tpu.memref_slice %arg6[%dma_wait3A_274, %dma_wait3A_275] : memref<2000x64xf32, #tpu.memory_space<hbm>> -> memref<2000x64xf32, #tpu.memory_space<hbm>>
        %dma_wait3A_277 = tpu.memref_slice %arg15[%dma_wait3A_266] : memref<4x!tpu.dma_semaphore, #tpu.memory_space<semaphore_mem>> -> memref<1x!tpu.dma_semaphore, #tpu.memory_space<semaphore_mem>>
        %dma_wait3A_278 = tpu.memref_squeeze %dma_wait3A_277 : memref<1x!tpu.dma_semaphore, #tpu.memory_space<semaphore_mem>> -> memref<!tpu.dma_semaphore, #tpu.memory_space<semaphore_mem>>
        tpu.wait_indirect_dma semaphore(%dma_wait3A_278 : memref<!tpu.dma_semaphore, #tpu.memory_space<semaphore_mem>>) src(%dma_wait3A_276 : memref<2000x64xf32, #tpu.memory_space<hbm>>) dst(%dma_wait3A_270 : memref<128x64xf32, #tpu.memory_space<vmem>>)
        %dma_start3A_279 = arith.constant 2 : i32
        %dma_start3A_280 = arith.constant 2 : i32
        %dma_start3A_281 = arith.constant 0 : i32
        %dma_start3A_282 = arith.constant 0 : i32
        %dma_start3A_283 = tpu.memref_slice %arg13[%dma_start3A_279, %dma_start3A_281, %dma_start3A_282] : memref<4x128x64xf32, #tpu.memory_space<vmem>> -> memref<1x128x64xf32, #tpu.memory_space<vmem>>
        %dma_start3A_284 = tpu.memref_squeeze %dma_start3A_283 : memref<1x128x64xf32, #tpu.memory_space<vmem>> -> memref<128x64xf32, #tpu.memory_space<vmem>>
        %dma_start3A_285 = arith.constant 0 : i32
        %dma_start3A_286 = tpu.memref_slice %arg11[%add3A_264, %dma_start3A_285] : memref<200x128xi32, #tpu.memory_space<vmem>> -> memref<1x128xi32, #tpu.memory_space<vmem>>
        %dma_start3A_287 = tpu.memref_squeeze %dma_start3A_286 : memref<1x128xi32, #tpu.memory_space<vmem>> -> memref<128xi32, #tpu.memory_space<vmem>>
        %dma_start3A_288 = arith.constant 0 : i32
        %dma_start3A_289 = arith.constant 0 : i32
        %dma_start3A_290 = tpu.memref_slice %arg9[%dma_start3A_288, %dma_start3A_289] : memref<8192x64xf32, #tpu.memory_space<vmem_shared>> -> memref<8192x64xf32, #tpu.memory_space<vmem_shared>>
        %dma_start3A_291 = tpu.memref_slice %arg16[%dma_start3A_280] : memref<4x!tpu.dma_semaphore, #tpu.memory_space<semaphore_mem>> -> memref<1x!tpu.dma_semaphore, #tpu.memory_space<semaphore_mem>>
        %dma_start3A_292 = tpu.memref_squeeze %dma_start3A_291 : memref<1x!tpu.dma_semaphore, #tpu.memory_space<semaphore_mem>> -> memref<!tpu.dma_semaphore, #tpu.memory_space<semaphore_mem>>
        tpu.enqueue_indirect_dma source(%dma_start3A_284 : memref<128x64xf32, #tpu.memory_space<vmem>>) target(%dma_start3A_290 : memref<8192x64xf32, #tpu.memory_space<vmem_shared>>) offsets(%dma_start3A_287 : memref<128xi32, #tpu.memory_space<vmem>>) semaphore(%dma_start3A_292 : memref<!tpu.dma_semaphore, #tpu.memory_space<semaphore_mem>>) {add = true}
        %dma_wait3A_293 = arith.constant 2 : i32
        %dma_wait3A_294 = arith.constant 2 : i32
        %dma_wait3A_295 = arith.constant 0 : i32
        %dma_wait3A_296 = arith.constant 0 : i32
        %dma_wait3A_297 = tpu.memref_slice %arg13[%dma_wait3A_293, %dma_wait3A_295, %dma_wait3A_296] : memref<4x128x64xf32, #tpu.memory_space<vmem>> -> memref<1x128x64xf32, #tpu.memory_space<vmem>>
        %dma_wait3A_298 = tpu.memref_squeeze %dma_wait3A_297 : memref<1x128x64xf32, #tpu.memory_space<vmem>> -> memref<128x64xf32, #tpu.memory_space<vmem>>
        %dma_wait3A_299 = arith.constant 0 : i32
        %dma_wait3A_300 = tpu.memref_slice %arg11[%add3A_264, %dma_wait3A_299] : memref<200x128xi32, #tpu.memory_space<vmem>> -> memref<1x128xi32, #tpu.memory_space<vmem>>
        %dma_wait3A_301 = tpu.memref_squeeze %dma_wait3A_300 : memref<1x128xi32, #tpu.memory_space<vmem>> -> memref<128xi32, #tpu.memory_space<vmem>>
        %dma_wait3A_302 = arith.constant 0 : i32
        %dma_wait3A_303 = arith.constant 0 : i32
        %dma_wait3A_304 = tpu.memref_slice %arg9[%dma_wait3A_302, %dma_wait3A_303] : memref<8192x64xf32, #tpu.memory_space<vmem_shared>> -> memref<8192x64xf32, #tpu.memory_space<vmem_shared>>
        %dma_wait3A_305 = tpu.memref_slice %arg16[%dma_wait3A_294] : memref<4x!tpu.dma_semaphore, #tpu.memory_space<semaphore_mem>> -> memref<1x!tpu.dma_semaphore, #tpu.memory_space<semaphore_mem>>
        %dma_wait3A_306 = tpu.memref_squeeze %dma_wait3A_305 : memref<1x!tpu.dma_semaphore, #tpu.memory_space<semaphore_mem>> -> memref<!tpu.dma_semaphore, #tpu.memory_space<semaphore_mem>>
        tpu.wait_indirect_dma semaphore(%dma_wait3A_306 : memref<!tpu.dma_semaphore, #tpu.memory_space<semaphore_mem>>) src(%dma_wait3A_298 : memref<128x64xf32, #tpu.memory_space<vmem>>) dst(%dma_wait3A_304 : memref<8192x64xf32, #tpu.memory_space<vmem_shared>>)
        %lt3A_307 = arith.constant 49 : i32
        %lt3A_308 = arith.cmpi slt, %add3A_160, %lt3A_307 : i32
        %convert_element_type3A_309 = arith.extui %lt3A_308 : i1 to i32
        %cond3A_310 = arith.constant 0 : i32
        %cond3A_311 = arith.cmpi ne, %convert_element_type3A_309, %cond3A_310 : i32
        scf.if %cond3A_311 {
          %add3A_363 = arith.constant 4 : i32
          %add3A_364 = arith.addi %add3A_264, %add3A_363 : i32
          %dma_start3A_365 = arith.constant 2 : i32
          %dma_start3A_366 = arith.constant 2 : i32
          %dma_start3A_367 = arith.constant 0 : i32
          %dma_start3A_368 = arith.constant 0 : i32
          %dma_start3A_369 = tpu.memref_slice %arg13[%dma_start3A_365, %dma_start3A_367, %dma_start3A_368] : memref<4x128x64xf32, #tpu.memory_space<vmem>> -> memref<1x128x64xf32, #tpu.memory_space<vmem>>
          %dma_start3A_370 = tpu.memref_squeeze %dma_start3A_369 : memref<1x128x64xf32, #tpu.memory_space<vmem>> -> memref<128x64xf32, #tpu.memory_space<vmem>>
          %dma_start3A_371 = arith.constant 0 : i32
          %dma_start3A_372 = tpu.memref_slice %arg12[%add3A_364, %dma_start3A_371] : memref<200x128xi32, #tpu.memory_space<vmem>> -> memref<1x128xi32, #tpu.memory_space<vmem>>
          %dma_start3A_373 = tpu.memref_squeeze %dma_start3A_372 : memref<1x128xi32, #tpu.memory_space<vmem>> -> memref<128xi32, #tpu.memory_space<vmem>>
          %dma_start3A_374 = arith.constant 0 : i32
          %dma_start3A_375 = arith.constant 0 : i32
          %dma_start3A_376 = tpu.memref_slice %arg6[%dma_start3A_374, %dma_start3A_375] : memref<2000x64xf32, #tpu.memory_space<hbm>> -> memref<2000x64xf32, #tpu.memory_space<hbm>>
          %dma_start3A_377 = tpu.memref_slice %arg15[%dma_start3A_366] : memref<4x!tpu.dma_semaphore, #tpu.memory_space<semaphore_mem>> -> memref<1x!tpu.dma_semaphore, #tpu.memory_space<semaphore_mem>>
          %dma_start3A_378 = tpu.memref_squeeze %dma_start3A_377 : memref<1x!tpu.dma_semaphore, #tpu.memory_space<semaphore_mem>> -> memref<!tpu.dma_semaphore, #tpu.memory_space<semaphore_mem>>
          tpu.enqueue_indirect_dma source(%dma_start3A_376 : memref<2000x64xf32, #tpu.memory_space<hbm>>) target(%dma_start3A_370 : memref<128x64xf32, #tpu.memory_space<vmem>>) offsets(%dma_start3A_373 : memref<128xi32, #tpu.memory_space<vmem>>) semaphore(%dma_start3A_378 : memref<!tpu.dma_semaphore, #tpu.memory_space<semaphore_mem>>)
        } else {
        }
        %mul3A_312 = arith.constant 4 : i32
        %mul3A_313 = arith.muli %add3A_160, %mul3A_312 : i32
        %add3A_314 = arith.constant 3 : i32
        %add3A_315 = arith.addi %mul3A_313, %add3A_314 : i32
        %dma_wait3A_316 = arith.constant 3 : i32
        %dma_wait3A_317 = arith.constant 3 : i32
        %dma_wait3A_318 = arith.constant 0 : i32
        %dma_wait3A_319 = arith.constant 0 : i32
        %dma_wait3A_320 = tpu.memref_slice %arg13[%dma_wait3A_316, %dma_wait3A_318, %dma_wait3A_319] : memref<4x128x64xf32, #tpu.memory_space<vmem>> -> memref<1x128x64xf32, #tpu.memory_space<vmem>>
        %dma_wait3A_321 = tpu.memref_squeeze %dma_wait3A_320 : memref<1x128x64xf32, #tpu.memory_space<vmem>> -> memref<128x64xf32, #tpu.memory_space<vmem>>
        %dma_wait3A_322 = arith.constant 0 : i32
        %dma_wait3A_323 = tpu.memref_slice %arg12[%add3A_315, %dma_wait3A_322] : memref<200x128xi32, #tpu.memory_space<vmem>> -> memref<1x128xi32, #tpu.memory_space<vmem>>
        %dma_wait3A_324 = tpu.memref_squeeze %dma_wait3A_323 : memref<1x128xi32, #tpu.memory_space<vmem>> -> memref<128xi32, #tpu.memory_space<vmem>>
        %dma_wait3A_325 = arith.constant 0 : i32
        %dma_wait3A_326 = arith.constant 0 : i32
        %dma_wait3A_327 = tpu.memref_slice %arg6[%dma_wait3A_325, %dma_wait3A_326] : memref<2000x64xf32, #tpu.memory_space<hbm>> -> memref<2000x64xf32, #tpu.memory_space<hbm>>
        %dma_wait3A_328 = tpu.memref_slice %arg15[%dma_wait3A_317] : memref<4x!tpu.dma_semaphore, #tpu.memory_space<semaphore_mem>> -> memref<1x!tpu.dma_semaphore, #tpu.memory_space<semaphore_mem>>
        %dma_wait3A_329 = tpu.memref_squeeze %dma_wait3A_328 : memref<1x!tpu.dma_semaphore, #tpu.memory_space<semaphore_mem>> -> memref<!tpu.dma_semaphore, #tpu.memory_space<semaphore_mem>>
        tpu.wait_indirect_dma semaphore(%dma_wait3A_329 : memref<!tpu.dma_semaphore, #tpu.memory_space<semaphore_mem>>) src(%dma_wait3A_327 : memref<2000x64xf32, #tpu.memory_space<hbm>>) dst(%dma_wait3A_321 : memref<128x64xf32, #tpu.memory_space<vmem>>)
        %dma_start3A_330 = arith.constant 3 : i32
        %dma_start3A_331 = arith.constant 3 : i32
        %dma_start3A_332 = arith.constant 0 : i32
        %dma_start3A_333 = arith.constant 0 : i32
        %dma_start3A_334 = tpu.memref_slice %arg13[%dma_start3A_330, %dma_start3A_332, %dma_start3A_333] : memref<4x128x64xf32, #tpu.memory_space<vmem>> -> memref<1x128x64xf32, #tpu.memory_space<vmem>>
        %dma_start3A_335 = tpu.memref_squeeze %dma_start3A_334 : memref<1x128x64xf32, #tpu.memory_space<vmem>> -> memref<128x64xf32, #tpu.memory_space<vmem>>
        %dma_start3A_336 = arith.constant 0 : i32
        %dma_start3A_337 = tpu.memref_slice %arg11[%add3A_315, %dma_start3A_336] : memref<200x128xi32, #tpu.memory_space<vmem>> -> memref<1x128xi32, #tpu.memory_space<vmem>>
        %dma_start3A_338 = tpu.memref_squeeze %dma_start3A_337 : memref<1x128xi32, #tpu.memory_space<vmem>> -> memref<128xi32, #tpu.memory_space<vmem>>
        %dma_start3A_339 = arith.constant 0 : i32
        %dma_start3A_340 = arith.constant 0 : i32
        %dma_start3A_341 = tpu.memref_slice %arg9[%dma_start3A_339, %dma_start3A_340] : memref<8192x64xf32, #tpu.memory_space<vmem_shared>> -> memref<8192x64xf32, #tpu.memory_space<vmem_shared>>
        %dma_start3A_342 = tpu.memref_slice %arg16[%dma_start3A_331] : memref<4x!tpu.dma_semaphore, #tpu.memory_space<semaphore_mem>> -> memref<1x!tpu.dma_semaphore, #tpu.memory_space<semaphore_mem>>
        %dma_start3A_343 = tpu.memref_squeeze %dma_start3A_342 : memref<1x!tpu.dma_semaphore, #tpu.memory_space<semaphore_mem>> -> memref<!tpu.dma_semaphore, #tpu.memory_space<semaphore_mem>>
        tpu.enqueue_indirect_dma source(%dma_start3A_335 : memref<128x64xf32, #tpu.memory_space<vmem>>) target(%dma_start3A_341 : memref<8192x64xf32, #tpu.memory_space<vmem_shared>>) offsets(%dma_start3A_338 : memref<128xi32, #tpu.memory_space<vmem>>) semaphore(%dma_start3A_343 : memref<!tpu.dma_semaphore, #tpu.memory_space<semaphore_mem>>) {add = true}
        %dma_wait3A_344 = arith.constant 3 : i32
        %dma_wait3A_345 = arith.constant 3 : i32
        %dma_wait3A_346 = arith.constant 0 : i32
        %dma_wait3A_347 = arith.constant 0 : i32
        %dma_wait3A_348 = tpu.memref_slice %arg13[%dma_wait3A_344, %dma_wait3A_346, %dma_wait3A_347] : memref<4x128x64xf32, #tpu.memory_space<vmem>> -> memref<1x128x64xf32, #tpu.memory_space<vmem>>
        %dma_wait3A_349 = tpu.memref_squeeze %dma_wait3A_348 : memref<1x128x64xf32, #tpu.memory_space<vmem>> -> memref<128x64xf32, #tpu.memory_space<vmem>>
        %dma_wait3A_350 = arith.constant 0 : i32
        %dma_wait3A_351 = tpu.memref_slice %arg11[%add3A_315, %dma_wait3A_350] : memref<200x128xi32, #tpu.memory_space<vmem>> -> memref<1x128xi32, #tpu.memory_space<vmem>>
        %dma_wait3A_352 = tpu.memref_squeeze %dma_wait3A_351 : memref<1x128xi32, #tpu.memory_space<vmem>> -> memref<128xi32, #tpu.memory_space<vmem>>
        %dma_wait3A_353 = arith.constant 0 : i32
        %dma_wait3A_354 = arith.constant 0 : i32
        %dma_wait3A_355 = tpu.memref_slice %arg9[%dma_wait3A_353, %dma_wait3A_354] : memref<8192x64xf32, #tpu.memory_space<vmem_shared>> -> memref<8192x64xf32, #tpu.memory_space<vmem_shared>>
        %dma_wait3A_356 = tpu.memref_slice %arg16[%dma_wait3A_345] : memref<4x!tpu.dma_semaphore, #tpu.memory_space<semaphore_mem>> -> memref<1x!tpu.dma_semaphore, #tpu.memory_space<semaphore_mem>>
        %dma_wait3A_357 = tpu.memref_squeeze %dma_wait3A_356 : memref<1x!tpu.dma_semaphore, #tpu.memory_space<semaphore_mem>> -> memref<!tpu.dma_semaphore, #tpu.memory_space<semaphore_mem>>
        tpu.wait_indirect_dma semaphore(%dma_wait3A_357 : memref<!tpu.dma_semaphore, #tpu.memory_space<semaphore_mem>>) src(%dma_wait3A_349 : memref<128x64xf32, #tpu.memory_space<vmem>>) dst(%dma_wait3A_355 : memref<8192x64xf32, #tpu.memory_space<vmem_shared>>)
        %lt3A_358 = arith.constant 49 : i32
        %lt3A_359 = arith.cmpi slt, %add3A_160, %lt3A_358 : i32
        %convert_element_type3A_360 = arith.extui %lt3A_359 : i1 to i32
        %cond3A_361 = arith.constant 0 : i32
        %cond3A_362 = arith.cmpi ne, %convert_element_type3A_360, %cond3A_361 : i32
        scf.if %cond3A_362 {
          %add3A_363 = arith.constant 4 : i32
          %add3A_364 = arith.addi %add3A_315, %add3A_363 : i32
          %dma_start3A_365 = arith.constant 3 : i32
          %dma_start3A_366 = arith.constant 3 : i32
          %dma_start3A_367 = arith.constant 0 : i32
          %dma_start3A_368 = arith.constant 0 : i32
          %dma_start3A_369 = tpu.memref_slice %arg13[%dma_start3A_365, %dma_start3A_367, %dma_start3A_368] : memref<4x128x64xf32, #tpu.memory_space<vmem>> -> memref<1x128x64xf32, #tpu.memory_space<vmem>>
          %dma_start3A_370 = tpu.memref_squeeze %dma_start3A_369 : memref<1x128x64xf32, #tpu.memory_space<vmem>> -> memref<128x64xf32, #tpu.memory_space<vmem>>
          %dma_start3A_371 = arith.constant 0 : i32
          %dma_start3A_372 = tpu.memref_slice %arg12[%add3A_364, %dma_start3A_371] : memref<200x128xi32, #tpu.memory_space<vmem>> -> memref<1x128xi32, #tpu.memory_space<vmem>>
          %dma_start3A_373 = tpu.memref_squeeze %dma_start3A_372 : memref<1x128xi32, #tpu.memory_space<vmem>> -> memref<128xi32, #tpu.memory_space<vmem>>
          %dma_start3A_374 = arith.constant 0 : i32
          %dma_start3A_375 = arith.constant 0 : i32
          %dma_start3A_376 = tpu.memref_slice %arg6[%dma_start3A_374, %dma_start3A_375] : memref<2000x64xf32, #tpu.memory_space<hbm>> -> memref<2000x64xf32, #tpu.memory_space<hbm>>
          %dma_start3A_377 = tpu.memref_slice %arg15[%dma_start3A_366] : memref<4x!tpu.dma_semaphore, #tpu.memory_space<semaphore_mem>> -> memref<1x!tpu.dma_semaphore, #tpu.memory_space<semaphore_mem>>
          %dma_start3A_378 = tpu.memref_squeeze %dma_start3A_377 : memref<1x!tpu.dma_semaphore, #tpu.memory_space<semaphore_mem>> -> memref<!tpu.dma_semaphore, #tpu.memory_space<semaphore_mem>>
          tpu.enqueue_indirect_dma source(%dma_start3A_376 : memref<2000x64xf32, #tpu.memory_space<hbm>>) target(%dma_start3A_370 : memref<128x64xf32, #tpu.memory_space<vmem>>) offsets(%dma_start3A_373 : memref<128xi32, #tpu.memory_space<vmem>>) semaphore(%dma_start3A_378 : memref<!tpu.dma_semaphore, #tpu.memory_space<semaphore_mem>>)
        } else {
        }
      }
      %scan3A_155 = arith.constant 50 : i32
    } else {
    }
    %run_scoped3A_61 = arith.constant 0 : i32
    %run_scoped3A_62 = arith.constant 0 : i32
    "tpu.region"() ({
      %run_scoped3A_92 = tpu.sem_alloc : memref<!tpu.dma_semaphore, #tpu.memory_space<semaphore_mem>>
      %dma_start3A = arith.constant 0 : i32
      %dma_start3A_93 = arith.constant 0 : i32
      %dma_start3A_94 = tpu.memref_slice %arg13[%run_scoped3A_62, %dma_start3A, %dma_start3A_93] : memref<4x128x64xf32, #tpu.memory_space<vmem>> -> memref<1x128x64xf32, #tpu.memory_space<vmem>>
      %dma_start3A_95 = tpu.memref_squeeze %dma_start3A_94 : memref<1x128x64xf32, #tpu.memory_space<vmem>> -> memref<128x64xf32, #tpu.memory_space<vmem>>
      %dma_start3A_96 = arith.constant 0 : i32
      %dma_start3A_97 = tpu.memref_slice %arg14[%run_scoped3A_61, %dma_start3A_96] : memref<2x128xi32, #tpu.memory_space<vmem>> -> memref<1x128xi32, #tpu.memory_space<vmem>>
      %dma_start3A_98 = tpu.memref_squeeze %dma_start3A_97 : memref<1x128xi32, #tpu.memory_space<vmem>> -> memref<128xi32, #tpu.memory_space<vmem>>
      %dma_start3A_99 = arith.constant 0 : i32
      %dma_start3A_100 = arith.constant 0 : i32
      %dma_start3A_101 = tpu.memref_slice %arg5[%dma_start3A_99, %dma_start3A_100] : memref<2000000x64xf32, #tpu.memory_space<hbm>> -> memref<2000000x64xf32, #tpu.memory_space<hbm>>
      tpu.enqueue_indirect_dma source(%dma_start3A_101 : memref<2000000x64xf32, #tpu.memory_space<hbm>>) target(%dma_start3A_95 : memref<128x64xf32, #tpu.memory_space<vmem>>) offsets(%dma_start3A_98 : memref<128xi32, #tpu.memory_space<vmem>>) semaphore(%run_scoped3A_92 : memref<!tpu.dma_semaphore, #tpu.memory_space<semaphore_mem>>)
      %dma_wait3A = arith.constant 0 : i32
      %dma_wait3A_102 = arith.constant 0 : i32
      %dma_wait3A_103 = tpu.memref_slice %arg13[%run_scoped3A_62, %dma_wait3A, %dma_wait3A_102] : memref<4x128x64xf32, #tpu.memory_space<vmem>> -> memref<1x128x64xf32, #tpu.memory_space<vmem>>
      %dma_wait3A_104 = tpu.memref_squeeze %dma_wait3A_103 : memref<1x128x64xf32, #tpu.memory_space<vmem>> -> memref<128x64xf32, #tpu.memory_space<vmem>>
      %dma_wait3A_105 = arith.constant 0 : i32
      %dma_wait3A_106 = tpu.memref_slice %arg14[%run_scoped3A_61, %dma_wait3A_105] : memref<2x128xi32, #tpu.memory_space<vmem>> -> memref<1x128xi32, #tpu.memory_space<vmem>>
      %dma_wait3A_107 = tpu.memref_squeeze %dma_wait3A_106 : memref<1x128xi32, #tpu.memory_space<vmem>> -> memref<128xi32, #tpu.memory_space<vmem>>
      %dma_wait3A_108 = arith.constant 0 : i32
      %dma_wait3A_109 = arith.constant 0 : i32
      %dma_wait3A_110 = tpu.memref_slice %arg5[%dma_wait3A_108, %dma_wait3A_109] : memref<2000000x64xf32, #tpu.memory_space<hbm>> -> memref<2000000x64xf32, #tpu.memory_space<hbm>>
      tpu.wait_indirect_dma semaphore(%run_scoped3A_92 : memref<!tpu.dma_semaphore, #tpu.memory_space<semaphore_mem>>) src(%dma_wait3A_110 : memref<2000000x64xf32, #tpu.memory_space<hbm>>) dst(%dma_wait3A_104 : memref<128x64xf32, #tpu.memory_space<vmem>>)
      tpu.yield
    }) : () -> ()
    %mul3A_63 = arith.constant 256 : i32
    %mul3A_64 = arith.muli %add3A, %mul3A_63 : i32
    %add3A_65 = arith.constant 0 : i32
    %add3A_66 = arith.addi %mul3A_64, %add3A_65 : i32
    %run_scoped3A_67 = arith.constant 0 : i32
    "tpu.region"() ({
      %run_scoped3A_92 = tpu.sem_alloc : memref<!tpu.dma_semaphore, #tpu.memory_space<semaphore_mem>>
      %dma_start3A = arith.constant 0 : i32
      %dma_start3A_93 = arith.constant 0 : i32
      %dma_start3A_94 = tpu.memref_slice %arg13[%run_scoped3A_67, %dma_start3A, %dma_start3A_93] : memref<4x128x64xf32, #tpu.memory_space<vmem>> -> memref<1x128x64xf32, #tpu.memory_space<vmem>>
      %dma_start3A_95 = tpu.memref_squeeze %dma_start3A_94 : memref<1x128x64xf32, #tpu.memory_space<vmem>> -> memref<128x64xf32, #tpu.memory_space<vmem>>
      %dma_start3A_96 = arith.constant 0 : i32
      %dma_start3A_97 = tpu.memref_slice %arg8[%add3A_66, %dma_start3A_96] : memref<8192x64xf32, #tpu.memory_space<hbm>> -> memref<128x64xf32, #tpu.memory_space<hbm>>
      %dma_start3A_98 = arith.constant 0 : i32
      %dma_start3A_99 = tpu.memref_slice %arg8[%add3A_66, %dma_start3A_98] : memref<8192x64xf32, #tpu.memory_space<hbm>> -> memref<128x64xf32, #tpu.memory_space<hbm>>
      %dma_start3A_100 = arith.constant 0 : i32
      %dma_start3A_101 = arith.constant 0 : i32
      %dma_start3A_102 = tpu.memref_slice %arg13[%run_scoped3A_67, %dma_start3A_100, %dma_start3A_101] : memref<4x128x64xf32, #tpu.memory_space<vmem>> -> memref<1x128x64xf32, #tpu.memory_space<vmem>>
      %dma_start3A_103 = tpu.memref_squeeze %dma_start3A_102 : memref<1x128x64xf32, #tpu.memory_space<vmem>> -> memref<128x64xf32, #tpu.memory_space<vmem>>
      tpu.enqueue_dma source(%dma_start3A_103 : memref<128x64xf32, #tpu.memory_space<vmem>>) target(%dma_start3A_99 : memref<128x64xf32, #tpu.memory_space<hbm>>) target_semaphore(%run_scoped3A_92 : memref<!tpu.dma_semaphore, #tpu.memory_space<semaphore_mem>>)
      %dma_wait3A = arith.constant 0 : i32
      %dma_wait3A_104 = arith.constant 0 : i32
      %dma_wait3A_105 = tpu.memref_slice %arg13[%run_scoped3A_67, %dma_wait3A, %dma_wait3A_104] : memref<4x128x64xf32, #tpu.memory_space<vmem>> -> memref<1x128x64xf32, #tpu.memory_space<vmem>>
      %dma_wait3A_106 = tpu.memref_squeeze %dma_wait3A_105 : memref<1x128x64xf32, #tpu.memory_space<vmem>> -> memref<128x64xf32, #tpu.memory_space<vmem>>
      %dma_wait3A_107 = arith.constant 0 : i32
      %dma_wait3A_108 = tpu.memref_slice %arg8[%add3A_66, %dma_wait3A_107] : memref<8192x64xf32, #tpu.memory_space<hbm>> -> memref<128x64xf32, #tpu.memory_space<hbm>>
      %dma_wait3A_109 = arith.constant 0 : i32
      %dma_wait3A_110 = tpu.memref_slice %arg8[%add3A_66, %dma_wait3A_109] : memref<8192x64xf32, #tpu.memory_space<hbm>> -> memref<128x64xf32, #tpu.memory_space<hbm>>
      %dma_wait3A_111 = arith.constant 0 : i32
      %dma_wait3A_112 = arith.constant 0 : i32
      %dma_wait3A_113 = tpu.memref_slice %arg13[%run_scoped3A_67, %dma_wait3A_111, %dma_wait3A_112] : memref<4x128x64xf32, #tpu.memory_space<vmem>> -> memref<1x128x64xf32, #tpu.memory_space<vmem>>
      %dma_wait3A_114 = tpu.memref_squeeze %dma_wait3A_113 : memref<1x128x64xf32, #tpu.memory_space<vmem>> -> memref<128x64xf32, #tpu.memory_space<vmem>>
      tpu.wait_dma2 semaphore(%run_scoped3A_92 : memref<!tpu.dma_semaphore, #tpu.memory_space<semaphore_mem>>) src(%dma_wait3A_114 : memref<128x64xf32, #tpu.memory_space<vmem>>) dst(%dma_wait3A_110 : memref<128x64xf32, #tpu.memory_space<hbm>>)
      tpu.yield
    }) : () -> ()
    %run_scoped3A_68 = arith.constant 1 : i32
    %run_scoped3A_69 = arith.constant 0 : i32
    "tpu.region"() ({
      %run_scoped3A_92 = tpu.sem_alloc : memref<!tpu.dma_semaphore, #tpu.memory_space<semaphore_mem>>
      %dma_start3A = arith.constant 0 : i32
      %dma_start3A_93 = arith.constant 0 : i32
      %dma_start3A_94 = tpu.memref_slice %arg13[%run_scoped3A_69, %dma_start3A, %dma_start3A_93] : memref<4x128x64xf32, #tpu.memory_space<vmem>> -> memref<1x128x64xf32, #tpu.memory_space<vmem>>
      %dma_start3A_95 = tpu.memref_squeeze %dma_start3A_94 : memref<1x128x64xf32, #tpu.memory_space<vmem>> -> memref<128x64xf32, #tpu.memory_space<vmem>>
      %dma_start3A_96 = arith.constant 0 : i32
      %dma_start3A_97 = tpu.memref_slice %arg14[%run_scoped3A_68, %dma_start3A_96] : memref<2x128xi32, #tpu.memory_space<vmem>> -> memref<1x128xi32, #tpu.memory_space<vmem>>
      %dma_start3A_98 = tpu.memref_squeeze %dma_start3A_97 : memref<1x128xi32, #tpu.memory_space<vmem>> -> memref<128xi32, #tpu.memory_space<vmem>>
      %dma_start3A_99 = arith.constant 0 : i32
      %dma_start3A_100 = arith.constant 0 : i32
      %dma_start3A_101 = tpu.memref_slice %arg5[%dma_start3A_99, %dma_start3A_100] : memref<2000000x64xf32, #tpu.memory_space<hbm>> -> memref<2000000x64xf32, #tpu.memory_space<hbm>>
      tpu.enqueue_indirect_dma source(%dma_start3A_101 : memref<2000000x64xf32, #tpu.memory_space<hbm>>) target(%dma_start3A_95 : memref<128x64xf32, #tpu.memory_space<vmem>>) offsets(%dma_start3A_98 : memref<128xi32, #tpu.memory_space<vmem>>) semaphore(%run_scoped3A_92 : memref<!tpu.dma_semaphore, #tpu.memory_space<semaphore_mem>>)
      %dma_wait3A = arith.constant 0 : i32
      %dma_wait3A_102 = arith.constant 0 : i32
      %dma_wait3A_103 = tpu.memref_slice %arg13[%run_scoped3A_69, %dma_wait3A, %dma_wait3A_102] : memref<4x128x64xf32, #tpu.memory_space<vmem>> -> memref<1x128x64xf32, #tpu.memory_space<vmem>>
      %dma_wait3A_104 = tpu.memref_squeeze %dma_wait3A_103 : memref<1x128x64xf32, #tpu.memory_space<vmem>> -> memref<128x64xf32, #tpu.memory_space<vmem>>
      %dma_wait3A_105 = arith.constant 0 : i32
      %dma_wait3A_106 = tpu.memref_slice %arg14[%run_scoped3A_68, %dma_wait3A_105] : memref<2x128xi32, #tpu.memory_space<vmem>> -> memref<1x128xi32, #tpu.memory_space<vmem>>
      %dma_wait3A_107 = tpu.memref_squeeze %dma_wait3A_106 : memref<1x128xi32, #tpu.memory_space<vmem>> -> memref<128xi32, #tpu.memory_space<vmem>>
      %dma_wait3A_108 = arith.constant 0 : i32
      %dma_wait3A_109 = arith.constant 0 : i32
      %dma_wait3A_110 = tpu.memref_slice %arg5[%dma_wait3A_108, %dma_wait3A_109] : memref<2000000x64xf32, #tpu.memory_space<hbm>> -> memref<2000000x64xf32, #tpu.memory_space<hbm>>
      tpu.wait_indirect_dma semaphore(%run_scoped3A_92 : memref<!tpu.dma_semaphore, #tpu.memory_space<semaphore_mem>>) src(%dma_wait3A_110 : memref<2000000x64xf32, #tpu.memory_space<hbm>>) dst(%dma_wait3A_104 : memref<128x64xf32, #tpu.memory_space<vmem>>)
      tpu.yield
    }) : () -> ()
    %mul3A_70 = arith.constant 256 : i32
    %mul3A_71 = arith.muli %add3A, %mul3A_70 : i32
    %add3A_72 = arith.constant 128 : i32
    %add3A_73 = arith.addi %mul3A_71, %add3A_72 : i32
    %run_scoped3A_74 = arith.constant 0 : i32
    "tpu.region"() ({
      %run_scoped3A_92 = tpu.sem_alloc : memref<!tpu.dma_semaphore, #tpu.memory_space<semaphore_mem>>
      %dma_start3A = arith.constant 0 : i32
      %dma_start3A_93 = arith.constant 0 : i32
      %dma_start3A_94 = tpu.memref_slice %arg13[%run_scoped3A_74, %dma_start3A, %dma_start3A_93] : memref<4x128x64xf32, #tpu.memory_space<vmem>> -> memref<1x128x64xf32, #tpu.memory_space<vmem>>
      %dma_start3A_95 = tpu.memref_squeeze %dma_start3A_94 : memref<1x128x64xf32, #tpu.memory_space<vmem>> -> memref<128x64xf32, #tpu.memory_space<vmem>>
      %dma_start3A_96 = arith.constant 0 : i32
      %dma_start3A_97 = tpu.memref_slice %arg8[%add3A_73, %dma_start3A_96] : memref<8192x64xf32, #tpu.memory_space<hbm>> -> memref<128x64xf32, #tpu.memory_space<hbm>>
      %dma_start3A_98 = arith.constant 0 : i32
      %dma_start3A_99 = tpu.memref_slice %arg8[%add3A_73, %dma_start3A_98] : memref<8192x64xf32, #tpu.memory_space<hbm>> -> memref<128x64xf32, #tpu.memory_space<hbm>>
      %dma_start3A_100 = arith.constant 0 : i32
      %dma_start3A_101 = arith.constant 0 : i32
      %dma_start3A_102 = tpu.memref_slice %arg13[%run_scoped3A_74, %dma_start3A_100, %dma_start3A_101] : memref<4x128x64xf32, #tpu.memory_space<vmem>> -> memref<1x128x64xf32, #tpu.memory_space<vmem>>
      %dma_start3A_103 = tpu.memref_squeeze %dma_start3A_102 : memref<1x128x64xf32, #tpu.memory_space<vmem>> -> memref<128x64xf32, #tpu.memory_space<vmem>>
      tpu.enqueue_dma source(%dma_start3A_103 : memref<128x64xf32, #tpu.memory_space<vmem>>) target(%dma_start3A_99 : memref<128x64xf32, #tpu.memory_space<hbm>>) target_semaphore(%run_scoped3A_92 : memref<!tpu.dma_semaphore, #tpu.memory_space<semaphore_mem>>)
      %dma_wait3A = arith.constant 0 : i32
      %dma_wait3A_104 = arith.constant 0 : i32
      %dma_wait3A_105 = tpu.memref_slice %arg13[%run_scoped3A_74, %dma_wait3A, %dma_wait3A_104] : memref<4x128x64xf32, #tpu.memory_space<vmem>> -> memref<1x128x64xf32, #tpu.memory_space<vmem>>
      %dma_wait3A_106 = tpu.memref_squeeze %dma_wait3A_105 : memref<1x128x64xf32, #tpu.memory_space<vmem>> -> memref<128x64xf32, #tpu.memory_space<vmem>>
      %dma_wait3A_107 = arith.constant 0 : i32
      %dma_wait3A_108 = tpu.memref_slice %arg8[%add3A_73, %dma_wait3A_107] : memref<8192x64xf32, #tpu.memory_space<hbm>> -> memref<128x64xf32, #tpu.memory_space<hbm>>
      %dma_wait3A_109 = arith.constant 0 : i32
      %dma_wait3A_110 = tpu.memref_slice %arg8[%add3A_73, %dma_wait3A_109] : memref<8192x64xf32, #tpu.memory_space<hbm>> -> memref<128x64xf32, #tpu.memory_space<hbm>>
      %dma_wait3A_111 = arith.constant 0 : i32
      %dma_wait3A_112 = arith.constant 0 : i32
      %dma_wait3A_113 = tpu.memref_slice %arg13[%run_scoped3A_74, %dma_wait3A_111, %dma_wait3A_112] : memref<4x128x64xf32, #tpu.memory_space<vmem>> -> memref<1x128x64xf32, #tpu.memory_space<vmem>>
      %dma_wait3A_114 = tpu.memref_squeeze %dma_wait3A_113 : memref<1x128x64xf32, #tpu.memory_space<vmem>> -> memref<128x64xf32, #tpu.memory_space<vmem>>
      tpu.wait_dma2 semaphore(%run_scoped3A_92 : memref<!tpu.dma_semaphore, #tpu.memory_space<semaphore_mem>>) src(%dma_wait3A_114 : memref<128x64xf32, #tpu.memory_space<vmem>>) dst(%dma_wait3A_110 : memref<128x64xf32, #tpu.memory_space<hbm>>)
      tpu.yield
    }) : () -> ()
    %barrier3A_75 = arith.constant 0 : index
    tpu.barrier barrier_id(%barrier3A_75)
    %mul3A_76 = arith.constant 512 : i32
    %mul3A_77 = arith.muli %arg1, %mul3A_76 : i32
    %add3A_78 = arith.constant 0 : i32
    %add3A_79 = arith.addi %mul3A_77, %add3A_78 : i32
    "tpu.region"() ({
      %run_scoped3A_92 = tpu.sem_alloc : memref<!tpu.dma_semaphore, #tpu.memory_space<semaphore_mem>>
      %dma_start3A = arith.constant 0 : i32
      %dma_start3A_93 = tpu.memref_slice %arg7[%arg0, %add3A_79, %dma_start3A] : memref<2x8192x64xf32, #tpu.memory_space<hbm>> -> memref<1x128x64xf32, #tpu.memory_space<hbm>>
      %dma_start3A_94 = tpu.memref_squeeze %dma_start3A_93 : memref<1x128x64xf32, #tpu.memory_space<hbm>> -> memref<128x64xf32, #tpu.memory_space<hbm>>
      %dma_start3A_95 = arith.constant 0 : i32
      %dma_start3A_96 = tpu.memref_slice %arg9[%add3A_79, %dma_start3A_95] : memref<8192x64xf32, #tpu.memory_space<vmem_shared>> -> memref<128x64xf32, #tpu.memory_space<vmem_shared>>
      tpu.enqueue_dma source(%dma_start3A_96 : memref<128x64xf32, #tpu.memory_space<vmem_shared>>) target(%dma_start3A_94 : memref<128x64xf32, #tpu.memory_space<hbm>>) target_semaphore(%run_scoped3A_92 : memref<!tpu.dma_semaphore, #tpu.memory_space<semaphore_mem>>)
      %dma_wait3A = arith.constant 0 : i32
      %dma_wait3A_97 = tpu.memref_slice %arg7[%arg0, %add3A_79, %dma_wait3A] : memref<2x8192x64xf32, #tpu.memory_space<hbm>> -> memref<1x128x64xf32, #tpu.memory_space<hbm>>
      %dma_wait3A_98 = tpu.memref_squeeze %dma_wait3A_97 : memref<1x128x64xf32, #tpu.memory_space<hbm>> -> memref<128x64xf32, #tpu.memory_space<hbm>>
      %dma_wait3A_99 = arith.constant 0 : i32
      %dma_wait3A_100 = tpu.memref_slice %arg9[%add3A_79, %dma_wait3A_99] : memref<8192x64xf32, #tpu.memory_space<vmem_shared>> -> memref<128x64xf32, #tpu.memory_space<vmem_shared>>
      tpu.wait_dma2 semaphore(%run_scoped3A_92 : memref<!tpu.dma_semaphore, #tpu.memory_space<semaphore_mem>>) src(%dma_wait3A_100 : memref<128x64xf32, #tpu.memory_space<vmem_shared>>) dst(%dma_wait3A_98 : memref<128x64xf32, #tpu.memory_space<hbm>>)
      tpu.yield
    }) : () -> ()
    %mul3A_80 = arith.constant 512 : i32
    %mul3A_81 = arith.muli %arg1, %mul3A_80 : i32
    %add3A_82 = arith.constant 128 : i32
    %add3A_83 = arith.addi %mul3A_81, %add3A_82 : i32
    "tpu.region"() ({
      %run_scoped3A_92 = tpu.sem_alloc : memref<!tpu.dma_semaphore, #tpu.memory_space<semaphore_mem>>
      %dma_start3A = arith.constant 0 : i32
      %dma_start3A_93 = tpu.memref_slice %arg7[%arg0, %add3A_83, %dma_start3A] : memref<2x8192x64xf32, #tpu.memory_space<hbm>> -> memref<1x128x64xf32, #tpu.memory_space<hbm>>
      %dma_start3A_94 = tpu.memref_squeeze %dma_start3A_93 : memref<1x128x64xf32, #tpu.memory_space<hbm>> -> memref<128x64xf32, #tpu.memory_space<hbm>>
      %dma_start3A_95 = arith.constant 0 : i32
      %dma_start3A_96 = tpu.memref_slice %arg9[%add3A_83, %dma_start3A_95] : memref<8192x64xf32, #tpu.memory_space<vmem_shared>> -> memref<128x64xf32, #tpu.memory_space<vmem_shared>>
      tpu.enqueue_dma source(%dma_start3A_96 : memref<128x64xf32, #tpu.memory_space<vmem_shared>>) target(%dma_start3A_94 : memref<128x64xf32, #tpu.memory_space<hbm>>) target_semaphore(%run_scoped3A_92 : memref<!tpu.dma_semaphore, #tpu.memory_space<semaphore_mem>>)
      %dma_wait3A = arith.constant 0 : i32
      %dma_wait3A_97 = tpu.memref_slice %arg7[%arg0, %add3A_83, %dma_wait3A] : memref<2x8192x64xf32, #tpu.memory_space<hbm>> -> memref<1x128x64xf32, #tpu.memory_space<hbm>>
      %dma_wait3A_98 = tpu.memref_squeeze %dma_wait3A_97 : memref<1x128x64xf32, #tpu.memory_space<hbm>> -> memref<128x64xf32, #tpu.memory_space<hbm>>
      %dma_wait3A_99 = arith.constant 0 : i32
      %dma_wait3A_100 = tpu.memref_slice %arg9[%add3A_83, %dma_wait3A_99] : memref<8192x64xf32, #tpu.memory_space<vmem_shared>> -> memref<128x64xf32, #tpu.memory_space<vmem_shared>>
      tpu.wait_dma2 semaphore(%run_scoped3A_92 : memref<!tpu.dma_semaphore, #tpu.memory_space<semaphore_mem>>) src(%dma_wait3A_100 : memref<128x64xf32, #tpu.memory_space<vmem_shared>>) dst(%dma_wait3A_98 : memref<128x64xf32, #tpu.memory_space<hbm>>)
      tpu.yield
    }) : () -> ()
    %mul3A_84 = arith.constant 512 : i32
    %mul3A_85 = arith.muli %arg1, %mul3A_84 : i32
    %add3A_86 = arith.constant 256 : i32
    %add3A_87 = arith.addi %mul3A_85, %add3A_86 : i32
    "tpu.region"() ({
      %run_scoped3A_92 = tpu.sem_alloc : memref<!tpu.dma_semaphore, #tpu.memory_space<semaphore_mem>>
      %dma_start3A = arith.constant 0 : i32
      %dma_start3A_93 = tpu.memref_slice %arg7[%arg0, %add3A_87, %dma_start3A] : memref<2x8192x64xf32, #tpu.memory_space<hbm>> -> memref<1x128x64xf32, #tpu.memory_space<hbm>>
      %dma_start3A_94 = tpu.memref_squeeze %dma_start3A_93 : memref<1x128x64xf32, #tpu.memory_space<hbm>> -> memref<128x64xf32, #tpu.memory_space<hbm>>
      %dma_start3A_95 = arith.constant 0 : i32
      %dma_start3A_96 = tpu.memref_slice %arg9[%add3A_87, %dma_start3A_95] : memref<8192x64xf32, #tpu.memory_space<vmem_shared>> -> memref<128x64xf32, #tpu.memory_space<vmem_shared>>
      tpu.enqueue_dma source(%dma_start3A_96 : memref<128x64xf32, #tpu.memory_space<vmem_shared>>) target(%dma_start3A_94 : memref<128x64xf32, #tpu.memory_space<hbm>>) target_semaphore(%run_scoped3A_92 : memref<!tpu.dma_semaphore, #tpu.memory_space<semaphore_mem>>)
      %dma_wait3A = arith.constant 0 : i32
      %dma_wait3A_97 = tpu.memref_slice %arg7[%arg0, %add3A_87, %dma_wait3A] : memref<2x8192x64xf32, #tpu.memory_space<hbm>> -> memref<1x128x64xf32, #tpu.memory_space<hbm>>
      %dma_wait3A_98 = tpu.memref_squeeze %dma_wait3A_97 : memref<1x128x64xf32, #tpu.memory_space<hbm>> -> memref<128x64xf32, #tpu.memory_space<hbm>>
      %dma_wait3A_99 = arith.constant 0 : i32
      %dma_wait3A_100 = tpu.memref_slice %arg9[%add3A_87, %dma_wait3A_99] : memref<8192x64xf32, #tpu.memory_space<vmem_shared>> -> memref<128x64xf32, #tpu.memory_space<vmem_shared>>
      tpu.wait_dma2 semaphore(%run_scoped3A_92 : memref<!tpu.dma_semaphore, #tpu.memory_space<semaphore_mem>>) src(%dma_wait3A_100 : memref<128x64xf32, #tpu.memory_space<vmem_shared>>) dst(%dma_wait3A_98 : memref<128x64xf32, #tpu.memory_space<hbm>>)
      tpu.yield
    }) : () -> ()
    %mul3A_88 = arith.constant 512 : i32
    %mul3A_89 = arith.muli %arg1, %mul3A_88 : i32
    %add3A_90 = arith.constant 384 : i32
    %add3A_91 = arith.addi %mul3A_89, %add3A_90 : i32
    "tpu.region"() ({
      %run_scoped3A_92 = tpu.sem_alloc : memref<!tpu.dma_semaphore, #tpu.memory_space<semaphore_mem>>
      %dma_start3A = arith.constant 0 : i32
      %dma_start3A_93 = tpu.memref_slice %arg7[%arg0, %add3A_91, %dma_start3A] : memref<2x8192x64xf32, #tpu.memory_space<hbm>> -> memref<1x128x64xf32, #tpu.memory_space<hbm>>
      %dma_start3A_94 = tpu.memref_squeeze %dma_start3A_93 : memref<1x128x64xf32, #tpu.memory_space<hbm>> -> memref<128x64xf32, #tpu.memory_space<hbm>>
      %dma_start3A_95 = arith.constant 0 : i32
      %dma_start3A_96 = tpu.memref_slice %arg9[%add3A_91, %dma_start3A_95] : memref<8192x64xf32, #tpu.memory_space<vmem_shared>> -> memref<128x64xf32, #tpu.memory_space<vmem_shared>>
      tpu.enqueue_dma source(%dma_start3A_96 : memref<128x64xf32, #tpu.memory_space<vmem_shared>>) target(%dma_start3A_94 : memref<128x64xf32, #tpu.memory_space<hbm>>) target_semaphore(%run_scoped3A_92 : memref<!tpu.dma_semaphore, #tpu.memory_space<semaphore_mem>>)
      %dma_wait3A = arith.constant 0 : i32
      %dma_wait3A_97 = tpu.memref_slice %arg7[%arg0, %add3A_91, %dma_wait3A] : memref<2x8192x64xf32, #tpu.memory_space<hbm>> -> memref<1x128x64xf32, #tpu.memory_space<hbm>>
      %dma_wait3A_98 = tpu.memref_squeeze %dma_wait3A_97 : memref<1x128x64xf32, #tpu.memory_space<hbm>> -> memref<128x64xf32, #tpu.memory_space<hbm>>
      %dma_wait3A_99 = arith.constant 0 : i32
      %dma_wait3A_100 = tpu.memref_slice %arg9[%add3A_91, %dma_wait3A_99] : memref<8192x64xf32, #tpu.memory_space<vmem_shared>> -> memref<128x64xf32, #tpu.memory_space<vmem_shared>>
      tpu.wait_dma2 semaphore(%run_scoped3A_92 : memref<!tpu.dma_semaphore, #tpu.memory_space<semaphore_mem>>) src(%dma_wait3A_100 : memref<128x64xf32, #tpu.memory_space<vmem_shared>>) dst(%dma_wait3A_98 : memref<128x64xf32, #tpu.memory_space<hbm>>)
      tpu.yield
    }) : () -> ()
    return
  }
}

module attributes {stable_mosaic.version = 14 : i64} {
  func.func @_tcT_body(%arg0: i32, %arg1: memref<64x1000xf32, #tpu.memory_space<vmem>>, %arg2: memref<64x64xf32, #tpu.memory_space<vmem>>, %arg3: memref<1000x128xf32, #tpu.memory_space<vmem>>) attributes {dimension_semantics = [#tpu.dimension_semantics<arbitrary>], iteration_bounds = array<i64: 1>, scalar_prefetch = 0 : i64, scratch_operands = 0 : i64, tpu.core_type = #tpu.core_type<tc>, window_params = [{transform_indices = @transform_0, window_bounds = array<i64: 64, 1000>}, {pipeline_mode = #tpu.pipeline_mode<synchronous>, transform_indices = @transform_1, window_bounds = array<i64: 64, 64>}, {transform_indices = @transform_2, window_bounds = array<i64: 1000, 128>}]} {
    %get3A = arith.constant 0 : index
    %get3A_0 = arith.constant 0 : index
    %get3A_1 = vector.load %arg1[%get3A, %get3A_0] : memref<64x1000xf32, #tpu.memory_space<vmem>>, vector<64x1000xf32>
    %transpose3A = tpu.transpose %get3A_1, [1, 0] : vector<64x1000xf32> -> vector<1000x64xf32>
    %broadcast_in_dim3A = arith.constant 0.000000e+00 : f32
    %broadcast_in_dim3A_2 = vector.broadcast %broadcast_in_dim3A : f32 to vector<1000x64xf32>
    %concatenate3A = tpu.concatenate %transpose3A, %broadcast_in_dim3A_2 in 1 : vector<1000x64xf32>, vector<1000x64xf32> -> vector<1000x128xf32>
    %swap3A = arith.constant 0 : index
    %swap3A_3 = arith.constant 0 : index
    %swap3A_4 = vector.load %arg3[%swap3A, %swap3A_3] : memref<1000x128xf32, #tpu.memory_space<vmem>>, vector<1000x128xf32>
    tpu.vector_store %arg3[%swap3A, %swap3A_3], %concatenate3A {strides = array<i32>} : memref<1000x128xf32, #tpu.memory_space<vmem>>, vector<1000x128xf32>,
    return
  }
  func.func @transform_0(%arg0: i32) -> (i32, i32) {
    %c0_i32 = arith.constant 0 : i32
    %c0_i32_0 = arith.constant 0 : i32
    return %c0_i32, %arg0 : i32, i32
  }
  func.func @transform_1(%arg0: i32) -> (i32, i32) {
    %c0_i32 = arith.constant 0 : i32
    %c0_i32_0 = arith.constant 0 : i32
    %c0_i32_1 = arith.constant 0 : i32
    return %c0_i32, %c0_i32_0 : i32, i32
  }
  func.func @transform_2(%arg0: i32) -> (i32, i32) {
    %c0_i32 = arith.constant 0 : i32
    %c0_i32_0 = arith.constant 0 : i32
    return %arg0, %c0_i32 : i32, i32
  }
}

module attributes {stable_mosaic.version = 14 : i64} {
  func.func @_tcT_body(%arg0: i32, %arg1: memref<64x4096xf32, #tpu.memory_space<vmem>>, %arg2: memref<64x64xf32, #tpu.memory_space<vmem>>, %arg3: memref<4096x128xf32, #tpu.memory_space<vmem>>) attributes {dimension_semantics = [#tpu.dimension_semantics<arbitrary>], iteration_bounds = array<i64: 245>, scalar_prefetch = 0 : i64, scratch_operands = 0 : i64, tpu.core_type = #tpu.core_type<tc>, window_params = [{transform_indices = @transform_0, window_bounds = array<i64: 64, 4096>}, {pipeline_mode = #tpu.pipeline_mode<synchronous>, transform_indices = @transform_1, window_bounds = array<i64: 64, 64>}, {transform_indices = @transform_2, window_bounds = array<i64: 4096, 128>}]} {
    %get3A = arith.constant 0 : index
    %get3A_0 = arith.constant 0 : index
    %get3A_1 = vector.load %arg1[%get3A, %get3A_0] : memref<64x4096xf32, #tpu.memory_space<vmem>>, vector<64x4096xf32>
    %transpose3A = tpu.transpose %get3A_1, [1, 0] : vector<64x4096xf32> -> vector<4096x64xf32>
    %broadcast_in_dim3A = arith.constant 0.000000e+00 : f32
    %broadcast_in_dim3A_2 = vector.broadcast %broadcast_in_dim3A : f32 to vector<4096x64xf32>
    %concatenate3A = tpu.concatenate %transpose3A, %broadcast_in_dim3A_2 in 1 : vector<4096x64xf32>, vector<4096x64xf32> -> vector<4096x128xf32>
    %swap3A = arith.constant 0 : index
    %swap3A_3 = arith.constant 0 : index
    %swap3A_4 = vector.load %arg3[%swap3A, %swap3A_3] : memref<4096x128xf32, #tpu.memory_space<vmem>>, vector<4096x128xf32>
    tpu.vector_store %arg3[%swap3A, %swap3A_3], %concatenate3A {strides = array<i32>} : memref<4096x128xf32, #tpu.memory_space<vmem>>, vector<4096x128xf32>,
    return
  }
  func.func @transform_0(%arg0: i32) -> (i32, i32) {
    %c0_i32 = arith.constant 0 : i32
    %c0_i32_0 = arith.constant 0 : i32
    return %c0_i32, %arg0 : i32, i32
  }
  func.func @transform_1(%arg0: i32) -> (i32, i32) {
    %c0_i32 = arith.constant 0 : i32
    %c0_i32_0 = arith.constant 0 : i32
    %c0_i32_1 = arith.constant 0 : i32
    return %c0_i32, %c0_i32_0 : i32, i32
  }
  func.func @transform_2(%arg0: i32) -> (i32, i32) {
    %c0_i32 = arith.constant 0 : i32
    %c0_i32_0 = arith.constant 0 : i32
    return %arg0, %c0_i32 : i32, i32
  }
}

module attributes {stable_mosaic.version = 14 : i64} {
  func.func @_tc1_body(%arg0: i32, %arg1: memref<1024x64xf32, #tpu.memory_space<vmem>>, %arg2: memref<1024x64xf32, #tpu.memory_space<vmem>>, %arg3: memref<1024x64xf32, #tpu.memory_space<vmem>>, %arg4: memref<1024x1xi32, #tpu.memory_space<vmem>>, %arg5: memref<1024x1xi32, #tpu.memory_space<vmem>>, %arg6: memref<128x64xf32, #tpu.memory_space<vmem>>, %arg7: memref<128x64xf32, #tpu.memory_space<vmem>>, %arg8: memref<128x64xf32, #tpu.memory_space<vmem>>, %arg9: memref<1x128xf32, #tpu.memory_space<vmem>>, %arg10: memref<1x128xf32, #tpu.memory_space<vmem>>, %arg11: memref<1024x128xf32, #tpu.memory_space<vmem>>) attributes {dimension_semantics = [#tpu.dimension_semantics<arbitrary>], iteration_bounds = array<i64: 8>, scalar_prefetch = 0 : i64, scratch_operands = 0 : i64, tpu.core_type = #tpu.core_type<tc>, window_params = [{transform_indices = @transform_0, window_bounds = array<i64: 1024, 64>}, {transform_indices = @transform_1, window_bounds = array<i64: 1024, 64>}, {transform_indices = @transform_2, window_bounds = array<i64: 1024, 64>}, {transform_indices = @transform_3, window_bounds = array<i64: 1024, 1>}, {transform_indices = @transform_4, window_bounds = array<i64: 1024, 1>}, {pipeline_mode = #tpu.pipeline_mode<synchronous>, transform_indices = @transform_5, window_bounds = array<i64: 128, 64>}, {pipeline_mode = #tpu.pipeline_mode<synchronous>, transform_indices = @transform_6, window_bounds = array<i64: 128, 64>}, {pipeline_mode = #tpu.pipeline_mode<synchronous>, transform_indices = @transform_7, window_bounds = array<i64: 128, 64>}, {pipeline_mode = #tpu.pipeline_mode<synchronous>, transform_indices = @transform_8, window_bounds = array<i64: 1, 128>}, {pipeline_mode = #tpu.pipeline_mode<synchronous>, transform_indices = @transform_9, window_bounds = array<i64: 1, 128>}, {transform_indices = @transform_10, window_bounds = array<i64: 1024, 128>}]} {
    %get3A = arith.constant 0 : index
    %get3A_0 = arith.constant 0 : index
    %get3A_1 = vector.load %arg5[%get3A, %get3A_0] : memref<1024x1xi32, #tpu.memory_space<vmem>>, vector<1024x1xi32>
    %get3A_2 = arith.constant 0 : index
    %get3A_3 = arith.constant 0 : index
    %get3A_4 = vector.load %arg4[%get3A_2, %get3A_3] : memref<1024x1xi32, #tpu.memory_space<vmem>>, vector<1024x1xi32>
    %sub3A = arith.subi %get3A_1, %get3A_4 : vector<1024x1xi32>
    %convert_element_type3A = arith.sitofp %sub3A : vector<1024x1xi32> to vector<1024x1xf32>
    %max3A = arith.constant 1.000000e+00 : f32
    %max3A_5 = vector.broadcast %max3A : f32 to vector<1024x1xf32>
    %max3A_6 = arith.maximumf %convert_element_type3A, %max3A_5 : vector<1024x1xf32>
    %div3A = arith.constant 1.000000e+00 : f32
    %div3A_7 = vector.broadcast %div3A : f32 to vector<1024x1xf32>
    %div3A_8 = arith.divf %div3A_7, %max3A_6 : vector<1024x1xf32>
    %get3A_9 = arith.constant 0 : index
    %get3A_10 = arith.constant 0 : index
    %get3A_11 = vector.load %arg1[%get3A_9, %get3A_10] : memref<1024x64xf32, #tpu.memory_space<vmem>>, vector<1024x64xf32>
    %mul3A = vector.broadcast %div3A_8 : vector<1024x1xf32> to vector<1024x64xf32>
    %mul3A_12 = arith.mulf %get3A_11, %mul3A : vector<1024x64xf32>
    %get3A_13 = arith.constant 0 : index
    %get3A_14 = arith.constant 0 : index
    %get3A_15 = vector.load %arg2[%get3A_13, %get3A_14] : memref<1024x64xf32, #tpu.memory_space<vmem>>, vector<1024x64xf32>
    %mul3A_16 = vector.broadcast %div3A_8 : vector<1024x1xf32> to vector<1024x64xf32>
    %mul3A_17 = arith.mulf %get3A_15, %mul3A_16 : vector<1024x64xf32>
    %get3A_18 = arith.constant 0 : index
    %get3A_19 = arith.constant 0 : index
    %get3A_20 = vector.load %arg3[%get3A_18, %get3A_19] : memref<1024x64xf32, #tpu.memory_space<vmem>>, vector<1024x64xf32>
    %get3A_21 = arith.constant 0 : index
    %get3A_22 = arith.constant 0 : index
    %get3A_23 = vector.load %arg6[%get3A_21, %get3A_22] : memref<128x64xf32, #tpu.memory_space<vmem>>, vector<128x64xf32>
    %dot_general3A = arith.constant dense<0.000000e+00> : vector<1024x128xf32>
    %dot_general3A_24 = tpu.matmul %get3A_20, %get3A_23, %dot_general3A {dimension_numbers = #tpu.dot_dimension_numbers<[1], [1], [0], [0], [0, 0, 1, 0], [], []>, precision = #tpu.contract_precision<fp32>, transpose_lhs_hint = false} : vector<1024x64xf32>, vector<128x64xf32>, vector<1024x128xf32> -> vector<1024x128xf32>
    %get3A_25 = arith.constant 0 : index
    %get3A_26 = arith.constant 0 : index
    %get3A_27 = vector.load %arg7[%get3A_25, %get3A_26] : memref<128x64xf32, #tpu.memory_space<vmem>>, vector<128x64xf32>
    %dot_general3A_28 = arith.constant dense<0.000000e+00> : vector<1024x128xf32>
    %dot_general3A_29 = tpu.matmul %mul3A_12, %get3A_27, %dot_general3A_28 {dimension_numbers = #tpu.dot_dimension_numbers<[1], [1], [0], [0], [0, 0, 1, 0], [], []>, precision = #tpu.contract_precision<fp32>, transpose_lhs_hint = false} : vector<1024x64xf32>, vector<128x64xf32>, vector<1024x128xf32> -> vector<1024x128xf32>
    %get3A_30 = arith.constant 0 : index
    %get3A_31 = arith.constant 0 : index
    %get3A_32 = vector.load %arg8[%get3A_30, %get3A_31] : memref<128x64xf32, #tpu.memory_space<vmem>>, vector<128x64xf32>
    %dot_general3A_33 = arith.constant dense<0.000000e+00> : vector<1024x128xf32>
    %dot_general3A_34 = tpu.matmul %mul3A_17, %get3A_32, %dot_general3A_33 {dimension_numbers = #tpu.dot_dimension_numbers<[1], [1], [0], [0], [0, 0, 1, 0], [], []>, precision = #tpu.contract_precision<fp32>, transpose_lhs_hint = false} : vector<1024x64xf32>, vector<128x64xf32>, vector<1024x128xf32> -> vector<1024x128xf32>
    %add3A = arith.addf %dot_general3A_29, %dot_general3A_34 : vector<1024x128xf32>
    %add3A_35 = arith.addf %dot_general3A_24, %add3A : vector<1024x128xf32>
    %get3A_36 = arith.constant 0 : index
    %get3A_37 = arith.constant 0 : index
    %get3A_38 = vector.load %arg9[%get3A_36, %get3A_37] : memref<1x128xf32, #tpu.memory_space<vmem>>, vector<1x128xf32>
    %add3A_39 = vector.broadcast %get3A_38 : vector<1x128xf32> to vector<1024x128xf32>
    %add3A_40 = arith.addf %add3A_35, %add3A_39 : vector<1024x128xf32>
    %get3A_41 = arith.constant 0 : index
    %get3A_42 = arith.constant 0 : index
    %get3A_43 = vector.load %arg10[%get3A_41, %get3A_42] : memref<1x128xf32, #tpu.memory_space<vmem>>, vector<1x128xf32>
    %add3A_44 = vector.broadcast %get3A_43 : vector<1x128xf32> to vector<1024x128xf32>
    %add3A_45 = arith.addf %add3A_40, %add3A_44 : vector<1024x128xf32>
    %max3A_46 = arith.constant 0.000000e+00 : f32
    %max3A_47 = vector.broadcast %max3A_46 : f32 to vector<1024x128xf32>
    %max3A_48 = arith.maximumf %add3A_45, %max3A_47 : vector<1024x128xf32>
    %swap3A = arith.constant 0 : index
    %swap3A_49 = arith.constant 0 : index
    %swap3A_50 = vector.load %arg11[%swap3A, %swap3A_49] : memref<1024x128xf32, #tpu.memory_space<vmem>>, vector<1024x128xf32>
    tpu.vector_store %arg11[%swap3A, %swap3A_49], %max3A_48 {strides = array<i32>} : memref<1024x128xf32, #tpu.memory_space<vmem>>, vector<1024x128xf32>,
    return
  }
  func.func @transform_0(%arg0: i32) -> (i32, i32) {
    %c0_i32 = arith.constant 0 : i32
    %c0_i32_0 = arith.constant 0 : i32
    return %arg0, %c0_i32 : i32, i32
  }
  func.func @transform_1(%arg0: i32) -> (i32, i32) {
    %c0_i32 = arith.constant 0 : i32
    %c0_i32_0 = arith.constant 0 : i32
    return %arg0, %c0_i32 : i32, i32
  }
  func.func @transform_2(%arg0: i32) -> (i32, i32) {
    %c0_i32 = arith.constant 0 : i32
    %c0_i32_0 = arith.constant 0 : i32
    return %arg0, %c0_i32 : i32, i32
  }
  func.func @transform_3(%arg0: i32) -> (i32, i32) {
    %c0_i32 = arith.constant 0 : i32
    %c0_i32_0 = arith.constant 0 : i32
    return %arg0, %c0_i32 : i32, i32
  }
  func.func @transform_4(%arg0: i32) -> (i32, i32) {
    %c0_i32 = arith.constant 0 : i32
    %c0_i32_0 = arith.constant 0 : i32
    return %arg0, %c0_i32 : i32, i32
  }
  func.func @transform_5(%arg0: i32) -> (i32, i32) {
    %c0_i32 = arith.constant 0 : i32
    %c0_i32_0 = arith.constant 0 : i32
    %c0_i32_1 = arith.constant 0 : i32
    return %c0_i32, %c0_i32_0 : i32, i32
  }
  func.func @transform_6(%arg0: i32) -> (i32, i32) {
    %c0_i32 = arith.constant 0 : i32
    %c0_i32_0 = arith.constant 0 : i32
    %c0_i32_1 = arith.constant 0 : i32
    return %c0_i32, %c0_i32_0 : i32, i32
  }
  func.func @transform_7(%arg0: i32) -> (i32, i32) {
    %c0_i32 = arith.constant 0 : i32
    %c0_i32_0 = arith.constant 0 : i32
    %c0_i32_1 = arith.constant 0 : i32
    return %c0_i32, %c0_i32_0 : i32, i32
  }
  func.func @transform_8(%arg0: i32) -> (i32, i32) {
    %c0_i32 = arith.constant 0 : i32
    %c0_i32_0 = arith.constant 0 : i32
    %c0_i32_1 = arith.constant 0 : i32
    return %c0_i32, %c0_i32_0 : i32, i32
  }
  func.func @transform_9(%arg0: i32) -> (i32, i32) {
    %c0_i32 = arith.constant 0 : i32
    %c0_i32_0 = arith.constant 0 : i32
    %c0_i32_1 = arith.constant 0 : i32
    return %c0_i32, %c0_i32_0 : i32, i32
  }
  func.func @transform_10(%arg0: i32) -> (i32, i32) {
    %c0_i32 = arith.constant 0 : i32
    %c0_i32_0 = arith.constant 0 : i32
    return %arg0, %c0_i32 : i32, i32
  }
}

module attributes {stable_mosaic.version = 14 : i64} {
  func.func @_tc2_body(%arg0: i32, %arg1: memref<1024x256xf32, #tpu.memory_space<vmem>>, %arg2: memref<128x256xf32, #tpu.memory_space<vmem>>, %arg3: memref<1x128xf32, #tpu.memory_space<vmem>>, %arg4: memref<1024x128xf32, #tpu.memory_space<vmem>>) attributes {dimension_semantics = [#tpu.dimension_semantics<arbitrary>], iteration_bounds = array<i64: 4>, scalar_prefetch = 0 : i64, scratch_operands = 0 : i64, tpu.core_type = #tpu.core_type<tc>, window_params = [{transform_indices = @transform_0, window_bounds = array<i64: 1024, 256>}, {pipeline_mode = #tpu.pipeline_mode<synchronous>, transform_indices = @transform_1, window_bounds = array<i64: 128, 256>}, {pipeline_mode = #tpu.pipeline_mode<synchronous>, transform_indices = @transform_2, window_bounds = array<i64: 1, 128>}, {transform_indices = @transform_3, window_bounds = array<i64: 1024, 128>}]} {
    %get3A = arith.constant 0 : index
    %get3A_0 = arith.constant 0 : index
    %get3A_1 = vector.load %arg1[%get3A, %get3A_0] : memref<1024x256xf32, #tpu.memory_space<vmem>>, vector<1024x256xf32>
    %get3A_2 = arith.constant 0 : index
    %get3A_3 = arith.constant 0 : index
    %get3A_4 = vector.load %arg2[%get3A_2, %get3A_3] : memref<128x256xf32, #tpu.memory_space<vmem>>, vector<128x256xf32>
    %dot_general3A = arith.constant dense<0.000000e+00> : vector<1024x128xf32>
    %dot_general3A_5 = tpu.matmul %get3A_1, %get3A_4, %dot_general3A {dimension_numbers = #tpu.dot_dimension_numbers<[1], [1], [0], [0], [0, 0, 1, 0], [], []>, precision = #tpu.contract_precision<fp32>, transpose_lhs_hint = false} : vector<1024x256xf32>, vector<128x256xf32>, vector<1024x128xf32> -> vector<1024x128xf32>
    %get3A_6 = arith.constant 0 : index
    %get3A_7 = arith.constant 0 : index
    %get3A_8 = vector.load %arg3[%get3A_6, %get3A_7] : memref<1x128xf32, #tpu.memory_space<vmem>>, vector<1x128xf32>
    %add3A = vector.broadcast %get3A_8 : vector<1x128xf32> to vector<1024x128xf32>
    %add3A_9 = arith.addf %dot_general3A_5, %add3A : vector<1024x128xf32>
    %max3A = arith.constant 0.000000e+00 : f32
    %max3A_10 = vector.broadcast %max3A : f32 to vector<1024x128xf32>
    %max3A_11 = arith.maximumf %add3A_9, %max3A_10 : vector<1024x128xf32>
    %swap3A = arith.constant 0 : index
    %swap3A_12 = arith.constant 0 : index
    %swap3A_13 = vector.load %arg4[%swap3A, %swap3A_12] : memref<1024x128xf32, #tpu.memory_space<vmem>>, vector<1024x128xf32>
    tpu.vector_store %arg4[%swap3A, %swap3A_12], %max3A_11 {strides = array<i32>} : memref<1024x128xf32, #tpu.memory_space<vmem>>, vector<1024x128xf32>,
    return
  }
  func.func @transform_0(%arg0: i32) -> (i32, i32) {
    %c0_i32 = arith.constant 0 : i32
    %c0_i32_0 = arith.constant 0 : i32
    return %arg0, %c0_i32 : i32, i32
  }
  func.func @transform_1(%arg0: i32) -> (i32, i32) {
    %c0_i32 = arith.constant 0 : i32
    %c0_i32_0 = arith.constant 0 : i32
    %c0_i32_1 = arith.constant 0 : i32
    return %c0_i32, %c0_i32_0 : i32, i32
  }
  func.func @transform_2(%arg0: i32) -> (i32, i32) {
    %c0_i32 = arith.constant 0 : i32
    %c0_i32_0 = arith.constant 0 : i32
    %c0_i32_1 = arith.constant 0 : i32
    return %c0_i32, %c0_i32_0 : i32, i32
  }
  func.func @transform_3(%arg0: i32) -> (i32, i32) {
    %c0_i32 = arith.constant 0 : i32
    %c0_i32_0 = arith.constant 0 : i32
    return %arg0, %c0_i32 : i32, i32
  }
}

</mosaic_0001>

<sc_bundles>
// kernel: kernel.7.cloned.1.call-start
scs
__scs_entry_jumppad:
0x0: {  	(pc) =	sbr.rel $0x88, $3  }
0x1: {  	(tag) =	ssettag $0x0;
	lr =	simm.s32 $0x1  }
0x2: {  	[smem:$0x3F95] =	sst lr;
	_ =	strace $0xD0000000  }
0x3: {  	_ = 	snop  }
0x4: {  	_ = 	snop  }
0x5: {  	_ = 	snop  }
0x6: {  	_ = 	snop  }
0x7: {  	_ = 	snop  }
__scs_overlays_trampoline_lowered:
0x8: {  	[smem:$0x3FA4] =	sst s0  }
0x9: {  	[smem:$0x3FA5] =	sst s1  }
0xa: {  	[smem:$0x3FA6] =	sst s2  }
0xb: {  	[smem:$0x3FA7] =	sst s3  }
0xc: {  	[smem:$0x3FA8] =	sst s4  }
0xd: {  	[smem:$0x3FA9] =	sst s5  }
0xe: {  	[smem:$0x3FAA] =	sst s6  }
0xf: {  	[smem:$0x3FAB] =	sst s7  }
0x10: {  	[smem:$0x3FAC] =	sst s8  }
0x11: {  	[smem:$0x3FAD] =	sst s9;
	s0 =	simm.s32 @!p0 $0x0  }
0x12: {  	s1 =	sld [smem:$0x3F93];
	s0 =	simm.s32 @p0 $0x1  }
0x13: {  	[smem:$0x3FAE] =	sst s0;
	s0 =	simm.s32 @!p1 $0x0  }
0x14: {  	s2 =	sld [smem:$0x3F92];
	s0 =	simm.s32 @p1 $0x1  }
0x15: {  	[smem:$0x3FAF] =	sst s0;
	s0 =	simm.s32 @!p2 $0x0  }
0x16: {  	s3 =	sld [smem:$0x3FDB];
	s0 =	simm.s32 @p2 $0x1  }
0x17: {  	s4 =	simm.s32 $0x1BF5;
	[smem:$0x3FB1] =	sst s0  }
0x18: {  	s0 =	sld [smem:$0x3F94];
	_ =	swait.ge [sflag:s4], $0x0  }
0x19: {  	s7 =	sld [smem:$0x3F95]  }
0x1a: {  	s8 =	sadd.s32 $0xFFFFE003, lr  }
0x1b: {  	s9 =	sadd.s32 $0xFFFFFEF7, lr;
	s5 =	simm.s32 $0xFFFFFFFF;
	p2 =	slt.u32 s8, $0xFFFFF086  }
0x1c: {  	p1 =	slt.u32 s9, $0xF7A;
	s5 =	simm.s32 @!p2 $0x0  }
0x1d: {  	s5 =	simm.s32 @p1 $0x1;
	p0 =	seq.s32 s7, s2  }
0x1e: {  	s7 =	smul.u32 @!p0 $0xF7A, s2;
	p2 =	seq.s32 @!p0 s5, $0x0  }
0x1f: {  	s9 =	smul.u32 $0xF7A, s1;
	s8 =	simm.s32 @!p0 $0x1BF5;
	p2 =	por !p2, p0  }
0x20: {  	[sflag:s8] =	ssyncset.s32 @!p0 $0xFFFFF086;
	s6 =	sadd.s32 @!p0 s3, s7;
	s7 =	simm.s32 @!p0 $0x108  }
0x21: {  	s3 =	sadd.s32 s3, s9;
	s6 =	sadd.s32 @!p0 $0x88, s6;
	s7 =	simm.s32 @p2 $0x1082  }
0x22: {  	[simem:s7], [sflag:s8] =	dma.local @!p0 [hbm:s6], $0xF7A  }
0x23: {  	s9 =	sor.u32 $0xD0000000, s2;
	s6 =	simm.s32 $0x108;
	_ =	swait.ge @!p0 [sflag:s8], $0x0  }
0x24: {  	s3 =	sadd.s32 $0x88, s3;
	s6 =	simm.s32 @!p1 $0x1082;
	[sflag:s4] =	ssyncset.s32 $0xFFFFF086  }
0x25: {  	[simem:s6], [sflag:s4] =	dma.local [hbm:s3], $0xF7A  }
0x26: {  	[smem:$0x3F95] =	sst s1;
	(tag) =	ssettag s2;
	_ =	strace s9  }
0x27: {  	s1 =	sld [smem:$0x3FA5]  }
0x28: {  	s2 =	sld [smem:$0x3FA6]  }
0x29: {  	s4 =	sld [smem:$0x3FA8]  }
0x2a: {  	p0 =	seq.s32 s5, $0x0;
	s5 =	sld [smem:$0x3FA9]  }
0x2b: {  	s6 =	sld [smem:$0x3FAA]  }
0x2c: {  	s7 =	sld [smem:$0x3FAB]  }
0x2d: {  	s3 =	simm.s32 $0x108;
	s8 =	sld [smem:$0x3FAC]  }
0x2e: {  	s3 =	simm.s32 @!p0 $0x1082;
	s9 =	sld [smem:$0x3FAD]  }
0x2f: {  	lr =	sadd.s32 s0, s3;
	s0 =	sld [smem:$0x3FA4]  }
0x30: {  	s3 =	sld [smem:$0x3FA7]  }
0x31: {  	[smem:$0x3FB0] =	sst s10  }
0x32: {  	s10 =	sld [smem:$0x3FAE];
	_ =	sdelay $0x3  }
0x33: {  	p0 =	seq.s32 s10, $0x1;
	s10 =	sld [smem:$0x3FB0];
	_ =	sdelay $0x3  }
0x34: {  	[smem:$0x3FB0] =	sst s10  }
0x35: {  	s10 =	sld [smem:$0x3FAF];
	_ =	sdelay $0x3  }
0x36: {  	p1 =	seq.s32 s10, $0x1;
	s10 =	sld [smem:$0x3FB0];
	_ =	sdelay $0x3  }
0x37: {  	[smem:$0x3FB0] =	sst s10  }
0x38: {  	s10 =	sld [smem:$0x3FB1]  }
0x39: {  	_ = 	snop;
	(pc) =	sbr.ind lr, $3  }
0x3a: {  	_ = 	snop  }
0x3b: {  	_ = 	snop  }
0x3c: {  	p2 =	seq.s32 s10, $0x1;
	s10 =	sld [smem:$0x3FB0]  }
0x3d: {  	_ =	shalt  }
0x3e: {  	_ =	shalt  }
0x3f: {  	_ =	shalt  }
0x40: {  	_ =	shalt  }
0x41: {  	_ =	shalt  }
0x42: {  	_ =	shalt  }
0x43: {  	_ =	shalt  }
0x44: {  	_ =	shalt  }
0x45: {  	_ =	shalt  }
0x46: {  	_ =	shalt  }
0x47: {  	_ =	shalt  }
0x48: {  	_ =	shalt  }
0x49: {  	_ =	shalt  }
0x4a: {  	_ =	shalt  }
0x4b: {  	_ =	shalt  }
0x4c: {  	_ =	shalt  }
0x4d: {  	_ =	shalt  }
0x4e: {  	_ =	shalt  }
0x4f: {  	_ =	shalt  }
0x50: {  	_ =	shalt  }
0x51: {  	_ =	shalt  }
0x52: {  	_ =	shalt  }
0x53: {  	_ =	shalt  }
0x54: {  	_ =	shalt  }
0x55: {  	_ =	shalt  }
0x56: {  	_ =	shalt  }
0x57: {  	_ =	shalt  }
0x58: {  	_ =	shalt  }
0x59: {  	_ =	shalt  }
0x5a: {  	_ =	shalt  }
0x5b: {  	_ =	shalt  }
0x5c: {  	_ =	shalt  }
0x5d: {  	_ =	shalt  }
0x5e: {  	_ =	shalt  }
0x5f: {  	_ =	shalt  }
0x60: {  	_ =	shalt  }
0x61: {  	_ =	shalt  }
0x62: {  	_ =	shalt  }
0x63: {  	_ =	shalt  }
0x64: {  	_ =	shalt  }
0x65: {  	_ =	shalt  }
0x66: {  	_ =	shalt  }
0x67: {  	_ =	shalt  }
0x68: {  	_ =	shalt  }
0x69: {  	_ =	shalt  }
0x6a: {  	_ =	shalt  }
0x6b: {  	_ =	shalt  }
0x6c: {  	_ =	shalt  }
0x6d: {  	_ =	shalt  }
0x6e: {  	_ =	shalt  }
0x6f: {  	_ =	shalt  }
0x70: {  	_ =	shalt  }
0x71: {  	_ =	shalt  }
0x72: {  	_ =	shalt  }
0x73: {  	_ =	shalt  }
0x74: {  	_ =	shalt  }
0x75: {  	_ =	shalt  }
0x76: {  	_ =	shalt  }
0x77: {  	_ =	shalt  }
0x78: {  	_ =	shalt  }
0x79: {  	_ =	shalt  }
0x7a: {  	_ =	shalt  }
0x7b: {  	_ =	shalt  }
0x7c: {  	_ =	shalt  }
0x7d: {  	_ =	shalt  }
0x7e: {  	_ =	shalt  }
0x7f: {  	_ =	shalt  }
0x80: {  	_ =	shalt  }
0x81: {  	_ =	shalt  }
0x82: {  	_ =	shalt  }
0x83: {  	_ =	shalt  }
0x84: {  	_ =	shalt  }
0x85: {  	_ =	shalt  }
0x86: {  	_ =	shalt  }
0x87: {  	_ =	shalt  }
.Lfunc_end0:
.L_simem_size_0:
called_computation_lowered:
.L_overlay_start_0:
0x88: {  	s2 =	sld [smem:$0x3FD9]  }
0x89: {  	s3 =	sld [smem:$0x3FFE];
	_ =	sdelay $0x1  }
0x8a: {  	s1 =	srdreg.scid  }
0x8b: {  	s0 =	sand.u32 $0x1, s1  }
0x8c: {  	s17 =	sshll.u32 s0, $0xA;
	s2 =	sadd.s32 s3, s2  }
0x8d: {  	s2 =	sadd.s32 s2, s17  }
0x8e: {  	[smem:$0x3FBC] =	sst s2  }
0x8f: {  	_ = 	snop  }
0x90: {  	s2 =	sld [smem:$0x3FC6]  }
0x91: {  	s18 =	sld [smem:$0x3FD0];
	(tm) =	ssettm $0x1  }
0x92: {  	s4 =	sld [smem:$0x3FFB];
	_ =	sdelay $0x3  }
0x93: {  	_ =	strace s4  }
0x94: {  	s4 =	sld [smem:$0x3FFC];
	_ =	sdelay $0x3  }
0x95: {  	_ =	strace s4  }
0x96: {  	s4 =	sld [smem:$0x3FFD];
	_ =	sdelay $0x3  }
0x97: {  	_ =	strace s4  }
0x98: {  	_ =	strace $0x8FFFFFFF  }
0x99: {  	s19 =	sld [smem:$0x3FDB];
	_ =	sdelay $0x1  }
0x9a: {  	s5 =	simm.s32 $_scs_section_size  }
0x9b: {  	s6 =	simm.s32 $_size__tile_overlayer_lowered;
	s7 =	simm.s32 $_tile_overlayer_lowered  }
0x9c: {  	s22 =	simm.s32 $0x1BFF;
	s21 =	sshll.u32 s7, $0x1;
	s4 =	sadd.s32 s5, s19  }
0x9d: {  	s8 =	simm.s32 $0x0;
	s20 =	sshll.u32 s6, $0x1;
	s6 =	sadd.s32 s21, s4  }
0x9e: {  	[timem:s8], [sflag:s22] =	dma.local [hbm:s6], s20  }
0x9f: {  	_ =	swait.ge [sflag:s22], s20  }
0xa0: {  	s5 =	ssub.s32 $0x0, s20;
	[sflag:s22] =	ssyncset.done $0x0  }
0xa1: {  	[sflag:s22] =	ssyncadd.s32 s5;
	_ =	sdelay $0x1  }
0xa2: {  	s23 =	simm.s32 $0x1B8B  }
0xa3: {  	_ =	swait.ge [sflag:s23], $0x1  }
0xa4: {  	[sflag:s23] =	ssyncset.done $0x0  }
0xa5: {  	s25 =	simm.s32 $0x1B8E;
	s24 =	sld [smem:$0x3FFE];
	[sflag:s23] =	ssyncadd.s32 $0xFFFFFFFF  }
0xa6: {  	s26 =	simm.s32 $execute0_lowered;
	[smem:$0x3FD2] =	sst s25  }
0xa7: {  	s6 =	sshll.u32 s26, $0x1;
	_ =	strace $0x80000046;
	[dreg:$0x1] =	wrdreg $0xFFFFFFFF  }
0xa8: {  	s28 =	simm.s32 $_size_execute0_lowered;
	s4 =	sadd.s32 s4, s6;
	[dreg:$0x0] =	wrdreg $0x0  }
0xa9: {  	s6 =	sshll.u32 s28, $0x1;
	[dreg:$0x2] =	wrdreg s4  }
0xaa: {  	[dreg:$0x3] =	wrdreg s6  }
0xab: {  	[dreg:$0x4] =	wrdreg $0xC0  }
0xac: {  	_ =	task [dreg:s8], $0x5FFFF  }
0xad: {  	[dreg:$0x1] =	wrdreg $0xFFFFFFFF  }
0xae: {  	[dreg:$0x0] =	wrdreg $0x60  }
0xaf: {  	[dreg:$0x2] =	wrdreg s24  }
0xb0: {  	[dreg:$0x3] =	wrdreg s2  }
0xb1: {  	[dreg:$0x4] =	wrdreg s18  }
0xb2: {  	[dreg:$0x5] =	wrdreg $0x0  }
0xb3: {  	[dreg:$0x6] =	wrdreg $0x9  }
0xb4: {  	_ =	task.clear_ibuf [dreg:s8], $0x7FFFF;
	_ =	strace $0x90000046  }
0xb5: {  	s29 =	simm.s32 $0x9;
	_ =	strace $0x80000048  }
0xb6: {  	_ =	swait.ge [sflag:s29], $0x1  }
0xb7: {  	[sflag:s29] =	ssyncadd.s32 $0xFFFFFFFF  }
0xb8: {  	_ =	strace $0x90000048  }
0xb9: {  	_ =	sfence  }
0xba: {  	s30 =	sld [smem:$0x0];
	_ =	sdelay $0x2  }
0xbb: {  	s31 =	sshll.u32 s1, $0xD;
	s1 =	sshrl.u32 s1, $0x2  }
0xbc: {  	s3 =	sand.u32 $0x4000, s31;
	s1 =	sadd.s32 s1, s30  }
0xbd: {  	s0 =	sor.u32 s3, s0;
	s1 =	sshll.u32 s1, $0x11  }
0xbe: {  	s0 =	sor.u32 s1, s0  }
0xbf: {  	s0 =	sadd.s32 $0x8F2B, s0  }
0xc0: {  	[sflag:s0] =	ssyncadd.remote.s32 $0x1  }
0xc1: {  	_ =	sfence.sel $0xFFFF  }
0xc2: {  	[dreg:$0x0] =	wrdreg $0xFFFFFFFF;
	(pc) =	sbr.abs _section_cstart, $3  }
0xc3: {  	[dreg:$0x1] =	wrdreg $0xFFFFFFFF  }
0xc4: {  	_ =	task.clear_ibuf [dreg:s8], $0x2FFFF;
	_ =	strace $0x9FFFFFFF  }
0xc5: {  	(tm) =	ssettm $0x7FFFFFFF  }
tec
execute0_lowered:
.L_overlay_start_1:
0x0: {  	(tag) =	ssettag $0x1  }
0x1: {  	s0 =	rddreg [dreg:$0x0]  }
0x2: {  	s1 =	rddreg [dreg:$0x2];
	s2 =	srdreg.scid  }
0x3: {  	s12 =	stileid.u32;
	s3 =	rddreg [dreg:$0x3]  }
0x4: {  	s4 =	simm.s32 $0x0;
	s29 =	simm.s32 $0x18800;
	s31 =	simm.s32 $0x1A800  }
0x5: {  	s28 =	simm.s32 $0x5;
	s30 =	simm.s32 $0x2;
	s2 =	sand.u32 $0x1, s2  }
0x6: {  	s15 =	smul.u32 $0x6400, s12;
	s7 =	sshll.u32 s12, $0x8;
	[smem:$0x7FF] =	sst s4  }
0x7: {  	s13 =	sshll.u32 s12, $0xF;
	s5 =	smul.u32 $0x64000, s2;
	s6 =	sshll.u32 s2, $0xC  }
0x8: {  	_ =	strace $0x80000047;
	s10 =	ssub.s32 $0x2, s2;
	s16 =	sor.u32 $0x2000, s13  }
0x9: {  	s17 =	sor.u32 $0x4000, s13;
	s18 =	sor.u32 $0x6000, s13;
	s19 =	sshll.u32 s2, $0x13  }
0xa: {  	p0 =	seq.s32 s2, $0x1;
	s2 =	simm.s32 $0x6;
	s7 =	sor.u32 s7, s6  }
0xb: {  	s11 =	sshrl.u32 s10, $0x1;
	s12 =	sadd.s32 s18, s3;
	s22 =	sor.u32 s19, s16  }
0xc: {  	s23 =	sor.u32 s19, s17;
	s24 =	sor.u32 s19, s18;
	s5 =	sadd.s32 s15, s5  }
0xd: {  	s6 =	sshrl.u32 s7, $0x3;
	s14 =	ssub.s32 s10, s11;
	s10 =	sadd.s32 s16, s3  }
0xe: {  	s11 =	sadd.s32 s17, s3;
	s7 =	sshll.u32 s7, $0x3;
	s25 =	sshrl.u32 s23, $0x3  }
0xf: {  	s26 =	sshrl.u32 s24, $0x3;
	s23 =	simm.s32 $0x1E800;
	s24 =	simm.s32 $0x16800  }
0x10: {  	s5 =	sshrl.u32 s5, $0x3;
	s9 =	sadd.s32 s6, s0;
	s6 =	sadd.s32 $0xF44A00, s0  }
0x11: {  	s8 =	sadd.s32 s5, s0;
	s5 =	sadd.s32 $0x2600, s0;
	s0 =	sadd.s32 $0xF61E00, s0  }
0x12: {  	v0 =	vmov s15;
	s15 =	simm.s32 $0x0;
	s9 =	sadd.s32 $0xF48A00, s9;
	s8 =	sadd.s32 $0xF48E00, s8  }
0x13: {  	[dreg:$0x6] =	wrdreg s9;
	s9 =	sadd.s32 s13, s3;
	s18 =	sadd.s32 s0, s26  }
0x14: {  	s26 =	simm.s32 $0x80;
	[dreg:$0x5] =	wrdreg s8;
	s8 =	sor.u32 s13, s19  }
0x15: {  	s13 =	sadd.s32 s1, s7;
	s19 =	smax.u32 s14, $0x1;
	s7 =	simm.s32 $0x7  }
0x16: {  	s14 =	simm.s32 $0x8;
	s20 =	sshrl.u32 s8, $0x3;
	s21 =	sadd.s32 $0x400, s13  }
.Ltmp0:
0x17: {  	[dreg:$0x7] =	wrdreg s21;
	s1 =	sadd.s32 s0, s20;
	(pc) =	sbr.rel .LBB2_1-.Ltmp0, $4  }
0x18: {  	s8 =	simm.s32 $0x4;
	[dreg:$0x8] =	wrdreg s1;
	s1 =	sshrl.u32 s22, $0x3  }
0x19: {  	s21 =	simm.s32 $0x9;
	s20 =	simm.s32 $0x1;
	s1 =	sadd.s32 s0, s1  }
0x1a: {  	[dreg:$0x9] =	wrdreg s1;
	s1 =	sadd.s32 s0, s25;
	s25 =	simm.s32 $0xA000  }
0x1b: {  	v1 =	vimm.s32 $0x0;
	v2 =	vimm.f32 $0.0e+00;
	v3 =	vimm.s32 $0x1;
	s0 =	simm.s32 $0x3;
	[dreg:$0xa] =	wrdreg s1;
	s1 =	simm.s32 $0x1C800  }
.LBB2_12:
0x1c: {  	[tilespmem:s1], [sflag:$0x4] =	stream.indirect.gather [hbm4b:s5+s26], $0x40, s16, s26, $0xb8;
	[tilespmem:$0x1E900] =	vst v63  }
.LBB2_16:
0x1d: {  	_ =	swait.ge [sflag:s20], $0x2000  }
0x1e: {  	[sflag:s20] =	ssyncset.done $0x0  }
0x1f: {  	s16 =	simm.s32 $0x10200;
	[sflag:s20] =	ssyncadd.s32 $0xFFFFE000  }
0x20: {  	[spmem:s3] =	stream.indirect.scatter.add.f32 [tilespmem:s24], [sflag:$0x5], $0x40, s16, s26, $0xb8;
	[tilespmem:$0x1E900] =	vst v63  }
0x21: {  	_ =	swait.ge [sflag:s28], $0x2000  }
0x22: {  	[sflag:s28] =	ssyncset.done $0x0  }
0x23: {  	[sflag:s28] =	ssyncadd.s32 $0xFFFFE000  }
0x24: {  	_ =	swait.ge [sflag:s30], $0x2000  }
0x25: {  	[sflag:s30] =	ssyncset.done $0x0  }
0x26: {  	s17 =	simm.s32 $0x10280;
	[sflag:s30] =	ssyncadd.s32 $0xFFFFE000  }
0x27: {  	[spmem:s3] =	stream.indirect.scatter.add.f32 [tilespmem:s29], [sflag:$0x6], $0x40, s17, s26, $0xb8;
	[tilespmem:$0x1E900] =	vst v63  }
0x28: {  	_ =	swait.ge [sflag:s2], $0x2000  }
0x29: {  	[sflag:s2] =	ssyncset.done $0x0  }
0x2a: {  	[sflag:s2] =	ssyncadd.s32 $0xFFFFE000  }
0x2b: {  	_ =	swait.ge [sflag:s0], $0x2000  }
0x2c: {  	[sflag:s0] =	ssyncset.done $0x0  }
0x2d: {  	s22 =	simm.s32 $0x10300;
	[sflag:s0] =	ssyncadd.s32 $0xFFFFE000  }
0x2e: {  	[spmem:s3] =	stream.indirect.scatter.add.f32 [tilespmem:s31], [sflag:$0x7], $0x40, s22, s26, $0xb8;
	[tilespmem:$0x1E900] =	vst v63  }
0x2f: {  	_ =	swait.ge [sflag:s7], $0x2000  }
0x30: {  	[sflag:s7] =	ssyncset.done $0x0  }
0x31: {  	[sflag:s7] =	ssyncadd.s32 $0xFFFFE000  }
0x32: {  	_ =	swait.ge [sflag:s8], $0x2000  }
0x33: {  	[sflag:s8] =	ssyncset.done $0x0  }
0x34: {  	s23 =	simm.s32 $0x10380;
	[sflag:s8] =	ssyncadd.s32 $0xFFFFE000  }
0x35: {  	[spmem:s3] =	stream.indirect.scatter.add.f32 [tilespmem:s1], [sflag:$0x8], $0x40, s23, s26, $0xb8;
	[tilespmem:$0x1E900] =	vst v63  }
0x36: {  	_ =	swait.ge [sflag:s14], $0x2000  }
0x37: {  	[sflag:s14] =	ssyncset.done $0x0  }
0x38: {  	s23 =	simm.s32 $0x1E800;
	[sflag:s14] =	ssyncadd.s32 $0xFFFFE000  }
0x39: {  	[tilespmem:s24], [sflag:$0x9] =	stream.indirect.gather [hbm4b:s5+s26], $0x40, s23, s26, $0xb8;
	[tilespmem:$0x1E900] =	vst v63  }
0x3a: {  	_ =	swait.ge [sflag:s21], $0x2000  }
0x3b: {  	[sflag:s21] =	ssyncset.done $0x0  }
0x3c: {  	[sflag:s21] =	ssyncadd.s32 $0xFFFFE000  }
0x3d: {  	[hbm4b:s13+s4] =	stream.linear.scatter [tilespmem:s24], [sflag:$0x9], $0x2000, $0x38;
	[tilespmem:$0x1E900] =	vst v63  }
0x3e: {  	_ =	swait.ge [sflag:s21], $0x2000  }
0x3f: {  	[sflag:s21] =	ssyncset.done $0x0  }
0x40: {  	s17 =	simm.s32 $0x1E880;
	[sflag:s21] =	ssyncadd.s32 $0xFFFFE000  }
0x41: {  	[tilespmem:s24], [sflag:$0x9] =	stream.indirect.gather [hbm4b:s5+s26], $0x40, s17, s26, $0xb8;
	[tilespmem:$0x1E900] =	vst v63  }
0x42: {  	_ =	swait.ge [sflag:s21], $0x2000  }
0x43: {  	[sflag:s21] =	ssyncset.done $0x0  }
0x44: {  	s22 =	rddreg [dreg:$0x7];
	[sflag:s21] =	ssyncadd.s32 $0xFFFFE000  }
0x45: {  	[hbm4b:s22+s4] =	stream.linear.scatter [tilespmem:s24], [sflag:$0x9], $0x2000, $0x38;
	[tilespmem:$0x1E900] =	vst v63  }
0x46: {  	_ =	swait.ge [sflag:s21], $0x2000  }
0x47: {  	[sflag:s21] =	ssyncset.done $0x0  }
0x48: {  	s17 =	stileid.u32;
	[sflag:s21] =	ssyncadd.s32 $0xFFFFE000  }
0x49: {  	s16 =	sshll.u32 s17, $0x6;
	[bflag:$0x0] =	sbarrier.arrive $0xFFFF  }
0x4a: {  	s17 =	sshrl.u32 s9, $0x3;
	s16 =	sor.u32 $0x1C09, s16;
	s22 =	rddreg [dreg:$0x8]  }
0x4b: {  	[hbm:s22], [sflag:s16] =	dma.local [spmem:s17], $0x400  }
0x4c: {  	_ =	swait.ge [sflag:s21], $0x400  }
0x4d: {  	[sflag:s21] =	ssyncset.done $0x0  }
0x4e: {  	s17 =	sshrl.u32 s10, $0x3;
	s22 =	rddreg [dreg:$0x9];
	[sflag:s21] =	ssyncadd.s32 $0xFFFFFC00  }
0x4f: {  	[hbm:s22], [sflag:s16] =	dma.local [spmem:s17], $0x400  }
0x50: {  	_ =	swait.ge [sflag:s21], $0x400  }
0x51: {  	[sflag:s21] =	ssyncset.done $0x0  }
0x52: {  	s17 =	sshrl.u32 s11, $0x3;
	s22 =	rddreg [dreg:$0xa];
	[sflag:s21] =	ssyncadd.s32 $0xFFFFFC00  }
0x53: {  	[hbm:s22], [sflag:s16] =	dma.local [spmem:s17], $0x400  }
0x54: {  	s15 =	sadd.s32 $0x1, s15;
	_ =	swait.ge [sflag:s21], $0x400  }
0x55: {  	p1 =	sne.s32 s15, s19;
	[sflag:s21] =	ssyncset.done $0x0  }
.Ltmp1:
0x56: {  	s22 =	sshrl.u32 s12, $0x3;
	[sflag:s21] =	ssyncadd.s32 $0xFFFFFC00;
	(pc) =	sbr.rel @!p1 .LBB2_17-.Ltmp1, $4  }
0x57: {  	[hbm:s18], [sflag:s16] =	dma.local [spmem:s22], $0x400  }
0x58: {  	_ =	swait.ge [sflag:s21], $0x400  }
0x59: {  	[sflag:s21] =	ssyncset.done $0x0  }
0x5a: {  	[sflag:s21] =	ssyncadd.s32 $0xFFFFFC00  }
.LBB2_1:
0x5b: {  	s16 =	rddreg [dreg:$0x1];
	s17 =	simm.s32 $0x8000  }
0x5c: {  	[tilespmem:s17], [sflag:$0x9] =	stream.linear.gather [hbm4b:s16+s4], $0x2000, $0x38;
	[tilespmem:$0x1E900] =	vst v63  }
0x5d: {  	_ =	swait.ge [sflag:s21], $0x2000  }
0x5e: {  	[sflag:s21] =	ssyncset.done $0x0  }
0x5f: {  	s22 =	simm.s32 $0x10400;
	s17 =	rddreg [dreg:$0x5];
	[sflag:s21] =	ssyncadd.s32 $0xFFFFE000  }
0x60: {  	[tilespmem:s22], [sflag:$0x9] =	stream.linear.gather [hbm4b:s17+s4], $0x6400, $0x38;
	[tilespmem:$0x1E900] =	vst v63  }
0x61: {  	_ =	swait.ge [sflag:s21], $0x6400  }
0x62: {  	[sflag:s21] =	ssyncset.done $0x0  }
0x63: {  	s22 =	rddreg [dreg:$0x6];
	[sflag:s21] =	ssyncadd.s32 $0xFFFF9C00  }
0x64: {  	[tilespmem:s23], [sflag:$0x9] =	stream.linear.gather [hbm4b:s22+s4], $0x100, $0x38;
	[tilespmem:$0x1E900] =	vst v63  }
0x65: {  	_ =	swait.ge [sflag:s21], $0x100  }
0x66: {  	[sflag:s21] =	ssyncset.done $0x0  }
0x67: {  	s16 =	simm.s32 $0x0;
	s22 =	simm.s32 $0x0;
	[sflag:s21] =	ssyncadd.s32 $0xFFFFFF00  }
.LBB2_2:
0x68: {  	p1 =	sne.s32 s22, $0x18FC0  }
.Ltmp2:
0x69: {  	_ = 	snop;
	(pc) =	sbr.rel @p1 .LBB2_2-.Ltmp2, $4  }
0x6a: {  	s23 =	sand.u32 $0x1FE00, s22  }
0x6b: {  	s17 =	sand.u32 $0x70, s16;
	s23 =	sshrl.u32 s23, $0x2  }
0x6c: {  	s17 =	sor.u32 s17, s23  }
0x6d: {  	s16 =	sadd.s32 $0x10, s16;
	s22 =	sadd.s32 $0x40, s22;
	[tilespmem:s17+$0xA000] =	vst v1  }
0x6e: {  	s22 =	simm.s32 $0x0  }
0x6f: {  	s16 =	sand.u32 $0x7F00, s22  }
0x70: {  	s17 =	sand.u32 $0x30, s22;
	s16 =	sshrl.u32 s16, $0x2  }
0x71: {  	s23 =	simm.s32 $0x40;
	s16 =	sor.u32 s17, s16  }
.LBB2_4:
0x72: {  	p1 =	sne.s32 s23, $0x7FC0  }
0x73: {  	[tilespmem:s16+$0x16800] =	vst v2;
	s22 =	sadd.s32 $0x10, s22;
	s16 =	smov.u32 s23;
	s23 =	sadd.s32 $0x40, s23  }
.Ltmp3:
0x74: {  	(pc) =	sbr.rel @p1 .LBB2_4-.Ltmp3, $4  }
0x75: {  	_ = 	snop  }
0x76: {  	s16 =	sand.u32 $0x7F00, s16  }
0x77: {  	s17 =	sand.u32 $0x30, s22;
	s16 =	sshrl.u32 s16, $0x2  }
0x78: {  	s16 =	sor.u32 s17, s16  }
0x79: {  	[tilespmem:s16+$0x16800] =	vst v2  }
0x7a: {  	[spmem:s9] =	stream.linear.scatter [tilespmem:s24], [sflag:$0x9], $0x2000, $0x38;
	[tilespmem:$0x1E900] =	vst v63  }
0x7b: {  	_ =	swait.ge [sflag:s21], $0x2000  }
0x7c: {  	[sflag:s21] =	ssyncset.done $0x0  }
0x7d: {  	[sflag:s21] =	ssyncadd.s32 $0xFFFFE000  }
0x7e: {  	[spmem:s10] =	stream.linear.scatter [tilespmem:s24], [sflag:$0x9], $0x2000, $0x38;
	[tilespmem:$0x1E900] =	vst v63  }
0x7f: {  	_ =	swait.ge [sflag:s21], $0x2000  }
0x80: {  	[sflag:s21] =	ssyncset.done $0x0  }
0x81: {  	[sflag:s21] =	ssyncadd.s32 $0xFFFFE000  }
0x82: {  	[spmem:s11] =	stream.linear.scatter [tilespmem:s24], [sflag:$0x9], $0x2000, $0x38;
	[tilespmem:$0x1E900] =	vst v63  }
0x83: {  	_ =	swait.ge [sflag:s21], $0x2000  }
0x84: {  	[sflag:s21] =	ssyncset.done $0x0  }
0x85: {  	[sflag:s21] =	ssyncadd.s32 $0xFFFFE000  }
0x86: {  	[spmem:s12] =	stream.linear.scatter [tilespmem:s24], [sflag:$0x9], $0x2000, $0x38;
	[tilespmem:$0x1E900] =	vst v63  }
0x87: {  	_ =	swait.ge [sflag:s21], $0x2000  }
0x88: {  	[sflag:s21] =	ssyncset.done $0x0  }
0x89: {  	v4 =	vimm.s32 $0x0;
	s16 =	simm.s32 $0x0;
	s22 =	simm.s32 $0x40;
	[sflag:s21] =	ssyncadd.s32 $0xFFFFE000  }
.LBB2_6:
0x8a: {  	p1 =	sne.s32 s22, $0x7FC0;
	v5 =	vld [tilespmem:s16+$0x8000];
	_ =	sdelay $0x4  }
0x8b: {  	v6 =	vsub.s32 v5, v0;
	vm0 =	vlt.s32 v5, v0  }
0x8c: {  	v7 =	vshra.s32 v6, $0x1F;
	v8 =	vsel vm0, $0x1, v1  }
0x8d: {  	v9 =	vshrl.u32 v7, $0x19;
	v4 =	vadd.s32 v8, v4  }
0x8e: {  	vm0 =	vne.s32 v5, v0;
	v8 =	vadd.s32 v9, v6  }
0x8f: {  	v5 =	vshra.s32 v8, $0x7;
	v8 =	vsel vm0, $0x1, v1  }
0x90: {  	v7 =	vor.u32 v8, v7;
	v8 =	vshll.u32 v5, $0x7  }
0x91: {  	vm0 =	vne.s32 v7, $0x1;
	vm1 =	vne.s32 v6, v8  }
0x92: {  	vm0 =	vmand vm1, vm0  }
0x93: {  	v7 =	vsel vm0, $0xFFFFFFFF, v1  }
0x94: {  	v5 =	vadd.s32 v7, v5  }
0x95: {  	vm0 =	vlt.u32 v6, $0x6400;
	v6 =	vand.u32 $0x7F, v6;
	v5 =	vshll.u32 v5, $0x7  }
0x96: {  	v5 =	vor.u32 v6, v5  }
.Ltmp4:
0x97: {  	(pc) =	sbr.rel @p1 .LBB2_6-.Ltmp4, $2  }
0x98: {  	_ =	sdelay $0x2  }
0x99: {  	s16 =	sshra.s32 s22, $0x2;
	s22 =	sadd.s32 $0x40, s22;
	[tilespmem:v5+s25+$0x0] =	vst.idx.add.s32.msk vm0, v3  }
0x9a: {  	v5 =	vld [tilespmem:s16+$0x8000];
	_ =	sdelay $0x4  }
0x9b: {  	v6 =	vsub.s32 v5, v0  }
0x9c: {  	v7 =	vshra.s32 v6, $0x1F  }
0x9d: {  	v8 =	vshrl.u32 v7, $0x19  }
0x9e: {  	vm0 =	vlt.s32 v5, v0;
	vm13 =	vne.s32 v5, v0;
	v8 =	vadd.s32 v8, v6  }
0x9f: {  	v9 =	vsel vm0, $0x1, v1;
	v62 =	vsel vm13, $0x1, v1;
	v5 =	vshra.s32 v8, $0x7  }
0xa0: {  	v4 =	vadd.s32 v9, v4;
	v7 =	vor.u32 v62, v7;
	v63 =	vshll.u32 v5, $0x7  }
0xa1: {  	(xrf0) =	vadd.scan.msk.s32 $0xffff, v4;
	vm14 =	vne.s32 v7, $0x1;
	vm1 =	vne.s32 v6, v63  }
0xa2: {  	vm0 =	vmand vm1, vm14  }
0xa3: {  	v4 =	vsel vm0, $0xFFFFFFFF, v1  }
0xa4: {  	v4 =	vadd.s32 v4, v5;
	v5 =	vand.u32 $0x7F, v6;
	_ =	sdelay $0x1  }
0xa5: {  	vm15 =	vlt.u32 v6, $0x6400;
	v4 =	vshll.u32 v4, $0x7  }
0xa6: {  	v4 =	vor.u32 v5, v4;
	v5, _, _ =	vpop (xrf0)  }
0xa7: {  	(v2sf) =	vpush v5, $0xF  }
0xa8: {  	s23 =	simm.s32 $0x0  }
0xa9: {  	s17 =	sand.u32 $0x1FE00, s23  }
0xaa: {  	s16 =	sand.u32 $0x70, s23;
	s17 =	sshrl.u32 s17, $0x2  }
0xab: {  	s16 =	sor.u32 s16, s17;
	[tilespmem:v4+s25+$0x0] =	vst.idx.add.s32.msk vm15, v3  }
0xac: {  	v4 =	vld [tilespmem:s16+$0xA000];
	_ =	sdelay $0x4  }
0xad: {  	(xrf0) =	vadd.scan.msk.s32 $0xffff, v4;
	_ =	sdelay $0x4  }
0xae: {  	s22 =	spop (v2sf)  }
0xaf: {  	v4, _, _ =	vpop (xrf0);
	s17 =	sadd.s32 $0xFFFFFFFF, s22  }
0xb0: {  	v4 =	vadd.s32 s17, v4  }
0xb1: {  	v5 =	vxor.u32 $0x80000000, v4  }
0xb2: {  	(xrf0) =	vmax.scan.msk.u32 $0xffff, v5;
	_ =	sdelay $0x5  }
0xb3: {  	v5, _, _ =	vpop (xrf0)  }
0xb4: {  	(v2sf) =	vpush v5, $0xF  }
0xb5: {  	s23 =	simm.s32 $0x40  }
0xb6: {  	s22 =	simm.s32 $0x10;
	[tilespmem:s16+$0xA000] =	vst v4;
	s16 =	sand.u32 $0x1FE00, s23;
	s23 =	simm.s32 $0x80  }
.LBB2_8:
0xb7: {  	p1 =	sne.s32 s23, $0x18FC0;
	s17 =	sand.u32 $0x70, s22;
	s16 =	sshrl.u32 s16, $0x2  }
0xb8: {  	s16 =	sor.u32 s17, s16  }
0xb9: {  	v4 =	vld [tilespmem:s16+$0xA000];
	_ =	sdelay $0x4  }
0xba: {  	(xrf0) =	vadd.scan.msk.s32 $0xffff, v4;
	_ =	sdelay $0x4  }
0xbb: {  	s17 =	spop (v2sf)  }
0xbc: {  	v4, _, _ =	vpop (xrf0);
	s17 =	sxor.u32 $0x80000000, s17  }
0xbd: {  	v4 =	vadd.s32 s17, v4  }
0xbe: {  	[tilespmem:s16+$0xA000] =	vst v4;
	v4 =	vxor.u32 $0x80000000, v4  }
0xbf: {  	(xrf0) =	vmax.scan.msk.u32 $0xffff, v4;
	_ =	sdelay $0x4  }
.Ltmp5:
0xc0: {  	(pc) =	sbr.rel @p1 .LBB2_8-.Ltmp5, $3  }
0xc1: {  	v4, _, _ =	vpop (xrf0)  }
0xc2: {  	(v2sf) =	vpush v4, $0xF;
	_ =	sdelay $0x1  }
0xc3: {  	s22 =	sadd.s32 $0x10, s22;
	s16 =	sand.u32 $0x1FE00, s23;
	s23 =	sadd.s32 $0x40, s23  }
0xc4: {  	s17 =	sand.u32 $0x70, s22;
	s16 =	sshrl.u32 s16, $0x2  }
0xc5: {  	s16 =	sor.u32 s17, s16  }
0xc6: {  	v4 =	vld [tilespmem:s16+$0xA000];
	_ =	sdelay $0x4  }
0xc7: {  	(xrf0) =	vadd.scan.msk.s32 $0xffff, v4;
	_ =	sdelay $0x4  }
0xc8: {  	s22 =	spop (v2sf)  }
0xc9: {  	v4, _, _ =	vpop (xrf0);
	s17 =	sxor.u32 $0x80000000, s22  }
0xca: {  	v4 =	vadd.s32 s17, v4  }
0xcb: {  	v5 =	vxor.u32 $0x80000000, v4  }
0xcc: {  	(xrf0) =	vmax.scan.msk.u32 $0xffff, v5;
	_ =	sdelay $0x5  }
0xcd: {  	v5, _, _ =	vpop (xrf0)  }
0xce: {  	(v2sf) =	vpush v5, $0xF;
	_ =	sdelay $0xc  }
.Ltmp6:
0xcf: {  	_ = 	snop;
	(pc) =	sbr.rel @!p0 .LBB2_10-.Ltmp6, $4  }
0xd0: {  	_ = 	snop  }
0xd1: {  	[tilespmem:s16+$0xA000] =	vst v4;
	s23 =	spop (v2sf)  }
0xd2: {  	[bflag:$0x0] =	sbarrier.arrive $0xFFFF  }
0xd3: {  	s16 =	simm.s32 $0x10400  }
0xd4: {  	[tilespmem:s24], [sflag:$0x1] =	stream.indirect.gather [hbm4b:s6+s26], $0x40, s16, s26, $0xb8;
	[tilespmem:$0x1E900] =	vst v63  }
0xd5: {  	s23 =	simm.s32 $0x10480  }
0xd6: {  	[tilespmem:s29], [sflag:$0x2] =	stream.indirect.gather [hbm4b:s6+s26], $0x40, s23, s26, $0xb8;
	[tilespmem:$0x1E900] =	vst v63  }
0xd7: {  	s17 =	simm.s32 $0x10500  }
0xd8: {  	[tilespmem:s31], [sflag:$0x3] =	stream.indirect.gather [hbm4b:s6+s26], $0x40, s17, s26, $0xb8;
	[tilespmem:$0x1E900] =	vst v63  }
0xd9: {  	s22 =	simm.s32 $0x10580  }
0xda: {  	[tilespmem:s1], [sflag:$0x4] =	stream.indirect.gather [hbm4b:s6+s26], $0x40, s22, s26, $0xb8;
	[tilespmem:$0x1E900] =	vst v63  }
0xdb: {  	_ =	swait.ge [sflag:s20], $0x2000  }
0xdc: {  	[sflag:s20] =	ssyncset.done $0x0  }
0xdd: {  	s23 =	simm.s32 $0xA000;
	[sflag:s20] =	ssyncadd.s32 $0xFFFFE000  }
0xde: {  	[spmem:s3] =	stream.indirect.scatter.add.f32 [tilespmem:s24], [sflag:$0x5], $0x40, s23, s26, $0xb8;
	[tilespmem:$0x1E900] =	vst v63  }
0xdf: {  	_ =	swait.ge [sflag:s28], $0x2000  }
0xe0: {  	[sflag:s28] =	ssyncset.done $0x0  }
0xe1: {  	s17 =	simm.s32 $0x10600;
	[sflag:s28] =	ssyncadd.s32 $0xFFFFE000  }
0xe2: {  	[tilespmem:s24], [sflag:$0x1] =	stream.indirect.gather [hbm4b:s6+s26], $0x40, s17, s26, $0xb8;
	[tilespmem:$0x1E900] =	vst v63  }
0xe3: {  	_ =	swait.ge [sflag:s30], $0x2000  }
0xe4: {  	[sflag:s30] =	ssyncset.done $0x0  }
0xe5: {  	s22 =	simm.s32 $0xA080;
	[sflag:s30] =	ssyncadd.s32 $0xFFFFE000  }
0xe6: {  	[spmem:s3] =	stream.indirect.scatter.add.f32 [tilespmem:s29], [sflag:$0x6], $0x40, s22, s26, $0xb8;
	[tilespmem:$0x1E900] =	vst v63  }
0xe7: {  	_ =	swait.ge [sflag:s2], $0x2000  }
0xe8: {  	[sflag:s2] =	ssyncset.done $0x0  }
0xe9: {  	s23 =	simm.s32 $0x10680;
	[sflag:s2] =	ssyncadd.s32 $0xFFFFE000  }
0xea: {  	[tilespmem:s29], [sflag:$0x2] =	stream.indirect.gather [hbm4b:s6+s26], $0x40, s23, s26, $0xb8;
	[tilespmem:$0x1E900] =	vst v63  }
0xeb: {  	_ =	swait.ge [sflag:s0], $0x2000  }
0xec: {  	[sflag:s0] =	ssyncset.done $0x0  }
0xed: {  	s17 =	simm.s32 $0xA100;
	[sflag:s0] =	ssyncadd.s32 $0xFFFFE000  }
0xee: {  	[spmem:s3] =	stream.indirect.scatter.add.f32 [tilespmem:s31], [sflag:$0x7], $0x40, s17, s26, $0xb8;
	[tilespmem:$0x1E900] =	vst v63  }
0xef: {  	_ =	swait.ge [sflag:s7], $0x2000  }
0xf0: {  	[sflag:s7] =	ssyncset.done $0x0  }
0xf1: {  	s22 =	simm.s32 $0x10700;
	[sflag:s7] =	ssyncadd.s32 $0xFFFFE000  }
0xf2: {  	[tilespmem:s31], [sflag:$0x3] =	stream.indirect.gather [hbm4b:s6+s26], $0x40, s22, s26, $0xb8;
	[tilespmem:$0x1E900] =	vst v63  }
0xf3: {  	_ =	swait.ge [sflag:s8], $0x2000  }
0xf4: {  	[sflag:s8] =	ssyncset.done $0x0  }
0xf5: {  	s23 =	simm.s32 $0xA180;
	[sflag:s8] =	ssyncadd.s32 $0xFFFFE000  }
0xf6: {  	[spmem:s3] =	stream.indirect.scatter.add.f32 [tilespmem:s1], [sflag:$0x8], $0x40, s23, s26, $0xb8;
	[tilespmem:$0x1E900] =	vst v63  }
0xf7: {  	_ =	swait.ge [sflag:s14], $0x2000  }
0xf8: {  	[sflag:s14] =	ssyncset.done $0x0  }
0xf9: {  	s16 =	simm.s32 $0x10780;
	s22 =	simm.s32 $0x800;
	[sflag:s14] =	ssyncadd.s32 $0xFFFFE000  }
.LBB2_14:
0xfa: {  	[tilespmem:s1], [sflag:$0x4] =	stream.indirect.gather [hbm4b:s6+s26], $0x40, s16, s26, $0xb8;
	[tilespmem:$0x1E900] =	vst v63  }
0xfb: {  	s16 =	smov.u32 s22  }
0xfc: {  	p1 =	sne.s32 s22, $0x18000;
	s22 =	sadd.s32 $0x800, s22;
	_ =	swait.ge [sflag:s20], $0x2000  }
0xfd: {  	s23 =	sshra.s32 s16, $0x2;
	[sflag:s20] =	ssyncset.done $0x0  }
0xfe: {  	s16 =	sadd.s32 $0xA000, s23;
	[sflag:s20] =	ssyncadd.s32 $0xFFFFE000  }
0xff: {  	[spmem:s3] =	stream.indirect.scatter.add.f32 [tilespmem:s24], [sflag:$0x5], $0x40, s16, s26, $0xb8;
	[tilespmem:$0x1E900] =	vst v63  }
0x100: {  	_ =	swait.ge [sflag:s28], $0x2000  }
0x101: {  	[sflag:s28] =	ssyncset.done $0x0  }
0x102: {  	s16 =	sadd.s32 $0x10600, s23;
	[sflag:s28] =	ssyncadd.s32 $0xFFFFE000  }
0x103: {  	[tilespmem:s24], [sflag:$0x1] =	stream.indirect.gather [hbm4b:s6+s26], $0x40, s16, s26, $0xb8;
	[tilespmem:$0x1E900] =	vst v63  }
0x104: {  	_ =	swait.ge [sflag:s30], $0x2000  }
0x105: {  	[sflag:s30] =	ssyncset.done $0x0  }
0x106: {  	s16 =	sadd.s32 $0xA080, s23;
	[sflag:s30] =	ssyncadd.s32 $0xFFFFE000  }
0x107: {  	[spmem:s3] =	stream.indirect.scatter.add.f32 [tilespmem:s29], [sflag:$0x6], $0x40, s16, s26, $0xb8;
	[tilespmem:$0x1E900] =	vst v63  }
0x108: {  	_ =	swait.ge [sflag:s2], $0x2000  }
0x109: {  	[sflag:s2] =	ssyncset.done $0x0  }
0x10a: {  	s16 =	sadd.s32 $0x10680, s23;
	[sflag:s2] =	ssyncadd.s32 $0xFFFFE000  }
0x10b: {  	[tilespmem:s29], [sflag:$0x2] =	stream.indirect.gather [hbm4b:s6+s26], $0x40, s16, s26, $0xb8;
	[tilespmem:$0x1E900] =	vst v63  }
0x10c: {  	_ =	swait.ge [sflag:s0], $0x2000  }
0x10d: {  	[sflag:s0] =	ssyncset.done $0x0  }
0x10e: {  	s16 =	sadd.s32 $0xA100, s23;
	[sflag:s0] =	ssyncadd.s32 $0xFFFFE000  }
0x10f: {  	[spmem:s3] =	stream.indirect.scatter.add.f32 [tilespmem:s31], [sflag:$0x7], $0x40, s16, s26, $0xb8;
	[tilespmem:$0x1E900] =	vst v63  }
0x110: {  	_ =	swait.ge [sflag:s7], $0x2000  }
0x111: {  	[sflag:s7] =	ssyncset.done $0x0  }
0x112: {  	s16 =	sadd.s32 $0x10700, s23;
	[sflag:s7] =	ssyncadd.s32 $0xFFFFE000  }
0x113: {  	[tilespmem:s31], [sflag:$0x3] =	stream.indirect.gather [hbm4b:s6+s26], $0x40, s16, s26, $0xb8;
	[tilespmem:$0x1E900] =	vst v63  }
0x114: {  	_ =	swait.ge [sflag:s8], $0x2000  }
0x115: {  	[sflag:s8] =	ssyncset.done $0x0  }
.Ltmp7:
0x116: {  	s16 =	sadd.s32 $0xA180, s23;
	[sflag:s8] =	ssyncadd.s32 $0xFFFFE000;
	(pc) =	sbr.rel @p1 .LBB2_14-.Ltmp7, $4  }
0x117: {  	[spmem:s3] =	stream.indirect.scatter.add.f32 [tilespmem:s1], [sflag:$0x8], $0x40, s16, s26, $0xb8;
	[tilespmem:$0x1E900] =	vst v63  }
0x118: {  	_ =	swait.ge [sflag:s14], $0x2000  }
0x119: {  	[sflag:s14] =	ssyncset.done $0x0  }
0x11a: {  	s16 =	sadd.s32 $0x10780, s23;
	[sflag:s14] =	ssyncadd.s32 $0xFFFFE000  }
.Ltmp8:
0x11b: {  	(pc) =	sbr.rel .LBB2_16-.Ltmp8, $2  }
0x11c: {  	_ =	sdelay $0x2  }
0x11d: {  	[tilespmem:s1], [sflag:$0x4] =	stream.indirect.gather [hbm4b:s6+s26], $0x40, s16, s26, $0xb8;
	[tilespmem:$0x1E900] =	vst v63  }
.LBB2_10:
0x11e: {  	[tilespmem:s24], [sflag:$0x1] =	stream.indirect.gather [hbm4b:s5+s26], $0x40, s16, s26, $0xb8;
	[tilespmem:$0x1E900] =	vst v63  }
0x11f: {  	s23 =	simm.s32 $0x10480  }
0x120: {  	[tilespmem:s29], [sflag:$0x2] =	stream.indirect.gather [hbm4b:s5+s26], $0x40, s23, s26, $0xb8;
	[tilespmem:$0x1E900] =	vst v63  }
0x121: {  	s17 =	simm.s32 $0x10500  }
0x122: {  	[tilespmem:s31], [sflag:$0x3] =	stream.indirect.gather [hbm4b:s5+s26], $0x40, s17, s26, $0xb8;
	[tilespmem:$0x1E900] =	vst v63  }
0x123: {  	s22 =	simm.s32 $0x10580  }
0x124: {  	[tilespmem:s1], [sflag:$0x4] =	stream.indirect.gather [hbm4b:s5+s26], $0x40, s22, s26, $0xb8;
	[tilespmem:$0x1E900] =	vst v63  }
0x125: {  	_ =	swait.ge [sflag:s20], $0x2000  }
0x126: {  	[sflag:s20] =	ssyncset.done $0x0  }
0x127: {  	s23 =	simm.s32 $0xA000;
	[sflag:s20] =	ssyncadd.s32 $0xFFFFE000  }
0x128: {  	[spmem:s3] =	stream.indirect.scatter.add.f32 [tilespmem:s24], [sflag:$0x5], $0x40, s23, s26, $0xb8;
	[tilespmem:$0x1E900] =	vst v63  }
0x129: {  	_ =	swait.ge [sflag:s28], $0x2000  }
0x12a: {  	[sflag:s28] =	ssyncset.done $0x0  }
0x12b: {  	s17 =	simm.s32 $0x10600;
	[sflag:s28] =	ssyncadd.s32 $0xFFFFE000  }
0x12c: {  	[tilespmem:s24], [sflag:$0x1] =	stream.indirect.gather [hbm4b:s5+s26], $0x40, s17, s26, $0xb8;
	[tilespmem:$0x1E900] =	vst v63  }
0x12d: {  	_ =	swait.ge [sflag:s30], $0x2000  }
0x12e: {  	[sflag:s30] =	ssyncset.done $0x0  }
0x12f: {  	s22 =	simm.s32 $0xA080;
	[sflag:s30] =	ssyncadd.s32 $0xFFFFE000  }
0x130: {  	[spmem:s3] =	stream.indirect.scatter.add.f32 [tilespmem:s29], [sflag:$0x6], $0x40, s22, s26, $0xb8;
	[tilespmem:$0x1E900] =	vst v63  }
0x131: {  	_ =	swait.ge [sflag:s2], $0x2000  }
0x132: {  	[sflag:s2] =	ssyncset.done $0x0  }
0x133: {  	s23 =	simm.s32 $0x10680;
	[sflag:s2] =	ssyncadd.s32 $0xFFFFE000  }
0x134: {  	[tilespmem:s29], [sflag:$0x2] =	stream.indirect.gather [hbm4b:s5+s26], $0x40, s23, s26, $0xb8;
	[tilespmem:$0x1E900] =	vst v63  }
0x135: {  	_ =	swait.ge [sflag:s0], $0x2000  }
0x136: {  	[sflag:s0] =	ssyncset.done $0x0  }
0x137: {  	s17 =	simm.s32 $0xA100;
	[sflag:s0] =	ssyncadd.s32 $0xFFFFE000  }
0x138: {  	[spmem:s3] =	stream.indirect.scatter.add.f32 [tilespmem:s31], [sflag:$0x7], $0x40, s17, s26, $0xb8;
	[tilespmem:$0x1E900] =	vst v63  }
0x139: {  	_ =	swait.ge [sflag:s7], $0x2000  }
0x13a: {  	[sflag:s7] =	ssyncset.done $0x0  }
0x13b: {  	s22 =	simm.s32 $0x10700;
	[sflag:s7] =	ssyncadd.s32 $0xFFFFE000  }
0x13c: {  	[tilespmem:s31], [sflag:$0x3] =	stream.indirect.gather [hbm4b:s5+s26], $0x40, s22, s26, $0xb8;
	[tilespmem:$0x1E900] =	vst v63  }
0x13d: {  	_ =	swait.ge [sflag:s8], $0x2000  }
0x13e: {  	[sflag:s8] =	ssyncset.done $0x0  }
0x13f: {  	s23 =	simm.s32 $0xA180;
	[sflag:s8] =	ssyncadd.s32 $0xFFFFE000  }
0x140: {  	[spmem:s3] =	stream.indirect.scatter.add.f32 [tilespmem:s1], [sflag:$0x8], $0x40, s23, s26, $0xb8;
	[tilespmem:$0x1E900] =	vst v63  }
0x141: {  	_ =	swait.ge [sflag:s14], $0x2000  }
0x142: {  	[sflag:s14] =	ssyncset.done $0x0  }
0x143: {  	s16 =	simm.s32 $0x10780;
	s22 =	simm.s32 $0x800;
	[sflag:s14] =	ssyncadd.s32 $0xFFFFE000  }
.LBB2_11:
0x144: {  	[tilespmem:s1], [sflag:$0x4] =	stream.indirect.gather [hbm4b:s5+s26], $0x40, s16, s26, $0xb8;
	[tilespmem:$0x1E900] =	vst v63  }
0x145: {  	s16 =	smov.u32 s22  }
0x146: {  	p1 =	seq.s32 s22, $0x18000;
	s22 =	sadd.s32 $0x800, s22;
	_ =	swait.ge [sflag:s20], $0x2000  }
0x147: {  	s23 =	sshra.s32 s16, $0x2;
	[sflag:s20] =	ssyncset.done $0x0  }
0x148: {  	s16 =	sadd.s32 $0xA000, s23;
	[sflag:s20] =	ssyncadd.s32 $0xFFFFE000  }
0x149: {  	[spmem:s3] =	stream.indirect.scatter.add.f32 [tilespmem:s24], [sflag:$0x5], $0x40, s16, s26, $0xb8;
	[tilespmem:$0x1E900] =	vst v63  }
0x14a: {  	_ =	swait.ge [sflag:s28], $0x2000  }
0x14b: {  	[sflag:s28] =	ssyncset.done $0x0  }
0x14c: {  	s16 =	sadd.s32 $0x10600, s23;
	[sflag:s28] =	ssyncadd.s32 $0xFFFFE000  }
0x14d: {  	[tilespmem:s24], [sflag:$0x1] =	stream.indirect.gather [hbm4b:s5+s26], $0x40, s16, s26, $0xb8;
	[tilespmem:$0x1E900] =	vst v63  }
0x14e: {  	_ =	swait.ge [sflag:s30], $0x2000  }
0x14f: {  	[sflag:s30] =	ssyncset.done $0x0  }
0x150: {  	s16 =	sadd.s32 $0xA080, s23;
	[sflag:s30] =	ssyncadd.s32 $0xFFFFE000  }
0x151: {  	[spmem:s3] =	stream.indirect.scatter.add.f32 [tilespmem:s29], [sflag:$0x6], $0x40, s16, s26, $0xb8;
	[tilespmem:$0x1E900] =	vst v63  }
0x152: {  	_ =	swait.ge [sflag:s2], $0x2000  }
0x153: {  	[sflag:s2] =	ssyncset.done $0x0  }
0x154: {  	s16 =	sadd.s32 $0x10680, s23;
	[sflag:s2] =	ssyncadd.s32 $0xFFFFE000  }
0x155: {  	[tilespmem:s29], [sflag:$0x2] =	stream.indirect.gather [hbm4b:s5+s26], $0x40, s16, s26, $0xb8;
	[tilespmem:$0x1E900] =	vst v63  }
0x156: {  	_ =	swait.ge [sflag:s0], $0x2000  }
0x157: {  	[sflag:s0] =	ssyncset.done $0x0  }
0x158: {  	s16 =	sadd.s32 $0xA100, s23;
	[sflag:s0] =	ssyncadd.s32 $0xFFFFE000  }
0x159: {  	[spmem:s3] =	stream.indirect.scatter.add.f32 [tilespmem:s31], [sflag:$0x7], $0x40, s16, s26, $0xb8;
	[tilespmem:$0x1E900] =	vst v63  }
0x15a: {  	_ =	swait.ge [sflag:s7], $0x2000  }
0x15b: {  	[sflag:s7] =	ssyncset.done $0x0  }
0x15c: {  	s16 =	sadd.s32 $0x10700, s23;
	[sflag:s7] =	ssyncadd.s32 $0xFFFFE000  }
0x15d: {  	[tilespmem:s31], [sflag:$0x3] =	stream.indirect.gather [hbm4b:s5+s26], $0x40, s16, s26, $0xb8;
	[tilespmem:$0x1E900] =	vst v63  }
0x15e: {  	_ =	swait.ge [sflag:s8], $0x2000  }
0x15f: {  	[sflag:s8] =	ssyncset.done $0x0  }
.Ltmp9:
0x160: {  	s16 =	sadd.s32 $0xA180, s23;
	[sflag:s8] =	ssyncadd.s32 $0xFFFFE000;
	(pc) =	sbr.rel @!p1 .LBB2_11-.Ltmp9, $4  }
0x161: {  	[spmem:s3] =	stream.indirect.scatter.add.f32 [tilespmem:s1], [sflag:$0x8], $0x40, s16, s26, $0xb8;
	[tilespmem:$0x1E900] =	vst v63  }
0x162: {  	_ =	swait.ge [sflag:s14], $0x2000  }
0x163: {  	[sflag:s14] =	ssyncset.done $0x0  }
0x164: {  	s16 =	sadd.s32 $0x10780, s23;
	[sflag:s14] =	ssyncadd.s32 $0xFFFFE000  }
.Ltmp10:
0x165: {  	_ = 	snop;
	(pc) =	sbr.rel .LBB2_12-.Ltmp10, $1  }
0x166: {  	_ =	sdelay $0x3  }
.LBB2_17:
0x167: {  	_ =	sfence.sel $0x180000  }
0x168: {  	[bflag:$0x0] =	sbarrier.arrive $0xFFFF  }
0x169: {  	_ =	strace $0x90000047  }
0x16a: {  	s0 =	stileid.u32;
	[bflag:$0x2] =	sbarrier.arrive $0xFFFF  }
0x16b: {  	p0 =	sne.s32 s0, $0x0;
	s0 =	rddreg [dreg:$0x4]  }
0x16c: {  	s0 =	sadd.s32 @!p0 $0x100000, s0  }
0x16d: {  	[sflag:s0] =	ssyncadd.tile.s32 @!p0 $0x1;
	_ =	shalt  }
.Lfunc_end2:
_tile_overlayer_lowered:
.L_overlay_start_2:
0x16e: {  	(tag) =	ssettag $0x2  }
0x16f: {  	s0 =	rddreg [dreg:$0x0];
	s2 =	stileid.u32  }
0x170: {  	s1 =	rddreg [dreg:$0x1];
	p0 =	sne.s32 s2, $0x0  }
0x171: {  	s3 =	rddreg [dreg:$0x2];
	[bflag:$0x3] =	sbarrier.arrive $0xFFFF;
	s2 =	simm.s32 @!p0 $0x1C09  }
0x172: {  	[timem:s3], [sflag:s2] =	dma.local @!p0 [hbm:s0], s1  }
0x173: {  	s0 =	simm.s32 @!p0 $0x9  }
0x174: {  	_ =	swait.ge @!p0 [sflag:s0], s1  }
0x175: {  	s1 =	ssub.s32 @!p0 $0x0, s1;
	[sflag:s0] =	ssyncset.done @!p0 $0x0  }
0x176: {  	[sflag:s0] =	ssyncadd.s32 @!p0 s1  }
0x177: {  	[bflag:$0x3] =	sbarrier.arrive $0xFFFF  }
0x178: {  	_ =	shalt  }

</sc_bundles>
